<compile_context>
chip_gen: v7x
topology: tpu7x:2x2x1
jax: 0.10.2.dev20260603
libtpu: 0.0.44.dev20260713+nightly
codegen_flags: <defaults>
</compile_context>

<pallas_src>
import functools

import jax
import jax.numpy as jnp
from jax import lax
from jax.experimental import pallas as pl
from jax.experimental.pallas import tpu as pltpu
from jax.experimental.pallas import tpu_sc as plsc

_F32_MAX_BITS = 0x7F7FFFFF


def _mm(a, b):
    return lax.dot_general(
        a, b, (((1,), (0,)), ((), ())),
        precision=lax.Precision.DEFAULT,
        preferred_element_type=jnp.float32,
    )


def _gram(a, b):
    return lax.dot_general(
        a, b, (((1,), (1,)), ((), ())),
        precision=lax.Precision.DEFAULT,
        preferred_element_type=jnp.float32,
    )


def _topk_mask(S, k, lo_ref, hi_ref, clo_ref, chi_ref):
    assert k <= 64
    n = S.shape[1]
    g = S
    while g.shape[1] > 64:
        half = g.shape[1] // 2
        g = jnp.maximum(g[:, :half], g[:, half:])
    lo0 = lax.bitcast_convert_type(jnp.min(g, axis=1, keepdims=True), jnp.int32)
    hi0 = lax.bitcast_convert_type(jnp.max(g, axis=1, keepdims=True), jnp.int32)
    lo_ref[...] = lo0
    hi_ref[...] = hi0
    clo_ref[...] = jnp.full(lo0.shape, float(n), jnp.float32)
    chi_ref[...] = jnp.zeros(lo0.shape, jnp.float32)

    def probe(lo, hi, clo, chi, mid):
        t = lax.bitcast_convert_type(mid, jnp.float32)
        cnt = jnp.sum((S >= t).astype(jnp.float32), axis=1, keepdims=True)
        ge = cnt >= float(k)
        eq = cnt == float(k)
        new_lo = jnp.where(ge, mid, lo)
        new_hi = jnp.where(eq, mid, jnp.where(ge, hi, mid - 1))
        new_clo = jnp.where(ge, cnt, clo)
        new_chi = jnp.where(ge, chi, cnt)
        return new_lo, new_hi, new_clo, new_chi

    def body(_):
        lo, hi = lo_ref[...], hi_ref[...]
        clo, chi = clo_ref[...], chi_ref[...]
        mid = lo + (hi - lo + 1) // 2
        lo, hi, clo, chi = probe(lo, hi, clo, chi, mid)
        span = (hi - lo + 1).astype(jnp.float32)
        off = (clo - float(k)) / (clo - chi) * span
        offi = jnp.clip(off.astype(jnp.int32), 1, jnp.maximum(hi - lo, 1))
        lo, hi, clo, chi = probe(lo, hi, clo, chi, lo + offi)
        lo_ref[...], hi_ref[...] = lo, hi
        clo_ref[...], chi_ref[...] = clo, chi
        return jnp.max(hi - lo) > 0

    lax.while_loop(lambda c: c, body, jnp.max(hi0 - lo0) > 0)
    t = lax.bitcast_convert_type(lo_ref[...], jnp.float32)
    return jnp.where(S >= t, S, 0.0)


def _embed_body(x_ref, w1_ref, b1_ref, w2_ref, b2_ref, h_ref):
    h = jax.nn.relu(_mm(x_ref[0], w1_ref[...]) + b1_ref[...])
    h_ref[0] = jax.nn.relu(_mm(h, w2_ref[...]) + b2_ref[...])


def _msgpass_body(hrows_ref, hfull_ref, wu_ref, wm_ref, out_ref,
                  lo_ref, hi_ref, clo_ref, chi_ref, *, k):
    hr = hrows_ref[0]
    hb = hfull_ref[0]
    A = _topk_mask(_gram(hr, hb), k, lo_ref, hi_ref, clo_ref, chi_ref)
    m = _mm(A, hb)
    out_ref[0] = jax.nn.relu(_mm(hr, wu_ref[...]) + _mm(m, wm_ref[...]))


def _final_body(hrows_ref, hfull_ref, out_ref,
                lo_ref, hi_ref, clo_ref, chi_ref, *, k):
    out_ref[0] = _topk_mask(_gram(hrows_ref[0], hfull_ref[0]), k,
                            lo_ref, hi_ref, clo_ref, chi_ref)


def _gram_body(hrows_ref, hfull_ref, out_ref):
    out_ref[0] = _gram(hrows_ref[0], hfull_ref[0])


def _mask_body(s_ref, t_ref, out_ref):
    s = s_ref[0]
    keep = lax.bitcast_convert_type(s, jnp.int32) >= t_ref[0]
    out_ref[0] = jnp.where(keep, s, 0.0)


def _sc_threshold_bits(sbits, k):
    rows, n = sbits.shape
    info = plsc.get_sparse_core_info()
    nw = info.num_cores * info.num_subcores
    rows_w = rows // nw
    chunk = 16
    nvr = n // 16
    mesh = plsc.VectorSubcoreMesh(core_axis_name="c", subcore_axis_name="s")

    def tree_reduce(v, op):
        lane = lax.iota(jnp.int32, 16)
        for s in (8, 4, 2, 1):
            v = op(v, v.at[lane ^ s].get(mode="promise_in_bounds",
                                         unique_indices=True))
        return v[0]

    @functools.partial(
        pl.kernel, mesh=mesh,
        out_type=jax.ShapeDtypeStruct((rows,), jnp.int32),
        scratch_types=[pltpu.VMEM((chunk, n), jnp.int32),
                       pltpu.VMEM((chunk,), jnp.int32),
                       pltpu.VMEM((4, 16), jnp.int32),
                       pltpu.SMEM((2,), jnp.int32)],
    )
    def thr_kernel(s_hbm, out_hbm, buf_v, thr_v, bnd_v, lh_s):
        wid = lax.axis_index("s") * info.num_cores + lax.axis_index("c")
        base = wid * rows_w

        def chunk_body(ci, _):
            row0 = base + ci * chunk
            pltpu.sync_copy(s_hbm.at[pl.ds(row0, chunk)], buf_v)

            def row_body(ri, _):
                for q in range(4):
                    bnd_v[q] = buf_v[ri, pl.ds(q * 16, 16)]

                def fold(j, c):
                    s = j * 64
                    for q in range(4):
                        bnd_v[q] = jnp.maximum(
                            bnd_v[q], buf_v[ri, pl.ds(s + q * 16, 16)])
                    return c

                lax.fori_loop(1, nvr // 4, fold, 0)
                mx = jnp.maximum(jnp.maximum(bnd_v[0], bnd_v[1]),
                                 jnp.maximum(bnd_v[2], bnd_v[3]))
                mn = jnp.minimum(jnp.minimum(bnd_v[0], bnd_v[1]),
                                 jnp.minimum(bnd_v[2], bnd_v[3]))
                lh_s[0] = tree_reduce(mn, jnp.minimum)
                lh_s[1] = tree_reduce(mx, jnp.maximum)

                def pbody(i, c):
                    @pl.when(lh_s[1] > lh_s[0])
                    def _():
                        lo = lh_s[0]
                        hi = lh_s[1]
                        mid = lo + (hi - lo + 1) // 2
                        cv = jnp.zeros((16,), jnp.int32)
                        for j in range(nvr):
                            cv = cv + jnp.where(
                                buf_v[ri, pl.ds(j * 16, 16)] >= mid, 1, 0)
                        cnt = tree_reduce(cv, jnp.add)
                        ge = cnt >= k
                        eq = cnt == k
                        lh_s[0] = jnp.where(ge, mid, lo)
                        lh_s[1] = jnp.where(eq, mid,
                                            jnp.where(ge, hi, mid - 1))
                    return c

                lax.fori_loop(0, 31, pbody, 0)
                lane = lax.iota(jnp.int32, 16)
                thr_v[...] = jnp.where(lane == ri, lh_s[0], thr_v[...])
                return 0

            lax.fori_loop(0, chunk, row_body, 0)
            pltpu.sync_copy(thr_v, out_hbm.at[pl.ds(row0, chunk)])
            return 0

        lax.fori_loop(0, rows_w // chunk, chunk_body, 0)

    return thr_kernel(sbits)


def kernel(x, W_emb1, b_emb1, W_emb2, b_emb2, W_msg, W_upd):
    bs, n, f = x.shape
    hid = W_emb1.shape[1]
    iters = W_msg.shape[0]
    k = 50
    r = min(512, n)
    rb = n // r

    b1 = b_emb1.reshape(1, hid)
    b2 = b_emb2.reshape(1, hid)

    h = pl.pallas_call(
        _embed_body,
        grid=(bs,),
        in_specs=[
            pl.BlockSpec((1, n, f), lambda b: (b, 0, 0)),
            pl.BlockSpec((f, hid), lambda b: (0, 0)),
            pl.BlockSpec((1, hid), lambda b: (0, 0)),
            pl.BlockSpec((hid, hid), lambda b: (0, 0)),
            pl.BlockSpec((1, hid), lambda b: (0, 0)),
        ],
        out_specs=pl.BlockSpec((1, n, hid), lambda b: (b, 0, 0)),
        out_shape=jax.ShapeDtypeStruct((bs, n, hid), jnp.float32),
    )(x, W_emb1, b1, W_emb2, b2)

    for i in range(iters):
        h = pl.pallas_call(
            functools.partial(_msgpass_body, k=k),
            grid=(bs, rb),
            in_specs=[
                pl.BlockSpec((1, r, hid), lambda b, j: (b, j, 0)),
                pl.BlockSpec((1, n, hid), lambda b, j: (b, 0, 0)),
                pl.BlockSpec((hid, hid), lambda b, j: (0, 0)),
                pl.BlockSpec((hid, hid), lambda b, j: (0, 0)),
            ],
            out_specs=pl.BlockSpec((1, r, hid), lambda b, j: (b, j, 0)),
            out_shape=jax.ShapeDtypeStruct((bs, n, hid), jnp.float32),
            scratch_shapes=[pltpu.VMEM((r, 1), jnp.int32),
                            pltpu.VMEM((r, 1), jnp.int32),
                            pltpu.VMEM((r, 1), jnp.float32),
                            pltpu.VMEM((r, 1), jnp.float32)],
        )(h, h, W_upd[i], W_msg[i])

    S = pl.pallas_call(
        _gram_body,
        grid=(bs, rb),
        in_specs=[
            pl.BlockSpec((1, r, hid), lambda b, j: (b, j, 0)),
            pl.BlockSpec((1, n, hid), lambda b, j: (b, 0, 0)),
        ],
        out_specs=pl.BlockSpec((1, r, n), lambda b, j: (b, j, 0)),
        out_shape=jax.ShapeDtypeStruct((bs, n, n), jnp.float32),
    )(h, h)

    sbits = lax.bitcast_convert_type(S, jnp.int32).reshape(bs * n, n)
    tbits = _sc_threshold_bits(sbits, k)

    return pl.pallas_call(
        _mask_body,
        grid=(bs, rb),
        in_specs=[
            pl.BlockSpec((1, r, n), lambda b, j: (b, j, 0)),
            pl.BlockSpec((1, r, 1), lambda b, j: (b, j, 0)),
        ],
        out_specs=pl.BlockSpec((1, r, n), lambda b, j: (b, j, 0)),
        out_shape=jax.ShapeDtypeStruct((bs, n, n), jnp.float32),
    )(S, tbits.reshape(bs, n, 1))

# --- scband reference (transcript-rebuilt; emitter-appended) ---
"""Pipeline reference for scband-sparse-graph-gen-14499809591643 (READ-ONLY COPY).

The authoritative reference and input builder live on the scoring server;
editing this copy changes nothing except your own understanding.
"""

import jax, jax.numpy as jnp
import numpy as np

FEATURES = 128
HIDDEN = 256
ITERS = 2
K = 50
BS = 4
N = 2048


def setup_inputs(seed: int = 0) -> dict:
    key = jax.random.key(seed)
    ks = jax.random.split(key, 7)
    x = jax.random.normal(ks[0], (BS, N, FEATURES), dtype=jnp.float32)
    W_emb1 = jax.random.normal(ks[1], (FEATURES, HIDDEN), dtype=jnp.float32) * (1.0 / np.sqrt(FEATURES))
    b_emb1 = jnp.zeros((HIDDEN,), dtype=jnp.float32)
    W_emb2 = jax.random.normal(ks[2], (HIDDEN, HIDDEN), dtype=jnp.float32) * (1.0 / np.sqrt(HIDDEN))
    b_emb2 = jnp.zeros((HIDDEN,), dtype=jnp.float32)
    W_msg = jax.random.normal(ks[3], (ITERS, HIDDEN, HIDDEN), dtype=jnp.float32) * (1.0 / np.sqrt(HIDDEN))
    W_upd = jax.random.normal(ks[4], (ITERS, HIDDEN, HIDDEN), dtype=jnp.float32) * (1.0 / np.sqrt(HIDDEN))
    return {
        "x": x,
        "W_emb1": W_emb1,
        "b_emb1": b_emb1,
        "W_emb2": W_emb2,
        "b_emb2": b_emb2,
        "W_msg": W_msg,
        "W_upd": W_upd,
    }


def sparse_topk_dense(S, k):
    # Faithful to torch sparse_topk: keep the top-k entries per row (by value),
    # zero elsewhere. (Original builds a torch.sparse tensor; densified here.)
    vals, idx = jax.lax.top_k(S, k)
    bs, n, _ = S.shape
    b = jnp.arange(bs)[:, None, None]
    r = jnp.arange(n)[None, :, None]
    out = jnp.zeros_like(S)
    out = out.at[b, r, idx].set(vals)
    return out


def reference(x, W_emb1, b_emb1, W_emb2, b_emb2, W_msg, W_upd):
    # Embedding: emb_init=2 dense layers with relu activation
    h = jax.nn.relu(x @ W_emb1 + b_emb1)
    h = jax.nn.relu(h @ W_emb2 + b_emb2)
    # Message-passing iterations with sparse top-k adjacency from h h^T
    for i in range(ITERS):
        S = jnp.einsum('bnd,bmd->bnm', h, h)
        A = sparse_topk_dense(S, K)
        m = jnp.einsum('bnm,bmd->bnd', A, h)
        h = jax.nn.relu(h @ W_upd[i] + m @ W_msg[i])
    S = jnp.einsum('bnd,bmd->bnm', h, h)
    A = sparse_topk_dense(S, K)
    return A

if __name__ == "__main__":
    import jax
    _d = setup_inputs()
    print(jax.jit(kernel)(*tuple(_d.values())))

</pallas_src>

<mosaic_0001>
#map = affine_map<(d0, d1) -> (0, 0)>
#map1 = affine_map<(d0, d1) -> (0)>
module attributes {stable_mosaic.version = 14 : i64} {
  func.func @thr_kernel(%arg0: i32, %arg1: i32, %arg2: memref<8192x2048xi32, #tpu.memory_space<hbm>>, %arg3: memref<8192xi32, #tpu.memory_space<hbm>>, %arg4: memref<16x2048xi32, #tpu.memory_space<vmem>>, %arg5: memref<16xi32, #tpu.memory_space<vmem>>, %arg6: memref<4x16xi32, #tpu.memory_space<vmem>>, %arg7: memref<2xi32, #tpu.memory_space<smem>>) attributes {dimension_semantics = [#tpu.dimension_semantics<core_parallel>, #tpu.dimension_semantics<subcore_parallel>], iteration_bounds = array<i64: 2, 16>, scalar_prefetch = 0 : i64, scratch_operands = 4 : i64, tpu.core_type = #tpu.core_type<sc_vector_subcore>, window_params = [{transform_indices = #map}, {transform_indices = #map1}]} {
    %mul3A = arith.constant 2 : i32
    %mul3A_0 = arith.muli %arg1, %mul3A : i32
    %add3A = arith.addi %mul3A_0, %arg0 : i32
    %mul3A_1 = arith.constant 256 : i32
    %mul3A_2 = arith.muli %add3A, %mul3A_1 : i32
    %scan3A = arith.constant 0 : i32
    %scan3A_3 = arith.constant 0 : i32
    %scan3A_4 = arith.constant 16 : i32
    %scan3A_5 = arith.addi %scan3A_3, %scan3A_4 : i32
    %scan3A_6 = arith.constant 1 : i32
    %scan3A_7 = scf.for %scan3A_9 = %scan3A_3 to %scan3A_5 step %scan3A_6 iter_args(%scan3A_10 = %scan3A) -> (i32)  : i32 {
      %mul3A_11 = arith.constant 16 : i32
      %mul3A_12 = arith.muli %scan3A_9, %mul3A_11 : i32
      %add3A_13 = arith.addi %mul3A_2, %mul3A_12 : i32
      "tpu.region"() ({
        %run_scoped3A = tpu.sem_alloc : memref<!tpu.dma_semaphore, #tpu.memory_space<semaphore_mem>>
        %dma_start3A = arith.constant 0 : i32
        %dma_start3A_22 = tpu.memref_slice %arg2[%add3A_13, %dma_start3A] : memref<8192x2048xi32, #tpu.memory_space<hbm>> -> memref<16x2048xi32, #tpu.memory_space<hbm>>
        %dma_start3A_23 = arith.constant 0 : i32
        %dma_start3A_24 = tpu.memref_slice %arg2[%add3A_13, %dma_start3A_23] : memref<8192x2048xi32, #tpu.memory_space<hbm>> -> memref<16x2048xi32, #tpu.memory_space<hbm>>
        tpu.enqueue_dma source(%dma_start3A_24 : memref<16x2048xi32, #tpu.memory_space<hbm>>) target(%arg4 : memref<16x2048xi32, #tpu.memory_space<vmem>>) target_semaphore(%run_scoped3A : memref<!tpu.dma_semaphore, #tpu.memory_space<semaphore_mem>>)
        %dma_wait3A = arith.constant 0 : i32
        %dma_wait3A_25 = tpu.memref_slice %arg2[%add3A_13, %dma_wait3A] : memref<8192x2048xi32, #tpu.memory_space<hbm>> -> memref<16x2048xi32, #tpu.memory_space<hbm>>
        %dma_wait3A_26 = arith.constant 0 : i32
        %dma_wait3A_27 = tpu.memref_slice %arg2[%add3A_13, %dma_wait3A_26] : memref<8192x2048xi32, #tpu.memory_space<hbm>> -> memref<16x2048xi32, #tpu.memory_space<hbm>>
        tpu.wait_dma2 semaphore(%run_scoped3A : memref<!tpu.dma_semaphore, #tpu.memory_space<semaphore_mem>>) src(%dma_wait3A_27 : memref<16x2048xi32, #tpu.memory_space<hbm>>) dst(%arg4 : memref<16x2048xi32, #tpu.memory_space<vmem>>)
        tpu.yield
      }) : () -> ()
      %scan3A_14 = arith.constant 0 : i32
      %scan3A_15 = arith.constant 0 : i32
      %scan3A_16 = arith.constant 16 : i32
      %scan3A_17 = arith.addi %scan3A_15, %scan3A_16 : i32
      %scan3A_18 = arith.constant 1 : i32
      %scan3A_19 = scf.for %scan3A_22 = %scan3A_15 to %scan3A_17 step %scan3A_18 iter_args(%scan3A_23 = %scan3A_14) -> (i32)  : i32 {
        %get3A = arith.index_cast %scan3A_22 : i32 to index
        %get3A_24 = arith.constant 0 : index
        %get3A_25 = tpu.vector_load %arg4[%get3A, %get3A_24] {strides = array<i32>} : memref<16x2048xi32, #tpu.memory_space<vmem>>, vector<1x16xi32>,
        %get3A_26 = vector.shape_cast %get3A_25 : vector<1x16xi32> to vector<16xi32>
        %swap3A = arith.constant 0 : i32
        %swap3A_27 = arith.index_cast %swap3A : i32 to index
        %swap3A_28 = arith.constant 0 : index
        %swap3A_29 = tpu.vector_load %arg6[%swap3A_27, %swap3A_28] {strides = array<i32>} : memref<4x16xi32, #tpu.memory_space<vmem>>, vector<1x16xi32>,
        %swap3A_30 = vector.shape_cast %swap3A_29 : vector<1x16xi32> to vector<16xi32>
        %swap3A_31 = vector.shape_cast %get3A_26 : vector<16xi32> to vector<1x16xi32>
        tpu.vector_store %arg6[%swap3A_27, %swap3A_28], %swap3A_31 {strides = array<i32>} : memref<4x16xi32, #tpu.memory_space<vmem>>, vector<1x16xi32>,
        %get3A_32 = arith.index_cast %scan3A_22 : i32 to index
        %get3A_33 = arith.constant 16 : index
        %get3A_34 = tpu.vector_load %arg4[%get3A_32, %get3A_33] {strides = array<i32>} : memref<16x2048xi32, #tpu.memory_space<vmem>>, vector<1x16xi32>,
        %get3A_35 = vector.shape_cast %get3A_34 : vector<1x16xi32> to vector<16xi32>
        %swap3A_36 = arith.constant 1 : i32
        %swap3A_37 = arith.index_cast %swap3A_36 : i32 to index
        %swap3A_38 = arith.constant 0 : index
        %swap3A_39 = tpu.vector_load %arg6[%swap3A_37, %swap3A_38] {strides = array<i32>} : memref<4x16xi32, #tpu.memory_space<vmem>>, vector<1x16xi32>,
        %swap3A_40 = vector.shape_cast %swap3A_39 : vector<1x16xi32> to vector<16xi32>
        %swap3A_41 = vector.shape_cast %get3A_35 : vector<16xi32> to vector<1x16xi32>
        tpu.vector_store %arg6[%swap3A_37, %swap3A_38], %swap3A_41 {strides = array<i32>} : memref<4x16xi32, #tpu.memory_space<vmem>>, vector<1x16xi32>,
        %get3A_42 = arith.index_cast %scan3A_22 : i32 to index
        %get3A_43 = arith.constant 32 : index
        %get3A_44 = tpu.vector_load %arg4[%get3A_42, %get3A_43] {strides = array<i32>} : memref<16x2048xi32, #tpu.memory_space<vmem>>, vector<1x16xi32>,
        %get3A_45 = vector.shape_cast %get3A_44 : vector<1x16xi32> to vector<16xi32>
        %swap3A_46 = arith.constant 2 : i32
        %swap3A_47 = arith.index_cast %swap3A_46 : i32 to index
        %swap3A_48 = arith.constant 0 : index
        %swap3A_49 = tpu.vector_load %arg6[%swap3A_47, %swap3A_48] {strides = array<i32>} : memref<4x16xi32, #tpu.memory_space<vmem>>, vector<1x16xi32>,
        %swap3A_50 = vector.shape_cast %swap3A_49 : vector<1x16xi32> to vector<16xi32>
        %swap3A_51 = vector.shape_cast %get3A_45 : vector<16xi32> to vector<1x16xi32>
        tpu.vector_store %arg6[%swap3A_47, %swap3A_48], %swap3A_51 {strides = array<i32>} : memref<4x16xi32, #tpu.memory_space<vmem>>, vector<1x16xi32>,
        %get3A_52 = arith.index_cast %scan3A_22 : i32 to index
        %get3A_53 = arith.constant 48 : index
        %get3A_54 = tpu.vector_load %arg4[%get3A_52, %get3A_53] {strides = array<i32>} : memref<16x2048xi32, #tpu.memory_space<vmem>>, vector<1x16xi32>,
        %get3A_55 = vector.shape_cast %get3A_54 : vector<1x16xi32> to vector<16xi32>
        %swap3A_56 = arith.constant 3 : i32
        %swap3A_57 = arith.index_cast %swap3A_56 : i32 to index
        %swap3A_58 = arith.constant 0 : index
        %swap3A_59 = tpu.vector_load %arg6[%swap3A_57, %swap3A_58] {strides = array<i32>} : memref<4x16xi32, #tpu.memory_space<vmem>>, vector<1x16xi32>,
        %swap3A_60 = vector.shape_cast %swap3A_59 : vector<1x16xi32> to vector<16xi32>
        %swap3A_61 = vector.shape_cast %get3A_55 : vector<16xi32> to vector<1x16xi32>
        tpu.vector_store %arg6[%swap3A_57, %swap3A_58], %swap3A_61 {strides = array<i32>} : memref<4x16xi32, #tpu.memory_space<vmem>>, vector<1x16xi32>,
        %scan3A_62 = arith.constant 0 : i32
        %scan3A_63 = arith.constant 1 : i32
        %scan3A_64 = arith.constant 31 : i32
        %scan3A_65 = arith.addi %scan3A_63, %scan3A_64 : i32
        %scan3A_66 = arith.constant 1 : i32
        scf.for %scan3A_249 = %scan3A_63 to %scan3A_65 step %scan3A_66  : i32 {
          %mul3A_250 = arith.constant 64 : i32
          %mul3A_251 = arith.muli %scan3A_249, %mul3A_250 : i32
          %get3A_252 = arith.constant 0 : i32
          %get3A_253 = arith.index_cast %get3A_252 : i32 to index
          %get3A_254 = arith.constant 0 : index
          %get3A_255 = tpu.vector_load %arg6[%get3A_253, %get3A_254] {strides = array<i32>} : memref<4x16xi32, #tpu.memory_space<vmem>>, vector<1x16xi32>,
          %get3A_256 = vector.shape_cast %get3A_255 : vector<1x16xi32> to vector<16xi32>
          %add3A_257 = arith.constant 0 : i32
          %add3A_258 = arith.addi %mul3A_251, %add3A_257 : i32
          %get3A_259 = arith.index_cast %scan3A_22 : i32 to index
          %get3A_260 = arith.index_cast %add3A_258 : i32 to index
          %get3A_261 = tpu.vector_load %arg4[%get3A_259, %get3A_260] {strides = array<i32>} : memref<16x2048xi32, #tpu.memory_space<vmem>>, vector<1x16xi32>,
          %get3A_262 = vector.shape_cast %get3A_261 : vector<1x16xi32> to vector<16xi32>
          %max3A_263 = arith.maxsi %get3A_256, %get3A_262 : vector<16xi32>
          %swap3A_264 = arith.constant 0 : i32
          %swap3A_265 = arith.index_cast %swap3A_264 : i32 to index
          %swap3A_266 = arith.constant 0 : index
          %swap3A_267 = tpu.vector_load %arg6[%swap3A_265, %swap3A_266] {strides = array<i32>} : memref<4x16xi32, #tpu.memory_space<vmem>>, vector<1x16xi32>,
          %swap3A_268 = vector.shape_cast %swap3A_267 : vector<1x16xi32> to vector<16xi32>
          %swap3A_269 = vector.shape_cast %max3A_263 : vector<16xi32> to vector<1x16xi32>
          tpu.vector_store %arg6[%swap3A_265, %swap3A_266], %swap3A_269 {strides = array<i32>} : memref<4x16xi32, #tpu.memory_space<vmem>>, vector<1x16xi32>,
          %get3A_270 = arith.constant 1 : i32
          %get3A_271 = arith.index_cast %get3A_270 : i32 to index
          %get3A_272 = arith.constant 0 : index
          %get3A_273 = tpu.vector_load %arg6[%get3A_271, %get3A_272] {strides = array<i32>} : memref<4x16xi32, #tpu.memory_space<vmem>>, vector<1x16xi32>,
          %get3A_274 = vector.shape_cast %get3A_273 : vector<1x16xi32> to vector<16xi32>
          %add3A_275 = arith.constant 16 : i32
          %add3A_276 = arith.addi %mul3A_251, %add3A_275 : i32
          %get3A_277 = arith.index_cast %scan3A_22 : i32 to index
          %get3A_278 = arith.index_cast %add3A_276 : i32 to index
          %get3A_279 = tpu.vector_load %arg4[%get3A_277, %get3A_278] {strides = array<i32>} : memref<16x2048xi32, #tpu.memory_space<vmem>>, vector<1x16xi32>,
          %get3A_280 = vector.shape_cast %get3A_279 : vector<1x16xi32> to vector<16xi32>
          %max3A_281 = arith.maxsi %get3A_274, %get3A_280 : vector<16xi32>
          %swap3A_282 = arith.constant 1 : i32
          %swap3A_283 = arith.index_cast %swap3A_282 : i32 to index
          %swap3A_284 = arith.constant 0 : index
          %swap3A_285 = tpu.vector_load %arg6[%swap3A_283, %swap3A_284] {strides = array<i32>} : memref<4x16xi32, #tpu.memory_space<vmem>>, vector<1x16xi32>,
          %swap3A_286 = vector.shape_cast %swap3A_285 : vector<1x16xi32> to vector<16xi32>
          %swap3A_287 = vector.shape_cast %max3A_281 : vector<16xi32> to vector<1x16xi32>
          tpu.vector_store %arg6[%swap3A_283, %swap3A_284], %swap3A_287 {strides = array<i32>} : memref<4x16xi32, #tpu.memory_space<vmem>>, vector<1x16xi32>,
          %get3A_288 = arith.constant 2 : i32
          %get3A_289 = arith.index_cast %get3A_288 : i32 to index
          %get3A_290 = arith.constant 0 : index
          %get3A_291 = tpu.vector_load %arg6[%get3A_289, %get3A_290] {strides = array<i32>} : memref<4x16xi32, #tpu.memory_space<vmem>>, vector<1x16xi32>,
          %get3A_292 = vector.shape_cast %get3A_291 : vector<1x16xi32> to vector<16xi32>
          %add3A_293 = arith.constant 32 : i32
          %add3A_294 = arith.addi %mul3A_251, %add3A_293 : i32
          %get3A_295 = arith.index_cast %scan3A_22 : i32 to index
          %get3A_296 = arith.index_cast %add3A_294 : i32 to index
          %get3A_297 = tpu.vector_load %arg4[%get3A_295, %get3A_296] {strides = array<i32>} : memref<16x2048xi32, #tpu.memory_space<vmem>>, vector<1x16xi32>,
          %get3A_298 = vector.shape_cast %get3A_297 : vector<1x16xi32> to vector<16xi32>
          %max3A_299 = arith.maxsi %get3A_292, %get3A_298 : vector<16xi32>
          %swap3A_300 = arith.constant 2 : i32
          %swap3A_301 = arith.index_cast %swap3A_300 : i32 to index
          %swap3A_302 = arith.constant 0 : index
          %swap3A_303 = tpu.vector_load %arg6[%swap3A_301, %swap3A_302] {strides = array<i32>} : memref<4x16xi32, #tpu.memory_space<vmem>>, vector<1x16xi32>,
          %swap3A_304 = vector.shape_cast %swap3A_303 : vector<1x16xi32> to vector<16xi32>
          %swap3A_305 = vector.shape_cast %max3A_299 : vector<16xi32> to vector<1x16xi32>
          tpu.vector_store %arg6[%swap3A_301, %swap3A_302], %swap3A_305 {strides = array<i32>} : memref<4x16xi32, #tpu.memory_space<vmem>>, vector<1x16xi32>,
          %get3A_306 = arith.constant 3 : i32
          %get3A_307 = arith.index_cast %get3A_306 : i32 to index
          %get3A_308 = arith.constant 0 : index
          %get3A_309 = tpu.vector_load %arg6[%get3A_307, %get3A_308] {strides = array<i32>} : memref<4x16xi32, #tpu.memory_space<vmem>>, vector<1x16xi32>,
          %get3A_310 = vector.shape_cast %get3A_309 : vector<1x16xi32> to vector<16xi32>
          %add3A_311 = arith.constant 48 : i32
          %add3A_312 = arith.addi %mul3A_251, %add3A_311 : i32
          %get3A_313 = arith.index_cast %scan3A_22 : i32 to index
          %get3A_314 = arith.index_cast %add3A_312 : i32 to index
          %get3A_315 = tpu.vector_load %arg4[%get3A_313, %get3A_314] {strides = array<i32>} : memref<16x2048xi32, #tpu.memory_space<vmem>>, vector<1x16xi32>,
          %get3A_316 = vector.shape_cast %get3A_315 : vector<1x16xi32> to vector<16xi32>
          %max3A_317 = arith.maxsi %get3A_310, %get3A_316 : vector<16xi32>
          %swap3A_318 = arith.constant 3 : i32
          %swap3A_319 = arith.index_cast %swap3A_318 : i32 to index
          %swap3A_320 = arith.constant 0 : index
          %swap3A_321 = tpu.vector_load %arg6[%swap3A_319, %swap3A_320] {strides = array<i32>} : memref<4x16xi32, #tpu.memory_space<vmem>>, vector<1x16xi32>,
          %swap3A_322 = vector.shape_cast %swap3A_321 : vector<1x16xi32> to vector<16xi32>
          %swap3A_323 = vector.shape_cast %max3A_317 : vector<16xi32> to vector<1x16xi32>
          tpu.vector_store %arg6[%swap3A_319, %swap3A_320], %swap3A_323 {strides = array<i32>} : memref<4x16xi32, #tpu.memory_space<vmem>>, vector<1x16xi32>,
        }
        %scan3A_67 = arith.constant 31 : i32
        %get3A_68 = arith.constant 0 : i32
        %get3A_69 = arith.index_cast %get3A_68 : i32 to index
        %get3A_70 = arith.constant 0 : index
        %get3A_71 = tpu.vector_load %arg6[%get3A_69, %get3A_70] {strides = array<i32>} : memref<4x16xi32, #tpu.memory_space<vmem>>, vector<1x16xi32>,
        %get3A_72 = vector.shape_cast %get3A_71 : vector<1x16xi32> to vector<16xi32>
        %get3A_73 = arith.constant 1 : i32
        %get3A_74 = arith.index_cast %get3A_73 : i32 to index
        %get3A_75 = arith.constant 0 : index
        %get3A_76 = tpu.vector_load %arg6[%get3A_74, %get3A_75] {strides = array<i32>} : memref<4x16xi32, #tpu.memory_space<vmem>>, vector<1x16xi32>,
        %get3A_77 = vector.shape_cast %get3A_76 : vector<1x16xi32> to vector<16xi32>
        %max3A = arith.maxsi %get3A_72, %get3A_77 : vector<16xi32>
        %get3A_78 = arith.constant 2 : i32
        %get3A_79 = arith.index_cast %get3A_78 : i32 to index
        %get3A_80 = arith.constant 0 : index
        %get3A_81 = tpu.vector_load %arg6[%get3A_79, %get3A_80] {strides = array<i32>} : memref<4x16xi32, #tpu.memory_space<vmem>>, vector<1x16xi32>,
        %get3A_82 = vector.shape_cast %get3A_81 : vector<1x16xi32> to vector<16xi32>
        %get3A_83 = arith.constant 3 : i32
        %get3A_84 = arith.index_cast %get3A_83 : i32 to index
        %get3A_85 = arith.constant 0 : index
        %get3A_86 = tpu.vector_load %arg6[%get3A_84, %get3A_85] {strides = array<i32>} : memref<4x16xi32, #tpu.memory_space<vmem>>, vector<1x16xi32>,
        %get3A_87 = vector.shape_cast %get3A_86 : vector<1x16xi32> to vector<16xi32>
        %max3A_88 = arith.maxsi %get3A_82, %get3A_87 : vector<16xi32>
        %max3A_89 = arith.maxsi %max3A, %max3A_88 : vector<16xi32>
        %get3A_90 = arith.constant 0 : i32
        %get3A_91 = arith.index_cast %get3A_90 : i32 to index
        %get3A_92 = arith.constant 0 : index
        %get3A_93 = tpu.vector_load %arg6[%get3A_91, %get3A_92] {strides = array<i32>} : memref<4x16xi32, #tpu.memory_space<vmem>>, vector<1x16xi32>,
        %get3A_94 = vector.shape_cast %get3A_93 : vector<1x16xi32> to vector<16xi32>
        %get3A_95 = arith.constant 1 : i32
        %get3A_96 = arith.index_cast %get3A_95 : i32 to index
        %get3A_97 = arith.constant 0 : index
        %get3A_98 = tpu.vector_load %arg6[%get3A_96, %get3A_97] {strides = array<i32>} : memref<4x16xi32, #tpu.memory_space<vmem>>, vector<1x16xi32>,
        %get3A_99 = vector.shape_cast %get3A_98 : vector<1x16xi32> to vector<16xi32>
        %min3A = arith.minsi %get3A_94, %get3A_99 : vector<16xi32>
        %get3A_100 = arith.constant 2 : i32
        %get3A_101 = arith.index_cast %get3A_100 : i32 to index
        %get3A_102 = arith.constant 0 : index
        %get3A_103 = tpu.vector_load %arg6[%get3A_101, %get3A_102] {strides = array<i32>} : memref<4x16xi32, #tpu.memory_space<vmem>>, vector<1x16xi32>,
        %get3A_104 = vector.shape_cast %get3A_103 : vector<1x16xi32> to vector<16xi32>
        %get3A_105 = arith.constant 3 : i32
        %get3A_106 = arith.index_cast %get3A_105 : i32 to index
        %get3A_107 = arith.constant 0 : index
        %get3A_108 = tpu.vector_load %arg6[%get3A_106, %get3A_107] {strides = array<i32>} : memref<4x16xi32, #tpu.memory_space<vmem>>, vector<1x16xi32>,
        %get3A_109 = vector.shape_cast %get3A_108 : vector<1x16xi32> to vector<16xi32>
        %min3A_110 = arith.minsi %get3A_104, %get3A_109 : vector<16xi32>
        %min3A_111 = arith.minsi %min3A, %min3A_110 : vector<16xi32>
        %iota3A = tpu.iota {dimensions = array<i32: 0>} : vector<16xi32>
        %xor3A = arith.constant 8 : i32
        %xor3A_112 = vector.broadcast %xor3A : i32 to vector<16xi32>
        %xor3A_113 = arith.xori %iota3A, %xor3A_112 : vector<16xi32>
        %lt3A = arith.constant 0 : i32
        %lt3A_114 = vector.broadcast %lt3A : i32 to vector<16xi32>
        %lt3A_115 = arith.cmpi slt, %xor3A_113, %lt3A_114 : vector<16xi32>
        %add3A_116 = arith.constant 16 : i32
        %add3A_117 = vector.broadcast %add3A_116 : i32 to vector<16xi32>
        %add3A_118 = arith.addi %xor3A_113, %add3A_117 : vector<16xi32>
        %select_n3A = arith.select %lt3A_115, %add3A_118, %xor3A_113 : vector<16xi1>, vector<16xi32>
        %broadcast_in_dim3A = vector.shape_cast %select_n3A : vector<16xi32> to vector<16x1xi32>
        %gather3A = vector.shape_cast %broadcast_in_dim3A : vector<16x1xi32> to vector<16xi32>
        %gather3A_119 = tpu.dynamic_gather %min3A_111[%gather3A] in [0] : vector<16xi32>, vector<16xi32> -> vector<16xi32>
        %min3A_120 = arith.minsi %min3A_111, %gather3A_119 : vector<16xi32>
        %xor3A_121 = arith.constant 4 : i32
        %xor3A_122 = vector.broadcast %xor3A_121 : i32 to vector<16xi32>
        %xor3A_123 = arith.xori %iota3A, %xor3A_122 : vector<16xi32>
        %lt3A_124 = arith.constant 0 : i32
        %lt3A_125 = vector.broadcast %lt3A_124 : i32 to vector<16xi32>
        %lt3A_126 = arith.cmpi slt, %xor3A_123, %lt3A_125 : vector<16xi32>
        %add3A_127 = arith.constant 16 : i32
        %add3A_128 = vector.broadcast %add3A_127 : i32 to vector<16xi32>
        %add3A_129 = arith.addi %xor3A_123, %add3A_128 : vector<16xi32>
        %select_n3A_130 = arith.select %lt3A_126, %add3A_129, %xor3A_123 : vector<16xi1>, vector<16xi32>
        %broadcast_in_dim3A_131 = vector.shape_cast %select_n3A_130 : vector<16xi32> to vector<16x1xi32>
        %gather3A_132 = vector.shape_cast %broadcast_in_dim3A_131 : vector<16x1xi32> to vector<16xi32>
        %gather3A_133 = tpu.dynamic_gather %min3A_120[%gather3A_132] in [0] : vector<16xi32>, vector<16xi32> -> vector<16xi32>
        %min3A_134 = arith.minsi %min3A_120, %gather3A_133 : vector<16xi32>
        %xor3A_135 = arith.constant 2 : i32
        %xor3A_136 = vector.broadcast %xor3A_135 : i32 to vector<16xi32>
        %xor3A_137 = arith.xori %iota3A, %xor3A_136 : vector<16xi32>
        %lt3A_138 = arith.constant 0 : i32
        %lt3A_139 = vector.broadcast %lt3A_138 : i32 to vector<16xi32>
        %lt3A_140 = arith.cmpi slt, %xor3A_137, %lt3A_139 : vector<16xi32>
        %add3A_141 = arith.constant 16 : i32
        %add3A_142 = vector.broadcast %add3A_141 : i32 to vector<16xi32>
        %add3A_143 = arith.addi %xor3A_137, %add3A_142 : vector<16xi32>
        %select_n3A_144 = arith.select %lt3A_140, %add3A_143, %xor3A_137 : vector<16xi1>, vector<16xi32>
        %broadcast_in_dim3A_145 = vector.shape_cast %select_n3A_144 : vector<16xi32> to vector<16x1xi32>
        %gather3A_146 = vector.shape_cast %broadcast_in_dim3A_145 : vector<16x1xi32> to vector<16xi32>
        %gather3A_147 = tpu.dynamic_gather %min3A_134[%gather3A_146] in [0] : vector<16xi32>, vector<16xi32> -> vector<16xi32>
        %min3A_148 = arith.minsi %min3A_134, %gather3A_147 : vector<16xi32>
        %xor3A_149 = arith.constant 1 : i32
        %xor3A_150 = vector.broadcast %xor3A_149 : i32 to vector<16xi32>
        %xor3A_151 = arith.xori %iota3A, %xor3A_150 : vector<16xi32>
        %lt3A_152 = arith.constant 0 : i32
        %lt3A_153 = vector.broadcast %lt3A_152 : i32 to vector<16xi32>
        %lt3A_154 = arith.cmpi slt, %xor3A_151, %lt3A_153 : vector<16xi32>
        %add3A_155 = arith.constant 16 : i32
        %add3A_156 = vector.broadcast %add3A_155 : i32 to vector<16xi32>
        %add3A_157 = arith.addi %xor3A_151, %add3A_156 : vector<16xi32>
        %select_n3A_158 = arith.select %lt3A_154, %add3A_157, %xor3A_151 : vector<16xi1>, vector<16xi32>
        %broadcast_in_dim3A_159 = vector.shape_cast %select_n3A_158 : vector<16xi32> to vector<16x1xi32>
        %gather3A_160 = vector.shape_cast %broadcast_in_dim3A_159 : vector<16x1xi32> to vector<16xi32>
        %gather3A_161 = tpu.dynamic_gather %min3A_148[%gather3A_160] in [0] : vector<16xi32>, vector<16xi32> -> vector<16xi32>
        %min3A_162 = arith.minsi %min3A_148, %gather3A_161 : vector<16xi32>
        %slice3A = vector.extract_strided_slice %min3A_162 {offsets = [0], sizes = [1], strides = [1]} : vector<16xi32> to vector<1xi32>
        %squeeze3A = vector.extract %slice3A[0] : i32 from vector<1xi32>
        %swap3A_163 = arith.constant 0 : i32
        %swap3A_164 = arith.index_cast %swap3A_163 : i32 to index
        %swap3A_165 = memref.load %arg7[%swap3A_164] : memref<2xi32, #tpu.memory_space<smem>>
        memref.store %squeeze3A, %arg7[%swap3A_164] : memref<2xi32, #tpu.memory_space<smem>>
        %iota3A_166 = tpu.iota {dimensions = array<i32: 0>} : vector<16xi32>
        %xor3A_167 = arith.constant 8 : i32
        %xor3A_168 = vector.broadcast %xor3A_167 : i32 to vector<16xi32>
        %xor3A_169 = arith.xori %iota3A_166, %xor3A_168 : vector<16xi32>
        %lt3A_170 = arith.constant 0 : i32
        %lt3A_171 = vector.broadcast %lt3A_170 : i32 to vector<16xi32>
        %lt3A_172 = arith.cmpi slt, %xor3A_169, %lt3A_171 : vector<16xi32>
        %add3A_173 = arith.constant 16 : i32
        %add3A_174 = vector.broadcast %add3A_173 : i32 to vector<16xi32>
        %add3A_175 = arith.addi %xor3A_169, %add3A_174 : vector<16xi32>
        %select_n3A_176 = arith.select %lt3A_172, %add3A_175, %xor3A_169 : vector<16xi1>, vector<16xi32>
        %broadcast_in_dim3A_177 = vector.shape_cast %select_n3A_176 : vector<16xi32> to vector<16x1xi32>
        %gather3A_178 = vector.shape_cast %broadcast_in_dim3A_177 : vector<16x1xi32> to vector<16xi32>
        %gather3A_179 = tpu.dynamic_gather %max3A_89[%gather3A_178] in [0] : vector<16xi32>, vector<16xi32> -> vector<16xi32>
        %max3A_180 = arith.maxsi %max3A_89, %gather3A_179 : vector<16xi32>
        %xor3A_181 = arith.constant 4 : i32
        %xor3A_182 = vector.broadcast %xor3A_181 : i32 to vector<16xi32>
        %xor3A_183 = arith.xori %iota3A_166, %xor3A_182 : vector<16xi32>
        %lt3A_184 = arith.constant 0 : i32
        %lt3A_185 = vector.broadcast %lt3A_184 : i32 to vector<16xi32>
        %lt3A_186 = arith.cmpi slt, %xor3A_183, %lt3A_185 : vector<16xi32>
        %add3A_187 = arith.constant 16 : i32
        %add3A_188 = vector.broadcast %add3A_187 : i32 to vector<16xi32>
        %add3A_189 = arith.addi %xor3A_183, %add3A_188 : vector<16xi32>
        %select_n3A_190 = arith.select %lt3A_186, %add3A_189, %xor3A_183 : vector<16xi1>, vector<16xi32>
        %broadcast_in_dim3A_191 = vector.shape_cast %select_n3A_190 : vector<16xi32> to vector<16x1xi32>
        %gather3A_192 = vector.shape_cast %broadcast_in_dim3A_191 : vector<16x1xi32> to vector<16xi32>
        %gather3A_193 = tpu.dynamic_gather %max3A_180[%gather3A_192] in [0] : vector<16xi32>, vector<16xi32> -> vector<16xi32>
        %max3A_194 = arith.maxsi %max3A_180, %gather3A_193 : vector<16xi32>
        %xor3A_195 = arith.constant 2 : i32
        %xor3A_196 = vector.broadcast %xor3A_195 : i32 to vector<16xi32>
        %xor3A_197 = arith.xori %iota3A_166, %xor3A_196 : vector<16xi32>
        %lt3A_198 = arith.constant 0 : i32
        %lt3A_199 = vector.broadcast %lt3A_198 : i32 to vector<16xi32>
        %lt3A_200 = arith.cmpi slt, %xor3A_197, %lt3A_199 : vector<16xi32>
        %add3A_201 = arith.constant 16 : i32
        %add3A_202 = vector.broadcast %add3A_201 : i32 to vector<16xi32>
        %add3A_203 = arith.addi %xor3A_197, %add3A_202 : vector<16xi32>
        %select_n3A_204 = arith.select %lt3A_200, %add3A_203, %xor3A_197 : vector<16xi1>, vector<16xi32>
        %broadcast_in_dim3A_205 = vector.shape_cast %select_n3A_204 : vector<16xi32> to vector<16x1xi32>
        %gather3A_206 = vector.shape_cast %broadcast_in_dim3A_205 : vector<16x1xi32> to vector<16xi32>
        %gather3A_207 = tpu.dynamic_gather %max3A_194[%gather3A_206] in [0] : vector<16xi32>, vector<16xi32> -> vector<16xi32>
        %max3A_208 = arith.maxsi %max3A_194, %gather3A_207 : vector<16xi32>
        %xor3A_209 = arith.constant 1 : i32
        %xor3A_210 = vector.broadcast %xor3A_209 : i32 to vector<16xi32>
        %xor3A_211 = arith.xori %iota3A_166, %xor3A_210 : vector<16xi32>
        %lt3A_212 = arith.constant 0 : i32
        %lt3A_213 = vector.broadcast %lt3A_212 : i32 to vector<16xi32>
        %lt3A_214 = arith.cmpi slt, %xor3A_211, %lt3A_213 : vector<16xi32>
        %add3A_215 = arith.constant 16 : i32
        %add3A_216 = vector.broadcast %add3A_215 : i32 to vector<16xi32>
        %add3A_217 = arith.addi %xor3A_211, %add3A_216 : vector<16xi32>
        %select_n3A_218 = arith.select %lt3A_214, %add3A_217, %xor3A_211 : vector<16xi1>, vector<16xi32>
        %broadcast_in_dim3A_219 = vector.shape_cast %select_n3A_218 : vector<16xi32> to vector<16x1xi32>
        %gather3A_220 = vector.shape_cast %broadcast_in_dim3A_219 : vector<16x1xi32> to vector<16xi32>
        %gather3A_221 = tpu.dynamic_gather %max3A_208[%gather3A_220] in [0] : vector<16xi32>, vector<16xi32> -> vector<16xi32>
        %max3A_222 = arith.maxsi %max3A_208, %gather3A_221 : vector<16xi32>
        %slice3A_223 = vector.extract_strided_slice %max3A_222 {offsets = [0], sizes = [1], strides = [1]} : vector<16xi32> to vector<1xi32>
        %squeeze3A_224 = vector.extract %slice3A_223[0] : i32 from vector<1xi32>
        %swap3A_225 = arith.constant 1 : i32
        %swap3A_226 = arith.index_cast %swap3A_225 : i32 to index
        %swap3A_227 = memref.load %arg7[%swap3A_226] : memref<2xi32, #tpu.memory_space<smem>>
        memref.store %squeeze3A_224, %arg7[%swap3A_226] : memref<2xi32, #tpu.memory_space<smem>>
        %scan3A_228 = arith.constant 0 : i32
        %scan3A_229 = arith.constant 0 : i32
        %scan3A_230 = arith.constant 31 : i32
        %scan3A_231 = arith.addi %scan3A_229, %scan3A_230 : i32
        %scan3A_232 = arith.constant 1 : i32
        scf.for %scan3A_249 = %scan3A_229 to %scan3A_231 step %scan3A_232  : i32 {
          %get3A_250 = arith.constant 1 : i32
          %get3A_251 = arith.index_cast %get3A_250 : i32 to index
          %get3A_252 = memref.load %arg7[%get3A_251] : memref<2xi32, #tpu.memory_space<smem>>
          %get3A_253 = arith.constant 0 : i32
          %get3A_254 = arith.index_cast %get3A_253 : i32 to index
          %get3A_255 = memref.load %arg7[%get3A_254] : memref<2xi32, #tpu.memory_space<smem>>
          %gt3A = arith.cmpi sgt, %get3A_252, %get3A_255 : i32
          %convert_element_type3A = arith.extui %gt3A : i1 to i32
          %cond3A = arith.constant 0 : i32
          %cond3A_256 = arith.cmpi ne, %convert_element_type3A, %cond3A : i32
          scf.if %cond3A_256 {
            %get3A_257 = arith.constant 0 : i32
            %get3A_258 = arith.index_cast %get3A_257 : i32 to index
            %get3A_259 = memref.load %arg7[%get3A_258] : memref<2xi32, #tpu.memory_space<smem>>
            %get3A_260 = arith.constant 1 : i32
            %get3A_261 = arith.index_cast %get3A_260 : i32 to index
            %get3A_262 = memref.load %arg7[%get3A_261] : memref<2xi32, #tpu.memory_space<smem>>
            %sub3A = arith.subi %get3A_262, %get3A_259 : i32
            %add3A_263 = arith.constant 1 : i32
            %add3A_264 = arith.addi %sub3A, %add3A_263 : i32
            %jit3A = arith.constant 2 : i32
            %div3A = arith.divsi %add3A_264, %jit3A : i32
            %sign3A = arith.constant 0 : i32
            %sign3A_265 = arith.cmpi sgt, %add3A_264, %sign3A : i32
            %sign3A_266 = arith.extui %sign3A_265 : i1 to i32
            %sign3A_267 = arith.constant 0 : i32
            %sign3A_268 = arith.cmpi slt, %add3A_264, %sign3A_267 : i32
            %sign3A_269 = arith.extui %sign3A_268 : i1 to i32
            %sign3A_270 = arith.subi %sign3A_266, %sign3A_269 : i32
            %sign3A_271 = arith.constant 0 : i32
            %sign3A_272 = arith.cmpi sgt, %jit3A, %sign3A_271 : i32
            %sign3A_273 = arith.extui %sign3A_272 : i1 to i32
            %sign3A_274 = arith.constant 0 : i32
            %sign3A_275 = arith.cmpi slt, %jit3A, %sign3A_274 : i32
            %sign3A_276 = arith.extui %sign3A_275 : i1 to i32
            %sign3A_277 = arith.subi %sign3A_273, %sign3A_276 : i32
            %ne3A = arith.cmpi ne, %sign3A_270, %sign3A_277 : i32
            %rem3A = arith.remsi %add3A_264, %jit3A : i32
            %ne3A_278 = arith.constant 0 : i32
            %ne3A_279 = arith.cmpi ne, %rem3A, %ne3A_278 : i32
            %and3A = arith.andi %ne3A, %ne3A_279 : i1
            %sub3A_280 = arith.constant 1 : i32
            %sub3A_281 = arith.subi %div3A, %sub3A_280 : i32
            %select_n3A_282 = arith.select %and3A, %sub3A_281, %div3A : i32
            %add3A_283 = arith.addi %get3A_259, %select_n3A_282 : i32
            %broadcast_in_dim3A_284 = arith.constant 0 : i32
            %broadcast_in_dim3A_285 = vector.broadcast %broadcast_in_dim3A_284 : i32 to vector<16xi32>
            %get3A_286 = arith.index_cast %scan3A_22 : i32 to index
            %get3A_287 = arith.constant 0 : index
            %get3A_288 = tpu.vector_load %arg4[%get3A_286, %get3A_287] {strides = array<i32>} : memref<16x2048xi32, #tpu.memory_space<vmem>>, vector<1x16xi32>,
            %get3A_289 = vector.shape_cast %get3A_288 : vector<1x16xi32> to vector<16xi32>
            %ge3A = vector.broadcast %add3A_283 : i32 to vector<16xi32>
            %ge3A_290 = arith.cmpi sge, %get3A_289, %ge3A : vector<16xi32>
            %jit3A_291 = arith.constant 1 : i32
            %jit3A_292 = arith.constant 0 : i32
            %broadcast_in_dim3A_293 = vector.broadcast %jit3A_291 : i32 to vector<16xi32>
            %broadcast_in_dim3A_294 = vector.broadcast %jit3A_292 : i32 to vector<16xi32>
            %select_n3A_295 = arith.select %ge3A_290, %broadcast_in_dim3A_293, %broadcast_in_dim3A_294 : vector<16xi1>, vector<16xi32>
            %add3A_296 = arith.addi %broadcast_in_dim3A_285, %select_n3A_295 : vector<16xi32>
            %get3A_297 = arith.index_cast %scan3A_22 : i32 to index
            %get3A_298 = arith.constant 16 : index
            %get3A_299 = tpu.vector_load %arg4[%get3A_297, %get3A_298] {strides = array<i32>} : memref<16x2048xi32, #tpu.memory_space<vmem>>, vector<1x16xi32>,
            %get3A_300 = vector.shape_cast %get3A_299 : vector<1x16xi32> to vector<16xi32>
            %ge3A_301 = vector.broadcast %add3A_283 : i32 to vector<16xi32>
            %ge3A_302 = arith.cmpi sge, %get3A_300, %ge3A_301 : vector<16xi32>
            %jit3A_303 = arith.constant 1 : i32
            %jit3A_304 = arith.constant 0 : i32
            %broadcast_in_dim3A_305 = vector.broadcast %jit3A_303 : i32 to vector<16xi32>
            %broadcast_in_dim3A_306 = vector.broadcast %jit3A_304 : i32 to vector<16xi32>
            %select_n3A_307 = arith.select %ge3A_302, %broadcast_in_dim3A_305, %broadcast_in_dim3A_306 : vector<16xi1>, vector<16xi32>
            %add3A_308 = arith.addi %add3A_296, %select_n3A_307 : vector<16xi32>
            %get3A_309 = arith.index_cast %scan3A_22 : i32 to index
            %get3A_310 = arith.constant 32 : index
            %get3A_311 = tpu.vector_load %arg4[%get3A_309, %get3A_310] {strides = array<i32>} : memref<16x2048xi32, #tpu.memory_space<vmem>>, vector<1x16xi32>,
            %get3A_312 = vector.shape_cast %get3A_311 : vector<1x16xi32> to vector<16xi32>
            %ge3A_313 = vector.broadcast %add3A_283 : i32 to vector<16xi32>
            %ge3A_314 = arith.cmpi sge, %get3A_312, %ge3A_313 : vector<16xi32>
            %jit3A_315 = arith.constant 1 : i32
            %jit3A_316 = arith.constant 0 : i32
            %broadcast_in_dim3A_317 = vector.broadcast %jit3A_315 : i32 to vector<16xi32>
            %broadcast_in_dim3A_318 = vector.broadcast %jit3A_316 : i32 to vector<16xi32>
            %select_n3A_319 = arith.select %ge3A_314, %broadcast_in_dim3A_317, %broadcast_in_dim3A_318 : vector<16xi1>, vector<16xi32>
            %add3A_320 = arith.addi %add3A_308, %select_n3A_319 : vector<16xi32>
            %get3A_321 = arith.index_cast %scan3A_22 : i32 to index
            %get3A_322 = arith.constant 48 : index
            %get3A_323 = tpu.vector_load %arg4[%get3A_321, %get3A_322] {strides = array<i32>} : memref<16x2048xi32, #tpu.memory_space<vmem>>, vector<1x16xi32>,
            %get3A_324 = vector.shape_cast %get3A_323 : vector<1x16xi32> to vector<16xi32>
            %ge3A_325 = vector.broadcast %add3A_283 : i32 to vector<16xi32>
            %ge3A_326 = arith.cmpi sge, %get3A_324, %ge3A_325 : vector<16xi32>
            %jit3A_327 = arith.constant 1 : i32
            %jit3A_328 = arith.constant 0 : i32
            %broadcast_in_dim3A_329 = vector.broadcast %jit3A_327 : i32 to vector<16xi32>
            %broadcast_in_dim3A_330 = vector.broadcast %jit3A_328 : i32 to vector<16xi32>
            %select_n3A_331 = arith.select %ge3A_326, %broadcast_in_dim3A_329, %broadcast_in_dim3A_330 : vector<16xi1>, vector<16xi32>
            %add3A_332 = arith.addi %add3A_320, %select_n3A_331 : vector<16xi32>
            %get3A_333 = arith.index_cast %scan3A_22 : i32 to index
            %get3A_334 = arith.constant 64 : index
            %get3A_335 = tpu.vector_load %arg4[%get3A_333, %get3A_334] {strides = array<i32>} : memref<16x2048xi32, #tpu.memory_space<vmem>>, vector<1x16xi32>,
            %get3A_336 = vector.shape_cast %get3A_335 : vector<1x16xi32> to vector<16xi32>
            %ge3A_337 = vector.broadcast %add3A_283 : i32 to vector<16xi32>
            %ge3A_338 = arith.cmpi sge, %get3A_336, %ge3A_337 : vector<16xi32>
            %jit3A_339 = arith.constant 1 : i32
            %jit3A_340 = arith.constant 0 : i32
            %broadcast_in_dim3A_341 = vector.broadcast %jit3A_339 : i32 to vector<16xi32>
            %broadcast_in_dim3A_342 = vector.broadcast %jit3A_340 : i32 to vector<16xi32>
            %select_n3A_343 = arith.select %ge3A_338, %broadcast_in_dim3A_341, %broadcast_in_dim3A_342 : vector<16xi1>, vector<16xi32>
            %add3A_344 = arith.addi %add3A_332, %select_n3A_343 : vector<16xi32>
            %get3A_345 = arith.index_cast %scan3A_22 : i32 to index
            %get3A_346 = arith.constant 80 : index
            %get3A_347 = tpu.vector_load %arg4[%get3A_345, %get3A_346] {strides = array<i32>} : memref<16x2048xi32, #tpu.memory_space<vmem>>, vector<1x16xi32>,
            %get3A_348 = vector.shape_cast %get3A_347 : vector<1x16xi32> to vector<16xi32>
            %ge3A_349 = vector.broadcast %add3A_283 : i32 to vector<16xi32>
            %ge3A_350 = arith.cmpi sge, %get3A_348, %ge3A_349 : vector<16xi32>
            %jit3A_351 = arith.constant 1 : i32
            %jit3A_352 = arith.constant 0 : i32
            %broadcast_in_dim3A_353 = vector.broadcast %jit3A_351 : i32 to vector<16xi32>
            %broadcast_in_dim3A_354 = vector.broadcast %jit3A_352 : i32 to vector<16xi32>
            %select_n3A_355 = arith.select %ge3A_350, %broadcast_in_dim3A_353, %broadcast_in_dim3A_354 : vector<16xi1>, vector<16xi32>
            %add3A_356 = arith.addi %add3A_344, %select_n3A_355 : vector<16xi32>
            %get3A_357 = arith.index_cast %scan3A_22 : i32 to index
            %get3A_358 = arith.constant 96 : index
            %get3A_359 = tpu.vector_load %arg4[%get3A_357, %get3A_358] {strides = array<i32>} : memref<16x2048xi32, #tpu.memory_space<vmem>>, vector<1x16xi32>,
            %get3A_360 = vector.shape_cast %get3A_359 : vector<1x16xi32> to vector<16xi32>
            %ge3A_361 = vector.broadcast %add3A_283 : i32 to vector<16xi32>
            %ge3A_362 = arith.cmpi sge, %get3A_360, %ge3A_361 : vector<16xi32>
            %jit3A_363 = arith.constant 1 : i32
            %jit3A_364 = arith.constant 0 : i32
            %broadcast_in_dim3A_365 = vector.broadcast %jit3A_363 : i32 to vector<16xi32>
            %broadcast_in_dim3A_366 = vector.broadcast %jit3A_364 : i32 to vector<16xi32>
            %select_n3A_367 = arith.select %ge3A_362, %broadcast_in_dim3A_365, %broadcast_in_dim3A_366 : vector<16xi1>, vector<16xi32>
            %add3A_368 = arith.addi %add3A_356, %select_n3A_367 : vector<16xi32>
            %get3A_369 = arith.index_cast %scan3A_22 : i32 to index
            %get3A_370 = arith.constant 112 : index
            %get3A_371 = tpu.vector_load %arg4[%get3A_369, %get3A_370] {strides = array<i32>} : memref<16x2048xi32, #tpu.memory_space<vmem>>, vector<1x16xi32>,
            %get3A_372 = vector.shape_cast %get3A_371 : vector<1x16xi32> to vector<16xi32>
            %ge3A_373 = vector.broadcast %add3A_283 : i32 to vector<16xi32>
            %ge3A_374 = arith.cmpi sge, %get3A_372, %ge3A_373 : vector<16xi32>
            %jit3A_375 = arith.constant 1 : i32
            %jit3A_376 = arith.constant 0 : i32
            %broadcast_in_dim3A_377 = vector.broadcast %jit3A_375 : i32 to vector<16xi32>
            %broadcast_in_dim3A_378 = vector.broadcast %jit3A_376 : i32 to vector<16xi32>
            %select_n3A_379 = arith.select %ge3A_374, %broadcast_in_dim3A_377, %broadcast_in_dim3A_378 : vector<16xi1>, vector<16xi32>
            %add3A_380 = arith.addi %add3A_368, %select_n3A_379 : vector<16xi32>
            %get3A_381 = arith.index_cast %scan3A_22 : i32 to index
            %get3A_382 = arith.constant 128 : index
            %get3A_383 = tpu.vector_load %arg4[%get3A_381, %get3A_382] {strides = array<i32>} : memref<16x2048xi32, #tpu.memory_space<vmem>>, vector<1x16xi32>,
            %get3A_384 = vector.shape_cast %get3A_383 : vector<1x16xi32> to vector<16xi32>
            %ge3A_385 = vector.broadcast %add3A_283 : i32 to vector<16xi32>
            %ge3A_386 = arith.cmpi sge, %get3A_384, %ge3A_385 : vector<16xi32>
            %jit3A_387 = arith.constant 1 : i32
            %jit3A_388 = arith.constant 0 : i32
            %broadcast_in_dim3A_389 = vector.broadcast %jit3A_387 : i32 to vector<16xi32>
            %broadcast_in_dim3A_390 = vector.broadcast %jit3A_388 : i32 to vector<16xi32>
            %select_n3A_391 = arith.select %ge3A_386, %broadcast_in_dim3A_389, %broadcast_in_dim3A_390 : vector<16xi1>, vector<16xi32>
            %add3A_392 = arith.addi %add3A_380, %select_n3A_391 : vector<16xi32>
            %get3A_393 = arith.index_cast %scan3A_22 : i32 to index
            %get3A_394 = arith.constant 144 : index
            %get3A_395 = tpu.vector_load %arg4[%get3A_393, %get3A_394] {strides = array<i32>} : memref<16x2048xi32, #tpu.memory_space<vmem>>, vector<1x16xi32>,
            %get3A_396 = vector.shape_cast %get3A_395 : vector<1x16xi32> to vector<16xi32>
            %ge3A_397 = vector.broadcast %add3A_283 : i32 to vector<16xi32>
            %ge3A_398 = arith.cmpi sge, %get3A_396, %ge3A_397 : vector<16xi32>
            %jit3A_399 = arith.constant 1 : i32
            %jit3A_400 = arith.constant 0 : i32
            %broadcast_in_dim3A_401 = vector.broadcast %jit3A_399 : i32 to vector<16xi32>
            %broadcast_in_dim3A_402 = vector.broadcast %jit3A_400 : i32 to vector<16xi32>
            %select_n3A_403 = arith.select %ge3A_398, %broadcast_in_dim3A_401, %broadcast_in_dim3A_402 : vector<16xi1>, vector<16xi32>
            %add3A_404 = arith.addi %add3A_392, %select_n3A_403 : vector<16xi32>
            %get3A_405 = arith.index_cast %scan3A_22 : i32 to index
            %get3A_406 = arith.constant 160 : index
            %get3A_407 = tpu.vector_load %arg4[%get3A_405, %get3A_406] {strides = array<i32>} : memref<16x2048xi32, #tpu.memory_space<vmem>>, vector<1x16xi32>,
            %get3A_408 = vector.shape_cast %get3A_407 : vector<1x16xi32> to vector<16xi32>
            %ge3A_409 = vector.broadcast %add3A_283 : i32 to vector<16xi32>
            %ge3A_410 = arith.cmpi sge, %get3A_408, %ge3A_409 : vector<16xi32>
            %jit3A_411 = arith.constant 1 : i32
            %jit3A_412 = arith.constant 0 : i32
            %broadcast_in_dim3A_413 = vector.broadcast %jit3A_411 : i32 to vector<16xi32>
            %broadcast_in_dim3A_414 = vector.broadcast %jit3A_412 : i32 to vector<16xi32>
            %select_n3A_415 = arith.select %ge3A_410, %broadcast_in_dim3A_413, %broadcast_in_dim3A_414 : vector<16xi1>, vector<16xi32>
            %add3A_416 = arith.addi %add3A_404, %select_n3A_415 : vector<16xi32>
            %get3A_417 = arith.index_cast %scan3A_22 : i32 to index
            %get3A_418 = arith.constant 176 : index
            %get3A_419 = tpu.vector_load %arg4[%get3A_417, %get3A_418] {strides = array<i32>} : memref<16x2048xi32, #tpu.memory_space<vmem>>, vector<1x16xi32>,
            %get3A_420 = vector.shape_cast %get3A_419 : vector<1x16xi32> to vector<16xi32>
            %ge3A_421 = vector.broadcast %add3A_283 : i32 to vector<16xi32>
            %ge3A_422 = arith.cmpi sge, %get3A_420, %ge3A_421 : vector<16xi32>
            %jit3A_423 = arith.constant 1 : i32
            %jit3A_424 = arith.constant 0 : i32
            %broadcast_in_dim3A_425 = vector.broadcast %jit3A_423 : i32 to vector<16xi32>
            %broadcast_in_dim3A_426 = vector.broadcast %jit3A_424 : i32 to vector<16xi32>
            %select_n3A_427 = arith.select %ge3A_422, %broadcast_in_dim3A_425, %broadcast_in_dim3A_426 : vector<16xi1>, vector<16xi32>
            %add3A_428 = arith.addi %add3A_416, %select_n3A_427 : vector<16xi32>
            %get3A_429 = arith.index_cast %scan3A_22 : i32 to index
            %get3A_430 = arith.constant 192 : index
            %get3A_431 = tpu.vector_load %arg4[%get3A_429, %get3A_430] {strides = array<i32>} : memref<16x2048xi32, #tpu.memory_space<vmem>>, vector<1x16xi32>,
            %get3A_432 = vector.shape_cast %get3A_431 : vector<1x16xi32> to vector<16xi32>
            %ge3A_433 = vector.broadcast %add3A_283 : i32 to vector<16xi32>
            %ge3A_434 = arith.cmpi sge, %get3A_432, %ge3A_433 : vector<16xi32>
            %jit3A_435 = arith.constant 1 : i32
            %jit3A_436 = arith.constant 0 : i32
            %broadcast_in_dim3A_437 = vector.broadcast %jit3A_435 : i32 to vector<16xi32>
            %broadcast_in_dim3A_438 = vector.broadcast %jit3A_436 : i32 to vector<16xi32>
            %select_n3A_439 = arith.select %ge3A_434, %broadcast_in_dim3A_437, %broadcast_in_dim3A_438 : vector<16xi1>, vector<16xi32>
            %add3A_440 = arith.addi %add3A_428, %select_n3A_439 : vector<16xi32>
            %get3A_441 = arith.index_cast %scan3A_22 : i32 to index
            %get3A_442 = arith.constant 208 : index
            %get3A_443 = tpu.vector_load %arg4[%get3A_441, %get3A_442] {strides = array<i32>} : memref<16x2048xi32, #tpu.memory_space<vmem>>, vector<1x16xi32>,
            %get3A_444 = vector.shape_cast %get3A_443 : vector<1x16xi32> to vector<16xi32>
            %ge3A_445 = vector.broadcast %add3A_283 : i32 to vector<16xi32>
            %ge3A_446 = arith.cmpi sge, %get3A_444, %ge3A_445 : vector<16xi32>
            %jit3A_447 = arith.constant 1 : i32
            %jit3A_448 = arith.constant 0 : i32
            %broadcast_in_dim3A_449 = vector.broadcast %jit3A_447 : i32 to vector<16xi32>
            %broadcast_in_dim3A_450 = vector.broadcast %jit3A_448 : i32 to vector<16xi32>
            %select_n3A_451 = arith.select %ge3A_446, %broadcast_in_dim3A_449, %broadcast_in_dim3A_450 : vector<16xi1>, vector<16xi32>
            %add3A_452 = arith.addi %add3A_440, %select_n3A_451 : vector<16xi32>
            %get3A_453 = arith.index_cast %scan3A_22 : i32 to index
            %get3A_454 = arith.constant 224 : index
            %get3A_455 = tpu.vector_load %arg4[%get3A_453, %get3A_454] {strides = array<i32>} : memref<16x2048xi32, #tpu.memory_space<vmem>>, vector<1x16xi32>,
            %get3A_456 = vector.shape_cast %get3A_455 : vector<1x16xi32> to vector<16xi32>
            %ge3A_457 = vector.broadcast %add3A_283 : i32 to vector<16xi32>
            %ge3A_458 = arith.cmpi sge, %get3A_456, %ge3A_457 : vector<16xi32>
            %jit3A_459 = arith.constant 1 : i32
            %jit3A_460 = arith.constant 0 : i32
            %broadcast_in_dim3A_461 = vector.broadcast %jit3A_459 : i32 to vector<16xi32>
            %broadcast_in_dim3A_462 = vector.broadcast %jit3A_460 : i32 to vector<16xi32>
            %select_n3A_463 = arith.select %ge3A_458, %broadcast_in_dim3A_461, %broadcast_in_dim3A_462 : vector<16xi1>, vector<16xi32>
            %add3A_464 = arith.addi %add3A_452, %select_n3A_463 : vector<16xi32>
            %get3A_465 = arith.index_cast %scan3A_22 : i32 to index
            %get3A_466 = arith.constant 240 : index
            %get3A_467 = tpu.vector_load %arg4[%get3A_465, %get3A_466] {strides = array<i32>} : memref<16x2048xi32, #tpu.memory_space<vmem>>, vector<1x16xi32>,
            %get3A_468 = vector.shape_cast %get3A_467 : vector<1x16xi32> to vector<16xi32>
            %ge3A_469 = vector.broadcast %add3A_283 : i32 to vector<16xi32>
            %ge3A_470 = arith.cmpi sge, %get3A_468, %ge3A_469 : vector<16xi32>
            %jit3A_471 = arith.constant 1 : i32
            %jit3A_472 = arith.constant 0 : i32
            %broadcast_in_dim3A_473 = vector.broadcast %jit3A_471 : i32 to vector<16xi32>
            %broadcast_in_dim3A_474 = vector.broadcast %jit3A_472 : i32 to vector<16xi32>
            %select_n3A_475 = arith.select %ge3A_470, %broadcast_in_dim3A_473, %broadcast_in_dim3A_474 : vector<16xi1>, vector<16xi32>
            %add3A_476 = arith.addi %add3A_464, %select_n3A_475 : vector<16xi32>
            %get3A_477 = arith.index_cast %scan3A_22 : i32 to index
            %get3A_478 = arith.constant 256 : index
            %get3A_479 = tpu.vector_load %arg4[%get3A_477, %get3A_478] {strides = array<i32>} : memref<16x2048xi32, #tpu.memory_space<vmem>>, vector<1x16xi32>,
            %get3A_480 = vector.shape_cast %get3A_479 : vector<1x16xi32> to vector<16xi32>
            %ge3A_481 = vector.broadcast %add3A_283 : i32 to vector<16xi32>
            %ge3A_482 = arith.cmpi sge, %get3A_480, %ge3A_481 : vector<16xi32>
            %jit3A_483 = arith.constant 1 : i32
            %jit3A_484 = arith.constant 0 : i32
            %broadcast_in_dim3A_485 = vector.broadcast %jit3A_483 : i32 to vector<16xi32>
            %broadcast_in_dim3A_486 = vector.broadcast %jit3A_484 : i32 to vector<16xi32>
            %select_n3A_487 = arith.select %ge3A_482, %broadcast_in_dim3A_485, %broadcast_in_dim3A_486 : vector<16xi1>, vector<16xi32>
            %add3A_488 = arith.addi %add3A_476, %select_n3A_487 : vector<16xi32>
            %get3A_489 = arith.index_cast %scan3A_22 : i32 to index
            %get3A_490 = arith.constant 272 : index
            %get3A_491 = tpu.vector_load %arg4[%get3A_489, %get3A_490] {strides = array<i32>} : memref<16x2048xi32, #tpu.memory_space<vmem>>, vector<1x16xi32>,
            %get3A_492 = vector.shape_cast %get3A_491 : vector<1x16xi32> to vector<16xi32>
            %ge3A_493 = vector.broadcast %add3A_283 : i32 to vector<16xi32>
            %ge3A_494 = arith.cmpi sge, %get3A_492, %ge3A_493 : vector<16xi32>
            %jit3A_495 = arith.constant 1 : i32
            %jit3A_496 = arith.constant 0 : i32
            %broadcast_in_dim3A_497 = vector.broadcast %jit3A_495 : i32 to vector<16xi32>
            %broadcast_in_dim3A_498 = vector.broadcast %jit3A_496 : i32 to vector<16xi32>
            %select_n3A_499 = arith.select %ge3A_494, %broadcast_in_dim3A_497, %broadcast_in_dim3A_498 : vector<16xi1>, vector<16xi32>
            %add3A_500 = arith.addi %add3A_488, %select_n3A_499 : vector<16xi32>
            %get3A_501 = arith.index_cast %scan3A_22 : i32 to index
            %get3A_502 = arith.constant 288 : index
            %get3A_503 = tpu.vector_load %arg4[%get3A_501, %get3A_502] {strides = array<i32>} : memref<16x2048xi32, #tpu.memory_space<vmem>>, vector<1x16xi32>,
            %get3A_504 = vector.shape_cast %get3A_503 : vector<1x16xi32> to vector<16xi32>
            %ge3A_505 = vector.broadcast %add3A_283 : i32 to vector<16xi32>
            %ge3A_506 = arith.cmpi sge, %get3A_504, %ge3A_505 : vector<16xi32>
            %jit3A_507 = arith.constant 1 : i32
            %jit3A_508 = arith.constant 0 : i32
            %broadcast_in_dim3A_509 = vector.broadcast %jit3A_507 : i32 to vector<16xi32>
            %broadcast_in_dim3A_510 = vector.broadcast %jit3A_508 : i32 to vector<16xi32>
            %select_n3A_511 = arith.select %ge3A_506, %broadcast_in_dim3A_509, %broadcast_in_dim3A_510 : vector<16xi1>, vector<16xi32>
            %add3A_512 = arith.addi %add3A_500, %select_n3A_511 : vector<16xi32>
            %get3A_513 = arith.index_cast %scan3A_22 : i32 to index
            %get3A_514 = arith.constant 304 : index
            %get3A_515 = tpu.vector_load %arg4[%get3A_513, %get3A_514] {strides = array<i32>} : memref<16x2048xi32, #tpu.memory_space<vmem>>, vector<1x16xi32>,
            %get3A_516 = vector.shape_cast %get3A_515 : vector<1x16xi32> to vector<16xi32>
            %ge3A_517 = vector.broadcast %add3A_283 : i32 to vector<16xi32>
            %ge3A_518 = arith.cmpi sge, %get3A_516, %ge3A_517 : vector<16xi32>
            %jit3A_519 = arith.constant 1 : i32
            %jit3A_520 = arith.constant 0 : i32
            %broadcast_in_dim3A_521 = vector.broadcast %jit3A_519 : i32 to vector<16xi32>
            %broadcast_in_dim3A_522 = vector.broadcast %jit3A_520 : i32 to vector<16xi32>
            %select_n3A_523 = arith.select %ge3A_518, %broadcast_in_dim3A_521, %broadcast_in_dim3A_522 : vector<16xi1>, vector<16xi32>
            %add3A_524 = arith.addi %add3A_512, %select_n3A_523 : vector<16xi32>
            %get3A_525 = arith.index_cast %scan3A_22 : i32 to index
            %get3A_526 = arith.constant 320 : index
            %get3A_527 = tpu.vector_load %arg4[%get3A_525, %get3A_526] {strides = array<i32>} : memref<16x2048xi32, #tpu.memory_space<vmem>>, vector<1x16xi32>,
            %get3A_528 = vector.shape_cast %get3A_527 : vector<1x16xi32> to vector<16xi32>
            %ge3A_529 = vector.broadcast %add3A_283 : i32 to vector<16xi32>
            %ge3A_530 = arith.cmpi sge, %get3A_528, %ge3A_529 : vector<16xi32>
            %jit3A_531 = arith.constant 1 : i32
            %jit3A_532 = arith.constant 0 : i32
            %broadcast_in_dim3A_533 = vector.broadcast %jit3A_531 : i32 to vector<16xi32>
            %broadcast_in_dim3A_534 = vector.broadcast %jit3A_532 : i32 to vector<16xi32>
            %select_n3A_535 = arith.select %ge3A_530, %broadcast_in_dim3A_533, %broadcast_in_dim3A_534 : vector<16xi1>, vector<16xi32>
            %add3A_536 = arith.addi %add3A_524, %select_n3A_535 : vector<16xi32>
            %get3A_537 = arith.index_cast %scan3A_22 : i32 to index
            %get3A_538 = arith.constant 336 : index
            %get3A_539 = tpu.vector_load %arg4[%get3A_537, %get3A_538] {strides = array<i32>} : memref<16x2048xi32, #tpu.memory_space<vmem>>, vector<1x16xi32>,
            %get3A_540 = vector.shape_cast %get3A_539 : vector<1x16xi32> to vector<16xi32>
            %ge3A_541 = vector.broadcast %add3A_283 : i32 to vector<16xi32>
            %ge3A_542 = arith.cmpi sge, %get3A_540, %ge3A_541 : vector<16xi32>
            %jit3A_543 = arith.constant 1 : i32
            %jit3A_544 = arith.constant 0 : i32
            %broadcast_in_dim3A_545 = vector.broadcast %jit3A_543 : i32 to vector<16xi32>
            %broadcast_in_dim3A_546 = vector.broadcast %jit3A_544 : i32 to vector<16xi32>
            %select_n3A_547 = arith.select %ge3A_542, %broadcast_in_dim3A_545, %broadcast_in_dim3A_546 : vector<16xi1>, vector<16xi32>
            %add3A_548 = arith.addi %add3A_536, %select_n3A_547 : vector<16xi32>
            %get3A_549 = arith.index_cast %scan3A_22 : i32 to index
            %get3A_550 = arith.constant 352 : index
            %get3A_551 = tpu.vector_load %arg4[%get3A_549, %get3A_550] {strides = array<i32>} : memref<16x2048xi32, #tpu.memory_space<vmem>>, vector<1x16xi32>,
            %get3A_552 = vector.shape_cast %get3A_551 : vector<1x16xi32> to vector<16xi32>
            %ge3A_553 = vector.broadcast %add3A_283 : i32 to vector<16xi32>
            %ge3A_554 = arith.cmpi sge, %get3A_552, %ge3A_553 : vector<16xi32>
            %jit3A_555 = arith.constant 1 : i32
            %jit3A_556 = arith.constant 0 : i32
            %broadcast_in_dim3A_557 = vector.broadcast %jit3A_555 : i32 to vector<16xi32>
            %broadcast_in_dim3A_558 = vector.broadcast %jit3A_556 : i32 to vector<16xi32>
            %select_n3A_559 = arith.select %ge3A_554, %broadcast_in_dim3A_557, %broadcast_in_dim3A_558 : vector<16xi1>, vector<16xi32>
            %add3A_560 = arith.addi %add3A_548, %select_n3A_559 : vector<16xi32>
            %get3A_561 = arith.index_cast %scan3A_22 : i32 to index
            %get3A_562 = arith.constant 368 : index
            %get3A_563 = tpu.vector_load %arg4[%get3A_561, %get3A_562] {strides = array<i32>} : memref<16x2048xi32, #tpu.memory_space<vmem>>, vector<1x16xi32>,
            %get3A_564 = vector.shape_cast %get3A_563 : vector<1x16xi32> to vector<16xi32>
            %ge3A_565 = vector.broadcast %add3A_283 : i32 to vector<16xi32>
            %ge3A_566 = arith.cmpi sge, %get3A_564, %ge3A_565 : vector<16xi32>
            %jit3A_567 = arith.constant 1 : i32
            %jit3A_568 = arith.constant 0 : i32
            %broadcast_in_dim3A_569 = vector.broadcast %jit3A_567 : i32 to vector<16xi32>
            %broadcast_in_dim3A_570 = vector.broadcast %jit3A_568 : i32 to vector<16xi32>
            %select_n3A_571 = arith.select %ge3A_566, %broadcast_in_dim3A_569, %broadcast_in_dim3A_570 : vector<16xi1>, vector<16xi32>
            %add3A_572 = arith.addi %add3A_560, %select_n3A_571 : vector<16xi32>
            %get3A_573 = arith.index_cast %scan3A_22 : i32 to index
            %get3A_574 = arith.constant 384 : index
            %get3A_575 = tpu.vector_load %arg4[%get3A_573, %get3A_574] {strides = array<i32>} : memref<16x2048xi32, #tpu.memory_space<vmem>>, vector<1x16xi32>,
            %get3A_576 = vector.shape_cast %get3A_575 : vector<1x16xi32> to vector<16xi32>
            %ge3A_577 = vector.broadcast %add3A_283 : i32 to vector<16xi32>
            %ge3A_578 = arith.cmpi sge, %get3A_576, %ge3A_577 : vector<16xi32>
            %jit3A_579 = arith.constant 1 : i32
            %jit3A_580 = arith.constant 0 : i32
            %broadcast_in_dim3A_581 = vector.broadcast %jit3A_579 : i32 to vector<16xi32>
            %broadcast_in_dim3A_582 = vector.broadcast %jit3A_580 : i32 to vector<16xi32>
            %select_n3A_583 = arith.select %ge3A_578, %broadcast_in_dim3A_581, %broadcast_in_dim3A_582 : vector<16xi1>, vector<16xi32>
            %add3A_584 = arith.addi %add3A_572, %select_n3A_583 : vector<16xi32>
            %get3A_585 = arith.index_cast %scan3A_22 : i32 to index
            %get3A_586 = arith.constant 400 : index
            %get3A_587 = tpu.vector_load %arg4[%get3A_585, %get3A_586] {strides = array<i32>} : memref<16x2048xi32, #tpu.memory_space<vmem>>, vector<1x16xi32>,
            %get3A_588 = vector.shape_cast %get3A_587 : vector<1x16xi32> to vector<16xi32>
            %ge3A_589 = vector.broadcast %add3A_283 : i32 to vector<16xi32>
            %ge3A_590 = arith.cmpi sge, %get3A_588, %ge3A_589 : vector<16xi32>
            %jit3A_591 = arith.constant 1 : i32
            %jit3A_592 = arith.constant 0 : i32
            %broadcast_in_dim3A_593 = vector.broadcast %jit3A_591 : i32 to vector<16xi32>
            %broadcast_in_dim3A_594 = vector.broadcast %jit3A_592 : i32 to vector<16xi32>
            %select_n3A_595 = arith.select %ge3A_590, %broadcast_in_dim3A_593, %broadcast_in_dim3A_594 : vector<16xi1>, vector<16xi32>
            %add3A_596 = arith.addi %add3A_584, %select_n3A_595 : vector<16xi32>
            %get3A_597 = arith.index_cast %scan3A_22 : i32 to index
            %get3A_598 = arith.constant 416 : index
            %get3A_599 = tpu.vector_load %arg4[%get3A_597, %get3A_598] {strides = array<i32>} : memref<16x2048xi32, #tpu.memory_space<vmem>>, vector<1x16xi32>,
            %get3A_600 = vector.shape_cast %get3A_599 : vector<1x16xi32> to vector<16xi32>
            %ge3A_601 = vector.broadcast %add3A_283 : i32 to vector<16xi32>
            %ge3A_602 = arith.cmpi sge, %get3A_600, %ge3A_601 : vector<16xi32>
            %jit3A_603 = arith.constant 1 : i32
            %jit3A_604 = arith.constant 0 : i32
            %broadcast_in_dim3A_605 = vector.broadcast %jit3A_603 : i32 to vector<16xi32>
            %broadcast_in_dim3A_606 = vector.broadcast %jit3A_604 : i32 to vector<16xi32>
            %select_n3A_607 = arith.select %ge3A_602, %broadcast_in_dim3A_605, %broadcast_in_dim3A_606 : vector<16xi1>, vector<16xi32>
            %add3A_608 = arith.addi %add3A_596, %select_n3A_607 : vector<16xi32>
            %get3A_609 = arith.index_cast %scan3A_22 : i32 to index
            %get3A_610 = arith.constant 432 : index
            %get3A_611 = tpu.vector_load %arg4[%get3A_609, %get3A_610] {strides = array<i32>} : memref<16x2048xi32, #tpu.memory_space<vmem>>, vector<1x16xi32>,
            %get3A_612 = vector.shape_cast %get3A_611 : vector<1x16xi32> to vector<16xi32>
            %ge3A_613 = vector.broadcast %add3A_283 : i32 to vector<16xi32>
            %ge3A_614 = arith.cmpi sge, %get3A_612, %ge3A_613 : vector<16xi32>
            %jit3A_615 = arith.constant 1 : i32
            %jit3A_616 = arith.constant 0 : i32
            %broadcast_in_dim3A_617 = vector.broadcast %jit3A_615 : i32 to vector<16xi32>
            %broadcast_in_dim3A_618 = vector.broadcast %jit3A_616 : i32 to vector<16xi32>
            %select_n3A_619 = arith.select %ge3A_614, %broadcast_in_dim3A_617, %broadcast_in_dim3A_618 : vector<16xi1>, vector<16xi32>
            %add3A_620 = arith.addi %add3A_608, %select_n3A_619 : vector<16xi32>
            %get3A_621 = arith.index_cast %scan3A_22 : i32 to index
            %get3A_622 = arith.constant 448 : index
            %get3A_623 = tpu.vector_load %arg4[%get3A_621, %get3A_622] {strides = array<i32>} : memref<16x2048xi32, #tpu.memory_space<vmem>>, vector<1x16xi32>,
            %get3A_624 = vector.shape_cast %get3A_623 : vector<1x16xi32> to vector<16xi32>
            %ge3A_625 = vector.broadcast %add3A_283 : i32 to vector<16xi32>
            %ge3A_626 = arith.cmpi sge, %get3A_624, %ge3A_625 : vector<16xi32>
            %jit3A_627 = arith.constant 1 : i32
            %jit3A_628 = arith.constant 0 : i32
            %broadcast_in_dim3A_629 = vector.broadcast %jit3A_627 : i32 to vector<16xi32>
            %broadcast_in_dim3A_630 = vector.broadcast %jit3A_628 : i32 to vector<16xi32>
            %select_n3A_631 = arith.select %ge3A_626, %broadcast_in_dim3A_629, %broadcast_in_dim3A_630 : vector<16xi1>, vector<16xi32>
            %add3A_632 = arith.addi %add3A_620, %select_n3A_631 : vector<16xi32>
            %get3A_633 = arith.index_cast %scan3A_22 : i32 to index
            %get3A_634 = arith.constant 464 : index
            %get3A_635 = tpu.vector_load %arg4[%get3A_633, %get3A_634] {strides = array<i32>} : memref<16x2048xi32, #tpu.memory_space<vmem>>, vector<1x16xi32>,
            %get3A_636 = vector.shape_cast %get3A_635 : vector<1x16xi32> to vector<16xi32>
            %ge3A_637 = vector.broadcast %add3A_283 : i32 to vector<16xi32>
            %ge3A_638 = arith.cmpi sge, %get3A_636, %ge3A_637 : vector<16xi32>
            %jit3A_639 = arith.constant 1 : i32
            %jit3A_640 = arith.constant 0 : i32
            %broadcast_in_dim3A_641 = vector.broadcast %jit3A_639 : i32 to vector<16xi32>
            %broadcast_in_dim3A_642 = vector.broadcast %jit3A_640 : i32 to vector<16xi32>
            %select_n3A_643 = arith.select %ge3A_638, %broadcast_in_dim3A_641, %broadcast_in_dim3A_642 : vector<16xi1>, vector<16xi32>
            %add3A_644 = arith.addi %add3A_632, %select_n3A_643 : vector<16xi32>
            %get3A_645 = arith.index_cast %scan3A_22 : i32 to index
            %get3A_646 = arith.constant 480 : index
            %get3A_647 = tpu.vector_load %arg4[%get3A_645, %get3A_646] {strides = array<i32>} : memref<16x2048xi32, #tpu.memory_space<vmem>>, vector<1x16xi32>,
            %get3A_648 = vector.shape_cast %get3A_647 : vector<1x16xi32> to vector<16xi32>
            %ge3A_649 = vector.broadcast %add3A_283 : i32 to vector<16xi32>
            %ge3A_650 = arith.cmpi sge, %get3A_648, %ge3A_649 : vector<16xi32>
            %jit3A_651 = arith.constant 1 : i32
            %jit3A_652 = arith.constant 0 : i32
            %broadcast_in_dim3A_653 = vector.broadcast %jit3A_651 : i32 to vector<16xi32>
            %broadcast_in_dim3A_654 = vector.broadcast %jit3A_652 : i32 to vector<16xi32>
            %select_n3A_655 = arith.select %ge3A_650, %broadcast_in_dim3A_653, %broadcast_in_dim3A_654 : vector<16xi1>, vector<16xi32>
            %add3A_656 = arith.addi %add3A_644, %select_n3A_655 : vector<16xi32>
            %get3A_657 = arith.index_cast %scan3A_22 : i32 to index
            %get3A_658 = arith.constant 496 : index
            %get3A_659 = tpu.vector_load %arg4[%get3A_657, %get3A_658] {strides = array<i32>} : memref<16x2048xi32, #tpu.memory_space<vmem>>, vector<1x16xi32>,
            %get3A_660 = vector.shape_cast %get3A_659 : vector<1x16xi32> to vector<16xi32>
            %ge3A_661 = vector.broadcast %add3A_283 : i32 to vector<16xi32>
            %ge3A_662 = arith.cmpi sge, %get3A_660, %ge3A_661 : vector<16xi32>
            %jit3A_663 = arith.constant 1 : i32
            %jit3A_664 = arith.constant 0 : i32
            %broadcast_in_dim3A_665 = vector.broadcast %jit3A_663 : i32 to vector<16xi32>
            %broadcast_in_dim3A_666 = vector.broadcast %jit3A_664 : i32 to vector<16xi32>
            %select_n3A_667 = arith.select %ge3A_662, %broadcast_in_dim3A_665, %broadcast_in_dim3A_666 : vector<16xi1>, vector<16xi32>
            %add3A_668 = arith.addi %add3A_656, %select_n3A_667 : vector<16xi32>
            %get3A_669 = arith.index_cast %scan3A_22 : i32 to index
            %get3A_670 = arith.constant 512 : index
            %get3A_671 = tpu.vector_load %arg4[%get3A_669, %get3A_670] {strides = array<i32>} : memref<16x2048xi32, #tpu.memory_space<vmem>>, vector<1x16xi32>,
            %get3A_672 = vector.shape_cast %get3A_671 : vector<1x16xi32> to vector<16xi32>
            %ge3A_673 = vector.broadcast %add3A_283 : i32 to vector<16xi32>
            %ge3A_674 = arith.cmpi sge, %get3A_672, %ge3A_673 : vector<16xi32>
            %jit3A_675 = arith.constant 1 : i32
            %jit3A_676 = arith.constant 0 : i32
            %broadcast_in_dim3A_677 = vector.broadcast %jit3A_675 : i32 to vector<16xi32>
            %broadcast_in_dim3A_678 = vector.broadcast %jit3A_676 : i32 to vector<16xi32>
            %select_n3A_679 = arith.select %ge3A_674, %broadcast_in_dim3A_677, %broadcast_in_dim3A_678 : vector<16xi1>, vector<16xi32>
            %add3A_680 = arith.addi %add3A_668, %select_n3A_679 : vector<16xi32>
            %get3A_681 = arith.index_cast %scan3A_22 : i32 to index
            %get3A_682 = arith.constant 528 : index
            %get3A_683 = tpu.vector_load %arg4[%get3A_681, %get3A_682] {strides = array<i32>} : memref<16x2048xi32, #tpu.memory_space<vmem>>, vector<1x16xi32>,
            %get3A_684 = vector.shape_cast %get3A_683 : vector<1x16xi32> to vector<16xi32>
            %ge3A_685 = vector.broadcast %add3A_283 : i32 to vector<16xi32>
            %ge3A_686 = arith.cmpi sge, %get3A_684, %ge3A_685 : vector<16xi32>
            %jit3A_687 = arith.constant 1 : i32
            %jit3A_688 = arith.constant 0 : i32
            %broadcast_in_dim3A_689 = vector.broadcast %jit3A_687 : i32 to vector<16xi32>
            %broadcast_in_dim3A_690 = vector.broadcast %jit3A_688 : i32 to vector<16xi32>
            %select_n3A_691 = arith.select %ge3A_686, %broadcast_in_dim3A_689, %broadcast_in_dim3A_690 : vector<16xi1>, vector<16xi32>
            %add3A_692 = arith.addi %add3A_680, %select_n3A_691 : vector<16xi32>
            %get3A_693 = arith.index_cast %scan3A_22 : i32 to index
            %get3A_694 = arith.constant 544 : index
            %get3A_695 = tpu.vector_load %arg4[%get3A_693, %get3A_694] {strides = array<i32>} : memref<16x2048xi32, #tpu.memory_space<vmem>>, vector<1x16xi32>,
            %get3A_696 = vector.shape_cast %get3A_695 : vector<1x16xi32> to vector<16xi32>
            %ge3A_697 = vector.broadcast %add3A_283 : i32 to vector<16xi32>
            %ge3A_698 = arith.cmpi sge, %get3A_696, %ge3A_697 : vector<16xi32>
            %jit3A_699 = arith.constant 1 : i32
            %jit3A_700 = arith.constant 0 : i32
            %broadcast_in_dim3A_701 = vector.broadcast %jit3A_699 : i32 to vector<16xi32>
            %broadcast_in_dim3A_702 = vector.broadcast %jit3A_700 : i32 to vector<16xi32>
            %select_n3A_703 = arith.select %ge3A_698, %broadcast_in_dim3A_701, %broadcast_in_dim3A_702 : vector<16xi1>, vector<16xi32>
            %add3A_704 = arith.addi %add3A_692, %select_n3A_703 : vector<16xi32>
            %get3A_705 = arith.index_cast %scan3A_22 : i32 to index
            %get3A_706 = arith.constant 560 : index
            %get3A_707 = tpu.vector_load %arg4[%get3A_705, %get3A_706] {strides = array<i32>} : memref<16x2048xi32, #tpu.memory_space<vmem>>, vector<1x16xi32>,
            %get3A_708 = vector.shape_cast %get3A_707 : vector<1x16xi32> to vector<16xi32>
            %ge3A_709 = vector.broadcast %add3A_283 : i32 to vector<16xi32>
            %ge3A_710 = arith.cmpi sge, %get3A_708, %ge3A_709 : vector<16xi32>
            %jit3A_711 = arith.constant 1 : i32
            %jit3A_712 = arith.constant 0 : i32
            %broadcast_in_dim3A_713 = vector.broadcast %jit3A_711 : i32 to vector<16xi32>
            %broadcast_in_dim3A_714 = vector.broadcast %jit3A_712 : i32 to vector<16xi32>
            %select_n3A_715 = arith.select %ge3A_710, %broadcast_in_dim3A_713, %broadcast_in_dim3A_714 : vector<16xi1>, vector<16xi32>
            %add3A_716 = arith.addi %add3A_704, %select_n3A_715 : vector<16xi32>
            %get3A_717 = arith.index_cast %scan3A_22 : i32 to index
            %get3A_718 = arith.constant 576 : index
            %get3A_719 = tpu.vector_load %arg4[%get3A_717, %get3A_718] {strides = array<i32>} : memref<16x2048xi32, #tpu.memory_space<vmem>>, vector<1x16xi32>,
            %get3A_720 = vector.shape_cast %get3A_719 : vector<1x16xi32> to vector<16xi32>
            %ge3A_721 = vector.broadcast %add3A_283 : i32 to vector<16xi32>
            %ge3A_722 = arith.cmpi sge, %get3A_720, %ge3A_721 : vector<16xi32>
            %jit3A_723 = arith.constant 1 : i32
            %jit3A_724 = arith.constant 0 : i32
            %broadcast_in_dim3A_725 = vector.broadcast %jit3A_723 : i32 to vector<16xi32>
            %broadcast_in_dim3A_726 = vector.broadcast %jit3A_724 : i32 to vector<16xi32>
            %select_n3A_727 = arith.select %ge3A_722, %broadcast_in_dim3A_725, %broadcast_in_dim3A_726 : vector<16xi1>, vector<16xi32>
            %add3A_728 = arith.addi %add3A_716, %select_n3A_727 : vector<16xi32>
            %get3A_729 = arith.index_cast %scan3A_22 : i32 to index
            %get3A_730 = arith.constant 592 : index
            %get3A_731 = tpu.vector_load %arg4[%get3A_729, %get3A_730] {strides = array<i32>} : memref<16x2048xi32, #tpu.memory_space<vmem>>, vector<1x16xi32>,
            %get3A_732 = vector.shape_cast %get3A_731 : vector<1x16xi32> to vector<16xi32>
            %ge3A_733 = vector.broadcast %add3A_283 : i32 to vector<16xi32>
            %ge3A_734 = arith.cmpi sge, %get3A_732, %ge3A_733 : vector<16xi32>
            %jit3A_735 = arith.constant 1 : i32
            %jit3A_736 = arith.constant 0 : i32
            %broadcast_in_dim3A_737 = vector.broadcast %jit3A_735 : i32 to vector<16xi32>
            %broadcast_in_dim3A_738 = vector.broadcast %jit3A_736 : i32 to vector<16xi32>
            %select_n3A_739 = arith.select %ge3A_734, %broadcast_in_dim3A_737, %broadcast_in_dim3A_738 : vector<16xi1>, vector<16xi32>
            %add3A_740 = arith.addi %add3A_728, %select_n3A_739 : vector<16xi32>
            %get3A_741 = arith.index_cast %scan3A_22 : i32 to index
            %get3A_742 = arith.constant 608 : index
            %get3A_743 = tpu.vector_load %arg4[%get3A_741, %get3A_742] {strides = array<i32>} : memref<16x2048xi32, #tpu.memory_space<vmem>>, vector<1x16xi32>,
            %get3A_744 = vector.shape_cast %get3A_743 : vector<1x16xi32> to vector<16xi32>
            %ge3A_745 = vector.broadcast %add3A_283 : i32 to vector<16xi32>
            %ge3A_746 = arith.cmpi sge, %get3A_744, %ge3A_745 : vector<16xi32>
            %jit3A_747 = arith.constant 1 : i32
            %jit3A_748 = arith.constant 0 : i32
            %broadcast_in_dim3A_749 = vector.broadcast %jit3A_747 : i32 to vector<16xi32>
            %broadcast_in_dim3A_750 = vector.broadcast %jit3A_748 : i32 to vector<16xi32>
            %select_n3A_751 = arith.select %ge3A_746, %broadcast_in_dim3A_749, %broadcast_in_dim3A_750 : vector<16xi1>, vector<16xi32>
            %add3A_752 = arith.addi %add3A_740, %select_n3A_751 : vector<16xi32>
            %get3A_753 = arith.index_cast %scan3A_22 : i32 to index
            %get3A_754 = arith.constant 624 : index
            %get3A_755 = tpu.vector_load %arg4[%get3A_753, %get3A_754] {strides = array<i32>} : memref<16x2048xi32, #tpu.memory_space<vmem>>, vector<1x16xi32>,
            %get3A_756 = vector.shape_cast %get3A_755 : vector<1x16xi32> to vector<16xi32>
            %ge3A_757 = vector.broadcast %add3A_283 : i32 to vector<16xi32>
            %ge3A_758 = arith.cmpi sge, %get3A_756, %ge3A_757 : vector<16xi32>
            %jit3A_759 = arith.constant 1 : i32
            %jit3A_760 = arith.constant 0 : i32
            %broadcast_in_dim3A_761 = vector.broadcast %jit3A_759 : i32 to vector<16xi32>
            %broadcast_in_dim3A_762 = vector.broadcast %jit3A_760 : i32 to vector<16xi32>
            %select_n3A_763 = arith.select %ge3A_758, %broadcast_in_dim3A_761, %broadcast_in_dim3A_762 : vector<16xi1>, vector<16xi32>
            %add3A_764 = arith.addi %add3A_752, %select_n3A_763 : vector<16xi32>
            %get3A_765 = arith.index_cast %scan3A_22 : i32 to index
            %get3A_766 = arith.constant 640 : index
            %get3A_767 = tpu.vector_load %arg4[%get3A_765, %get3A_766] {strides = array<i32>} : memref<16x2048xi32, #tpu.memory_space<vmem>>, vector<1x16xi32>,
            %get3A_768 = vector.shape_cast %get3A_767 : vector<1x16xi32> to vector<16xi32>
            %ge3A_769 = vector.broadcast %add3A_283 : i32 to vector<16xi32>
            %ge3A_770 = arith.cmpi sge, %get3A_768, %ge3A_769 : vector<16xi32>
            %jit3A_771 = arith.constant 1 : i32
            %jit3A_772 = arith.constant 0 : i32
            %broadcast_in_dim3A_773 = vector.broadcast %jit3A_771 : i32 to vector<16xi32>
            %broadcast_in_dim3A_774 = vector.broadcast %jit3A_772 : i32 to vector<16xi32>
            %select_n3A_775 = arith.select %ge3A_770, %broadcast_in_dim3A_773, %broadcast_in_dim3A_774 : vector<16xi1>, vector<16xi32>
            %add3A_776 = arith.addi %add3A_764, %select_n3A_775 : vector<16xi32>
            %get3A_777 = arith.index_cast %scan3A_22 : i32 to index
            %get3A_778 = arith.constant 656 : index
            %get3A_779 = tpu.vector_load %arg4[%get3A_777, %get3A_778] {strides = array<i32>} : memref<16x2048xi32, #tpu.memory_space<vmem>>, vector<1x16xi32>,
            %get3A_780 = vector.shape_cast %get3A_779 : vector<1x16xi32> to vector<16xi32>
            %ge3A_781 = vector.broadcast %add3A_283 : i32 to vector<16xi32>
            %ge3A_782 = arith.cmpi sge, %get3A_780, %ge3A_781 : vector<16xi32>
            %jit3A_783 = arith.constant 1 : i32
            %jit3A_784 = arith.constant 0 : i32
            %broadcast_in_dim3A_785 = vector.broadcast %jit3A_783 : i32 to vector<16xi32>
            %broadcast_in_dim3A_786 = vector.broadcast %jit3A_784 : i32 to vector<16xi32>
            %select_n3A_787 = arith.select %ge3A_782, %broadcast_in_dim3A_785, %broadcast_in_dim3A_786 : vector<16xi1>, vector<16xi32>
            %add3A_788 = arith.addi %add3A_776, %select_n3A_787 : vector<16xi32>
            %get3A_789 = arith.index_cast %scan3A_22 : i32 to index
            %get3A_790 = arith.constant 672 : index
            %get3A_791 = tpu.vector_load %arg4[%get3A_789, %get3A_790] {strides = array<i32>} : memref<16x2048xi32, #tpu.memory_space<vmem>>, vector<1x16xi32>,
            %get3A_792 = vector.shape_cast %get3A_791 : vector<1x16xi32> to vector<16xi32>
            %ge3A_793 = vector.broadcast %add3A_283 : i32 to vector<16xi32>
            %ge3A_794 = arith.cmpi sge, %get3A_792, %ge3A_793 : vector<16xi32>
            %jit3A_795 = arith.constant 1 : i32
            %jit3A_796 = arith.constant 0 : i32
            %broadcast_in_dim3A_797 = vector.broadcast %jit3A_795 : i32 to vector<16xi32>
            %broadcast_in_dim3A_798 = vector.broadcast %jit3A_796 : i32 to vector<16xi32>
            %select_n3A_799 = arith.select %ge3A_794, %broadcast_in_dim3A_797, %broadcast_in_dim3A_798 : vector<16xi1>, vector<16xi32>
            %add3A_800 = arith.addi %add3A_788, %select_n3A_799 : vector<16xi32>
            %get3A_801 = arith.index_cast %scan3A_22 : i32 to index
            %get3A_802 = arith.constant 688 : index
            %get3A_803 = tpu.vector_load %arg4[%get3A_801, %get3A_802] {strides = array<i32>} : memref<16x2048xi32, #tpu.memory_space<vmem>>, vector<1x16xi32>,
            %get3A_804 = vector.shape_cast %get3A_803 : vector<1x16xi32> to vector<16xi32>
            %ge3A_805 = vector.broadcast %add3A_283 : i32 to vector<16xi32>
            %ge3A_806 = arith.cmpi sge, %get3A_804, %ge3A_805 : vector<16xi32>
            %jit3A_807 = arith.constant 1 : i32
            %jit3A_808 = arith.constant 0 : i32
            %broadcast_in_dim3A_809 = vector.broadcast %jit3A_807 : i32 to vector<16xi32>
            %broadcast_in_dim3A_810 = vector.broadcast %jit3A_808 : i32 to vector<16xi32>
            %select_n3A_811 = arith.select %ge3A_806, %broadcast_in_dim3A_809, %broadcast_in_dim3A_810 : vector<16xi1>, vector<16xi32>
            %add3A_812 = arith.addi %add3A_800, %select_n3A_811 : vector<16xi32>
            %get3A_813 = arith.index_cast %scan3A_22 : i32 to index
            %get3A_814 = arith.constant 704 : index
            %get3A_815 = tpu.vector_load %arg4[%get3A_813, %get3A_814] {strides = array<i32>} : memref<16x2048xi32, #tpu.memory_space<vmem>>, vector<1x16xi32>,
            %get3A_816 = vector.shape_cast %get3A_815 : vector<1x16xi32> to vector<16xi32>
            %ge3A_817 = vector.broadcast %add3A_283 : i32 to vector<16xi32>
            %ge3A_818 = arith.cmpi sge, %get3A_816, %ge3A_817 : vector<16xi32>
            %jit3A_819 = arith.constant 1 : i32
            %jit3A_820 = arith.constant 0 : i32
            %broadcast_in_dim3A_821 = vector.broadcast %jit3A_819 : i32 to vector<16xi32>
            %broadcast_in_dim3A_822 = vector.broadcast %jit3A_820 : i32 to vector<16xi32>
            %select_n3A_823 = arith.select %ge3A_818, %broadcast_in_dim3A_821, %broadcast_in_dim3A_822 : vector<16xi1>, vector<16xi32>
            %add3A_824 = arith.addi %add3A_812, %select_n3A_823 : vector<16xi32>
            %get3A_825 = arith.index_cast %scan3A_22 : i32 to index
            %get3A_826 = arith.constant 720 : index
            %get3A_827 = tpu.vector_load %arg4[%get3A_825, %get3A_826] {strides = array<i32>} : memref<16x2048xi32, #tpu.memory_space<vmem>>, vector<1x16xi32>,
            %get3A_828 = vector.shape_cast %get3A_827 : vector<1x16xi32> to vector<16xi32>
            %ge3A_829 = vector.broadcast %add3A_283 : i32 to vector<16xi32>
            %ge3A_830 = arith.cmpi sge, %get3A_828, %ge3A_829 : vector<16xi32>
            %jit3A_831 = arith.constant 1 : i32
            %jit3A_832 = arith.constant 0 : i32
            %broadcast_in_dim3A_833 = vector.broadcast %jit3A_831 : i32 to vector<16xi32>
            %broadcast_in_dim3A_834 = vector.broadcast %jit3A_832 : i32 to vector<16xi32>
            %select_n3A_835 = arith.select %ge3A_830, %broadcast_in_dim3A_833, %broadcast_in_dim3A_834 : vector<16xi1>, vector<16xi32>
            %add3A_836 = arith.addi %add3A_824, %select_n3A_835 : vector<16xi32>
            %get3A_837 = arith.index_cast %scan3A_22 : i32 to index
            %get3A_838 = arith.constant 736 : index
            %get3A_839 = tpu.vector_load %arg4[%get3A_837, %get3A_838] {strides = array<i32>} : memref<16x2048xi32, #tpu.memory_space<vmem>>, vector<1x16xi32>,
            %get3A_840 = vector.shape_cast %get3A_839 : vector<1x16xi32> to vector<16xi32>
            %ge3A_841 = vector.broadcast %add3A_283 : i32 to vector<16xi32>
            %ge3A_842 = arith.cmpi sge, %get3A_840, %ge3A_841 : vector<16xi32>
            %jit3A_843 = arith.constant 1 : i32
            %jit3A_844 = arith.constant 0 : i32
            %broadcast_in_dim3A_845 = vector.broadcast %jit3A_843 : i32 to vector<16xi32>
            %broadcast_in_dim3A_846 = vector.broadcast %jit3A_844 : i32 to vector<16xi32>
            %select_n3A_847 = arith.select %ge3A_842, %broadcast_in_dim3A_845, %broadcast_in_dim3A_846 : vector<16xi1>, vector<16xi32>
            %add3A_848 = arith.addi %add3A_836, %select_n3A_847 : vector<16xi32>
            %get3A_849 = arith.index_cast %scan3A_22 : i32 to index
            %get3A_850 = arith.constant 752 : index
            %get3A_851 = tpu.vector_load %arg4[%get3A_849, %get3A_850] {strides = array<i32>} : memref<16x2048xi32, #tpu.memory_space<vmem>>, vector<1x16xi32>,
            %get3A_852 = vector.shape_cast %get3A_851 : vector<1x16xi32> to vector<16xi32>
            %ge3A_853 = vector.broadcast %add3A_283 : i32 to vector<16xi32>
            %ge3A_854 = arith.cmpi sge, %get3A_852, %ge3A_853 : vector<16xi32>
            %jit3A_855 = arith.constant 1 : i32
            %jit3A_856 = arith.constant 0 : i32
            %broadcast_in_dim3A_857 = vector.broadcast %jit3A_855 : i32 to vector<16xi32>
            %broadcast_in_dim3A_858 = vector.broadcast %jit3A_856 : i32 to vector<16xi32>
            %select_n3A_859 = arith.select %ge3A_854, %broadcast_in_dim3A_857, %broadcast_in_dim3A_858 : vector<16xi1>, vector<16xi32>
            %add3A_860 = arith.addi %add3A_848, %select_n3A_859 : vector<16xi32>
            %get3A_861 = arith.index_cast %scan3A_22 : i32 to index
            %get3A_862 = arith.constant 768 : index
            %get3A_863 = tpu.vector_load %arg4[%get3A_861, %get3A_862] {strides = array<i32>} : memref<16x2048xi32, #tpu.memory_space<vmem>>, vector<1x16xi32>,
            %get3A_864 = vector.shape_cast %get3A_863 : vector<1x16xi32> to vector<16xi32>
            %ge3A_865 = vector.broadcast %add3A_283 : i32 to vector<16xi32>
            %ge3A_866 = arith.cmpi sge, %get3A_864, %ge3A_865 : vector<16xi32>
            %jit3A_867 = arith.constant 1 : i32
            %jit3A_868 = arith.constant 0 : i32
            %broadcast_in_dim3A_869 = vector.broadcast %jit3A_867 : i32 to vector<16xi32>
            %broadcast_in_dim3A_870 = vector.broadcast %jit3A_868 : i32 to vector<16xi32>
            %select_n3A_871 = arith.select %ge3A_866, %broadcast_in_dim3A_869, %broadcast_in_dim3A_870 : vector<16xi1>, vector<16xi32>
            %add3A_872 = arith.addi %add3A_860, %select_n3A_871 : vector<16xi32>
            %get3A_873 = arith.index_cast %scan3A_22 : i32 to index
            %get3A_874 = arith.constant 784 : index
            %get3A_875 = tpu.vector_load %arg4[%get3A_873, %get3A_874] {strides = array<i32>} : memref<16x2048xi32, #tpu.memory_space<vmem>>, vector<1x16xi32>,
            %get3A_876 = vector.shape_cast %get3A_875 : vector<1x16xi32> to vector<16xi32>
            %ge3A_877 = vector.broadcast %add3A_283 : i32 to vector<16xi32>
            %ge3A_878 = arith.cmpi sge, %get3A_876, %ge3A_877 : vector<16xi32>
            %jit3A_879 = arith.constant 1 : i32
            %jit3A_880 = arith.constant 0 : i32
            %broadcast_in_dim3A_881 = vector.broadcast %jit3A_879 : i32 to vector<16xi32>
            %broadcast_in_dim3A_882 = vector.broadcast %jit3A_880 : i32 to vector<16xi32>
            %select_n3A_883 = arith.select %ge3A_878, %broadcast_in_dim3A_881, %broadcast_in_dim3A_882 : vector<16xi1>, vector<16xi32>
            %add3A_884 = arith.addi %add3A_872, %select_n3A_883 : vector<16xi32>
            %get3A_885 = arith.index_cast %scan3A_22 : i32 to index
            %get3A_886 = arith.constant 800 : index
            %get3A_887 = tpu.vector_load %arg4[%get3A_885, %get3A_886] {strides = array<i32>} : memref<16x2048xi32, #tpu.memory_space<vmem>>, vector<1x16xi32>,
            %get3A_888 = vector.shape_cast %get3A_887 : vector<1x16xi32> to vector<16xi32>
            %ge3A_889 = vector.broadcast %add3A_283 : i32 to vector<16xi32>
            %ge3A_890 = arith.cmpi sge, %get3A_888, %ge3A_889 : vector<16xi32>
            %jit3A_891 = arith.constant 1 : i32
            %jit3A_892 = arith.constant 0 : i32
            %broadcast_in_dim3A_893 = vector.broadcast %jit3A_891 : i32 to vector<16xi32>
            %broadcast_in_dim3A_894 = vector.broadcast %jit3A_892 : i32 to vector<16xi32>
            %select_n3A_895 = arith.select %ge3A_890, %broadcast_in_dim3A_893, %broadcast_in_dim3A_894 : vector<16xi1>, vector<16xi32>
            %add3A_896 = arith.addi %add3A_884, %select_n3A_895 : vector<16xi32>
            %get3A_897 = arith.index_cast %scan3A_22 : i32 to index
            %get3A_898 = arith.constant 816 : index
            %get3A_899 = tpu.vector_load %arg4[%get3A_897, %get3A_898] {strides = array<i32>} : memref<16x2048xi32, #tpu.memory_space<vmem>>, vector<1x16xi32>,
            %get3A_900 = vector.shape_cast %get3A_899 : vector<1x16xi32> to vector<16xi32>
            %ge3A_901 = vector.broadcast %add3A_283 : i32 to vector<16xi32>
            %ge3A_902 = arith.cmpi sge, %get3A_900, %ge3A_901 : vector<16xi32>
            %jit3A_903 = arith.constant 1 : i32
            %jit3A_904 = arith.constant 0 : i32
            %broadcast_in_dim3A_905 = vector.broadcast %jit3A_903 : i32 to vector<16xi32>
            %broadcast_in_dim3A_906 = vector.broadcast %jit3A_904 : i32 to vector<16xi32>
            %select_n3A_907 = arith.select %ge3A_902, %broadcast_in_dim3A_905, %broadcast_in_dim3A_906 : vector<16xi1>, vector<16xi32>
            %add3A_908 = arith.addi %add3A_896, %select_n3A_907 : vector<16xi32>
            %get3A_909 = arith.index_cast %scan3A_22 : i32 to index
            %get3A_910 = arith.constant 832 : index
            %get3A_911 = tpu.vector_load %arg4[%get3A_909, %get3A_910] {strides = array<i32>} : memref<16x2048xi32, #tpu.memory_space<vmem>>, vector<1x16xi32>,
            %get3A_912 = vector.shape_cast %get3A_911 : vector<1x16xi32> to vector<16xi32>
            %ge3A_913 = vector.broadcast %add3A_283 : i32 to vector<16xi32>
            %ge3A_914 = arith.cmpi sge, %get3A_912, %ge3A_913 : vector<16xi32>
            %jit3A_915 = arith.constant 1 : i32
            %jit3A_916 = arith.constant 0 : i32
            %broadcast_in_dim3A_917 = vector.broadcast %jit3A_915 : i32 to vector<16xi32>
            %broadcast_in_dim3A_918 = vector.broadcast %jit3A_916 : i32 to vector<16xi32>
            %select_n3A_919 = arith.select %ge3A_914, %broadcast_in_dim3A_917, %broadcast_in_dim3A_918 : vector<16xi1>, vector<16xi32>
            %add3A_920 = arith.addi %add3A_908, %select_n3A_919 : vector<16xi32>
            %get3A_921 = arith.index_cast %scan3A_22 : i32 to index
            %get3A_922 = arith.constant 848 : index
            %get3A_923 = tpu.vector_load %arg4[%get3A_921, %get3A_922] {strides = array<i32>} : memref<16x2048xi32, #tpu.memory_space<vmem>>, vector<1x16xi32>,
            %get3A_924 = vector.shape_cast %get3A_923 : vector<1x16xi32> to vector<16xi32>
            %ge3A_925 = vector.broadcast %add3A_283 : i32 to vector<16xi32>
            %ge3A_926 = arith.cmpi sge, %get3A_924, %ge3A_925 : vector<16xi32>
            %jit3A_927 = arith.constant 1 : i32
            %jit3A_928 = arith.constant 0 : i32
            %broadcast_in_dim3A_929 = vector.broadcast %jit3A_927 : i32 to vector<16xi32>
            %broadcast_in_dim3A_930 = vector.broadcast %jit3A_928 : i32 to vector<16xi32>
            %select_n3A_931 = arith.select %ge3A_926, %broadcast_in_dim3A_929, %broadcast_in_dim3A_930 : vector<16xi1>, vector<16xi32>
            %add3A_932 = arith.addi %add3A_920, %select_n3A_931 : vector<16xi32>
            %get3A_933 = arith.index_cast %scan3A_22 : i32 to index
            %get3A_934 = arith.constant 864 : index
            %get3A_935 = tpu.vector_load %arg4[%get3A_933, %get3A_934] {strides = array<i32>} : memref<16x2048xi32, #tpu.memory_space<vmem>>, vector<1x16xi32>,
            %get3A_936 = vector.shape_cast %get3A_935 : vector<1x16xi32> to vector<16xi32>
            %ge3A_937 = vector.broadcast %add3A_283 : i32 to vector<16xi32>
            %ge3A_938 = arith.cmpi sge, %get3A_936, %ge3A_937 : vector<16xi32>
            %jit3A_939 = arith.constant 1 : i32
            %jit3A_940 = arith.constant 0 : i32
            %broadcast_in_dim3A_941 = vector.broadcast %jit3A_939 : i32 to vector<16xi32>
            %broadcast_in_dim3A_942 = vector.broadcast %jit3A_940 : i32 to vector<16xi32>
            %select_n3A_943 = arith.select %ge3A_938, %broadcast_in_dim3A_941, %broadcast_in_dim3A_942 : vector<16xi1>, vector<16xi32>
            %add3A_944 = arith.addi %add3A_932, %select_n3A_943 : vector<16xi32>
            %get3A_945 = arith.index_cast %scan3A_22 : i32 to index
            %get3A_946 = arith.constant 880 : index
            %get3A_947 = tpu.vector_load %arg4[%get3A_945, %get3A_946] {strides = array<i32>} : memref<16x2048xi32, #tpu.memory_space<vmem>>, vector<1x16xi32>,
            %get3A_948 = vector.shape_cast %get3A_947 : vector<1x16xi32> to vector<16xi32>
            %ge3A_949 = vector.broadcast %add3A_283 : i32 to vector<16xi32>
            %ge3A_950 = arith.cmpi sge, %get3A_948, %ge3A_949 : vector<16xi32>
            %jit3A_951 = arith.constant 1 : i32
            %jit3A_952 = arith.constant 0 : i32
            %broadcast_in_dim3A_953 = vector.broadcast %jit3A_951 : i32 to vector<16xi32>
            %broadcast_in_dim3A_954 = vector.broadcast %jit3A_952 : i32 to vector<16xi32>
            %select_n3A_955 = arith.select %ge3A_950, %broadcast_in_dim3A_953, %broadcast_in_dim3A_954 : vector<16xi1>, vector<16xi32>
            %add3A_956 = arith.addi %add3A_944, %select_n3A_955 : vector<16xi32>
            %get3A_957 = arith.index_cast %scan3A_22 : i32 to index
            %get3A_958 = arith.constant 896 : index
            %get3A_959 = tpu.vector_load %arg4[%get3A_957, %get3A_958] {strides = array<i32>} : memref<16x2048xi32, #tpu.memory_space<vmem>>, vector<1x16xi32>,
            %get3A_960 = vector.shape_cast %get3A_959 : vector<1x16xi32> to vector<16xi32>
            %ge3A_961 = vector.broadcast %add3A_283 : i32 to vector<16xi32>
            %ge3A_962 = arith.cmpi sge, %get3A_960, %ge3A_961 : vector<16xi32>
            %jit3A_963 = arith.constant 1 : i32
            %jit3A_964 = arith.constant 0 : i32
            %broadcast_in_dim3A_965 = vector.broadcast %jit3A_963 : i32 to vector<16xi32>
            %broadcast_in_dim3A_966 = vector.broadcast %jit3A_964 : i32 to vector<16xi32>
            %select_n3A_967 = arith.select %ge3A_962, %broadcast_in_dim3A_965, %broadcast_in_dim3A_966 : vector<16xi1>, vector<16xi32>
            %add3A_968 = arith.addi %add3A_956, %select_n3A_967 : vector<16xi32>
            %get3A_969 = arith.index_cast %scan3A_22 : i32 to index
            %get3A_970 = arith.constant 912 : index
            %get3A_971 = tpu.vector_load %arg4[%get3A_969, %get3A_970] {strides = array<i32>} : memref<16x2048xi32, #tpu.memory_space<vmem>>, vector<1x16xi32>,
            %get3A_972 = vector.shape_cast %get3A_971 : vector<1x16xi32> to vector<16xi32>
            %ge3A_973 = vector.broadcast %add3A_283 : i32 to vector<16xi32>
            %ge3A_974 = arith.cmpi sge, %get3A_972, %ge3A_973 : vector<16xi32>
            %jit3A_975 = arith.constant 1 : i32
            %jit3A_976 = arith.constant 0 : i32
            %broadcast_in_dim3A_977 = vector.broadcast %jit3A_975 : i32 to vector<16xi32>
            %broadcast_in_dim3A_978 = vector.broadcast %jit3A_976 : i32 to vector<16xi32>
            %select_n3A_979 = arith.select %ge3A_974, %broadcast_in_dim3A_977, %broadcast_in_dim3A_978 : vector<16xi1>, vector<16xi32>
            %add3A_980 = arith.addi %add3A_968, %select_n3A_979 : vector<16xi32>
            %get3A_981 = arith.index_cast %scan3A_22 : i32 to index
            %get3A_982 = arith.constant 928 : index
            %get3A_983 = tpu.vector_load %arg4[%get3A_981, %get3A_982] {strides = array<i32>} : memref<16x2048xi32, #tpu.memory_space<vmem>>, vector<1x16xi32>,
            %get3A_984 = vector.shape_cast %get3A_983 : vector<1x16xi32> to vector<16xi32>
            %ge3A_985 = vector.broadcast %add3A_283 : i32 to vector<16xi32>
            %ge3A_986 = arith.cmpi sge, %get3A_984, %ge3A_985 : vector<16xi32>
            %jit3A_987 = arith.constant 1 : i32
            %jit3A_988 = arith.constant 0 : i32
            %broadcast_in_dim3A_989 = vector.broadcast %jit3A_987 : i32 to vector<16xi32>
            %broadcast_in_dim3A_990 = vector.broadcast %jit3A_988 : i32 to vector<16xi32>
            %select_n3A_991 = arith.select %ge3A_986, %broadcast_in_dim3A_989, %broadcast_in_dim3A_990 : vector<16xi1>, vector<16xi32>
            %add3A_992 = arith.addi %add3A_980, %select_n3A_991 : vector<16xi32>
            %get3A_993 = arith.index_cast %scan3A_22 : i32 to index
            %get3A_994 = arith.constant 944 : index
            %get3A_995 = tpu.vector_load %arg4[%get3A_993, %get3A_994] {strides = array<i32>} : memref<16x2048xi32, #tpu.memory_space<vmem>>, vector<1x16xi32>,
            %get3A_996 = vector.shape_cast %get3A_995 : vector<1x16xi32> to vector<16xi32>
            %ge3A_997 = vector.broadcast %add3A_283 : i32 to vector<16xi32>
            %ge3A_998 = arith.cmpi sge, %get3A_996, %ge3A_997 : vector<16xi32>
            %jit3A_999 = arith.constant 1 : i32
            %jit3A_1000 = arith.constant 0 : i32
            %broadcast_in_dim3A_1001 = vector.broadcast %jit3A_999 : i32 to vector<16xi32>
            %broadcast_in_dim3A_1002 = vector.broadcast %jit3A_1000 : i32 to vector<16xi32>
            %select_n3A_1003 = arith.select %ge3A_998, %broadcast_in_dim3A_1001, %broadcast_in_dim3A_1002 : vector<16xi1>, vector<16xi32>
            %add3A_1004 = arith.addi %add3A_992, %select_n3A_1003 : vector<16xi32>
            %get3A_1005 = arith.index_cast %scan3A_22 : i32 to index
            %get3A_1006 = arith.constant 960 : index
            %get3A_1007 = tpu.vector_load %arg4[%get3A_1005, %get3A_1006] {strides = array<i32>} : memref<16x2048xi32, #tpu.memory_space<vmem>>, vector<1x16xi32>,
            %get3A_1008 = vector.shape_cast %get3A_1007 : vector<1x16xi32> to vector<16xi32>
            %ge3A_1009 = vector.broadcast %add3A_283 : i32 to vector<16xi32>
            %ge3A_1010 = arith.cmpi sge, %get3A_1008, %ge3A_1009 : vector<16xi32>
            %jit3A_1011 = arith.constant 1 : i32
            %jit3A_1012 = arith.constant 0 : i32
            %broadcast_in_dim3A_1013 = vector.broadcast %jit3A_1011 : i32 to vector<16xi32>
            %broadcast_in_dim3A_1014 = vector.broadcast %jit3A_1012 : i32 to vector<16xi32>
            %select_n3A_1015 = arith.select %ge3A_1010, %broadcast_in_dim3A_1013, %broadcast_in_dim3A_1014 : vector<16xi1>, vector<16xi32>
            %add3A_1016 = arith.addi %add3A_1004, %select_n3A_1015 : vector<16xi32>
            %get3A_1017 = arith.index_cast %scan3A_22 : i32 to index
            %get3A_1018 = arith.constant 976 : index
            %get3A_1019 = tpu.vector_load %arg4[%get3A_1017, %get3A_1018] {strides = array<i32>} : memref<16x2048xi32, #tpu.memory_space<vmem>>, vector<1x16xi32>,
            %get3A_1020 = vector.shape_cast %get3A_1019 : vector<1x16xi32> to vector<16xi32>
            %ge3A_1021 = vector.broadcast %add3A_283 : i32 to vector<16xi32>
            %ge3A_1022 = arith.cmpi sge, %get3A_1020, %ge3A_1021 : vector<16xi32>
            %jit3A_1023 = arith.constant 1 : i32
            %jit3A_1024 = arith.constant 0 : i32
            %broadcast_in_dim3A_1025 = vector.broadcast %jit3A_1023 : i32 to vector<16xi32>
            %broadcast_in_dim3A_1026 = vector.broadcast %jit3A_1024 : i32 to vector<16xi32>
            %select_n3A_1027 = arith.select %ge3A_1022, %broadcast_in_dim3A_1025, %broadcast_in_dim3A_1026 : vector<16xi1>, vector<16xi32>
            %add3A_1028 = arith.addi %add3A_1016, %select_n3A_1027 : vector<16xi32>
            %get3A_1029 = arith.index_cast %scan3A_22 : i32 to index
            %get3A_1030 = arith.constant 992 : index
            %get3A_1031 = tpu.vector_load %arg4[%get3A_1029, %get3A_1030] {strides = array<i32>} : memref<16x2048xi32, #tpu.memory_space<vmem>>, vector<1x16xi32>,
            %get3A_1032 = vector.shape_cast %get3A_1031 : vector<1x16xi32> to vector<16xi32>
            %ge3A_1033 = vector.broadcast %add3A_283 : i32 to vector<16xi32>
            %ge3A_1034 = arith.cmpi sge, %get3A_1032, %ge3A_1033 : vector<16xi32>
            %jit3A_1035 = arith.constant 1 : i32
            %jit3A_1036 = arith.constant 0 : i32
            %broadcast_in_dim3A_1037 = vector.broadcast %jit3A_1035 : i32 to vector<16xi32>
            %broadcast_in_dim3A_1038 = vector.broadcast %jit3A_1036 : i32 to vector<16xi32>
            %select_n3A_1039 = arith.select %ge3A_1034, %broadcast_in_dim3A_1037, %broadcast_in_dim3A_1038 : vector<16xi1>, vector<16xi32>
            %add3A_1040 = arith.addi %add3A_1028, %select_n3A_1039 : vector<16xi32>
            %get3A_1041 = arith.index_cast %scan3A_22 : i32 to index
            %get3A_1042 = arith.constant 1008 : index
            %get3A_1043 = tpu.vector_load %arg4[%get3A_1041, %get3A_1042] {strides = array<i32>} : memref<16x2048xi32, #tpu.memory_space<vmem>>, vector<1x16xi32>,
            %get3A_1044 = vector.shape_cast %get3A_1043 : vector<1x16xi32> to vector<16xi32>
            %ge3A_1045 = vector.broadcast %add3A_283 : i32 to vector<16xi32>
            %ge3A_1046 = arith.cmpi sge, %get3A_1044, %ge3A_1045 : vector<16xi32>
            %jit3A_1047 = arith.constant 1 : i32
            %jit3A_1048 = arith.constant 0 : i32
            %broadcast_in_dim3A_1049 = vector.broadcast %jit3A_1047 : i32 to vector<16xi32>
            %broadcast_in_dim3A_1050 = vector.broadcast %jit3A_1048 : i32 to vector<16xi32>
            %select_n3A_1051 = arith.select %ge3A_1046, %broadcast_in_dim3A_1049, %broadcast_in_dim3A_1050 : vector<16xi1>, vector<16xi32>
            %add3A_1052 = arith.addi %add3A_1040, %select_n3A_1051 : vector<16xi32>
            %get3A_1053 = arith.index_cast %scan3A_22 : i32 to index
            %get3A_1054 = arith.constant 1024 : index
            %get3A_1055 = tpu.vector_load %arg4[%get3A_1053, %get3A_1054] {strides = array<i32>} : memref<16x2048xi32, #tpu.memory_space<vmem>>, vector<1x16xi32>,
            %get3A_1056 = vector.shape_cast %get3A_1055 : vector<1x16xi32> to vector<16xi32>
            %ge3A_1057 = vector.broadcast %add3A_283 : i32 to vector<16xi32>
            %ge3A_1058 = arith.cmpi sge, %get3A_1056, %ge3A_1057 : vector<16xi32>
            %jit3A_1059 = arith.constant 1 : i32
            %jit3A_1060 = arith.constant 0 : i32
            %broadcast_in_dim3A_1061 = vector.broadcast %jit3A_1059 : i32 to vector<16xi32>
            %broadcast_in_dim3A_1062 = vector.broadcast %jit3A_1060 : i32 to vector<16xi32>
            %select_n3A_1063 = arith.select %ge3A_1058, %broadcast_in_dim3A_1061, %broadcast_in_dim3A_1062 : vector<16xi1>, vector<16xi32>
            %add3A_1064 = arith.addi %add3A_1052, %select_n3A_1063 : vector<16xi32>
            %get3A_1065 = arith.index_cast %scan3A_22 : i32 to index
            %get3A_1066 = arith.constant 1040 : index
            %get3A_1067 = tpu.vector_load %arg4[%get3A_1065, %get3A_1066] {strides = array<i32>} : memref<16x2048xi32, #tpu.memory_space<vmem>>, vector<1x16xi32>,
            %get3A_1068 = vector.shape_cast %get3A_1067 : vector<1x16xi32> to vector<16xi32>
            %ge3A_1069 = vector.broadcast %add3A_283 : i32 to vector<16xi32>
            %ge3A_1070 = arith.cmpi sge, %get3A_1068, %ge3A_1069 : vector<16xi32>
            %jit3A_1071 = arith.constant 1 : i32
            %jit3A_1072 = arith.constant 0 : i32
            %broadcast_in_dim3A_1073 = vector.broadcast %jit3A_1071 : i32 to vector<16xi32>
            %broadcast_in_dim3A_1074 = vector.broadcast %jit3A_1072 : i32 to vector<16xi32>
            %select_n3A_1075 = arith.select %ge3A_1070, %broadcast_in_dim3A_1073, %broadcast_in_dim3A_1074 : vector<16xi1>, vector<16xi32>
            %add3A_1076 = arith.addi %add3A_1064, %select_n3A_1075 : vector<16xi32>
            %get3A_1077 = arith.index_cast %scan3A_22 : i32 to index
            %get3A_1078 = arith.constant 1056 : index
            %get3A_1079 = tpu.vector_load %arg4[%get3A_1077, %get3A_1078] {strides = array<i32>} : memref<16x2048xi32, #tpu.memory_space<vmem>>, vector<1x16xi32>,
            %get3A_1080 = vector.shape_cast %get3A_1079 : vector<1x16xi32> to vector<16xi32>
            %ge3A_1081 = vector.broadcast %add3A_283 : i32 to vector<16xi32>
            %ge3A_1082 = arith.cmpi sge, %get3A_1080, %ge3A_1081 : vector<16xi32>
            %jit3A_1083 = arith.constant 1 : i32
            %jit3A_1084 = arith.constant 0 : i32
            %broadcast_in_dim3A_1085 = vector.broadcast %jit3A_1083 : i32 to vector<16xi32>
            %broadcast_in_dim3A_1086 = vector.broadcast %jit3A_1084 : i32 to vector<16xi32>
            %select_n3A_1087 = arith.select %ge3A_1082, %broadcast_in_dim3A_1085, %broadcast_in_dim3A_1086 : vector<16xi1>, vector<16xi32>
            %add3A_1088 = arith.addi %add3A_1076, %select_n3A_1087 : vector<16xi32>
            %get3A_1089 = arith.index_cast %scan3A_22 : i32 to index
            %get3A_1090 = arith.constant 1072 : index
            %get3A_1091 = tpu.vector_load %arg4[%get3A_1089, %get3A_1090] {strides = array<i32>} : memref<16x2048xi32, #tpu.memory_space<vmem>>, vector<1x16xi32>,
            %get3A_1092 = vector.shape_cast %get3A_1091 : vector<1x16xi32> to vector<16xi32>
            %ge3A_1093 = vector.broadcast %add3A_283 : i32 to vector<16xi32>
            %ge3A_1094 = arith.cmpi sge, %get3A_1092, %ge3A_1093 : vector<16xi32>
            %jit3A_1095 = arith.constant 1 : i32
            %jit3A_1096 = arith.constant 0 : i32
            %broadcast_in_dim3A_1097 = vector.broadcast %jit3A_1095 : i32 to vector<16xi32>
            %broadcast_in_dim3A_1098 = vector.broadcast %jit3A_1096 : i32 to vector<16xi32>
            %select_n3A_1099 = arith.select %ge3A_1094, %broadcast_in_dim3A_1097, %broadcast_in_dim3A_1098 : vector<16xi1>, vector<16xi32>
            %add3A_1100 = arith.addi %add3A_1088, %select_n3A_1099 : vector<16xi32>
            %get3A_1101 = arith.index_cast %scan3A_22 : i32 to index
            %get3A_1102 = arith.constant 1088 : index
            %get3A_1103 = tpu.vector_load %arg4[%get3A_1101, %get3A_1102] {strides = array<i32>} : memref<16x2048xi32, #tpu.memory_space<vmem>>, vector<1x16xi32>,
            %get3A_1104 = vector.shape_cast %get3A_1103 : vector<1x16xi32> to vector<16xi32>
            %ge3A_1105 = vector.broadcast %add3A_283 : i32 to vector<16xi32>
            %ge3A_1106 = arith.cmpi sge, %get3A_1104, %ge3A_1105 : vector<16xi32>
            %jit3A_1107 = arith.constant 1 : i32
            %jit3A_1108 = arith.constant 0 : i32
            %broadcast_in_dim3A_1109 = vector.broadcast %jit3A_1107 : i32 to vector<16xi32>
            %broadcast_in_dim3A_1110 = vector.broadcast %jit3A_1108 : i32 to vector<16xi32>
            %select_n3A_1111 = arith.select %ge3A_1106, %broadcast_in_dim3A_1109, %broadcast_in_dim3A_1110 : vector<16xi1>, vector<16xi32>
            %add3A_1112 = arith.addi %add3A_1100, %select_n3A_1111 : vector<16xi32>
            %get3A_1113 = arith.index_cast %scan3A_22 : i32 to index
            %get3A_1114 = arith.constant 1104 : index
            %get3A_1115 = tpu.vector_load %arg4[%get3A_1113, %get3A_1114] {strides = array<i32>} : memref<16x2048xi32, #tpu.memory_space<vmem>>, vector<1x16xi32>,
            %get3A_1116 = vector.shape_cast %get3A_1115 : vector<1x16xi32> to vector<16xi32>
            %ge3A_1117 = vector.broadcast %add3A_283 : i32 to vector<16xi32>
            %ge3A_1118 = arith.cmpi sge, %get3A_1116, %ge3A_1117 : vector<16xi32>
            %jit3A_1119 = arith.constant 1 : i32
            %jit3A_1120 = arith.constant 0 : i32
            %broadcast_in_dim3A_1121 = vector.broadcast %jit3A_1119 : i32 to vector<16xi32>
            %broadcast_in_dim3A_1122 = vector.broadcast %jit3A_1120 : i32 to vector<16xi32>
            %select_n3A_1123 = arith.select %ge3A_1118, %broadcast_in_dim3A_1121, %broadcast_in_dim3A_1122 : vector<16xi1>, vector<16xi32>
            %add3A_1124 = arith.addi %add3A_1112, %select_n3A_1123 : vector<16xi32>
            %get3A_1125 = arith.index_cast %scan3A_22 : i32 to index
            %get3A_1126 = arith.constant 1120 : index
            %get3A_1127 = tpu.vector_load %arg4[%get3A_1125, %get3A_1126] {strides = array<i32>} : memref<16x2048xi32, #tpu.memory_space<vmem>>, vector<1x16xi32>,
            %get3A_1128 = vector.shape_cast %get3A_1127 : vector<1x16xi32> to vector<16xi32>
            %ge3A_1129 = vector.broadcast %add3A_283 : i32 to vector<16xi32>
            %ge3A_1130 = arith.cmpi sge, %get3A_1128, %ge3A_1129 : vector<16xi32>
            %jit3A_1131 = arith.constant 1 : i32
            %jit3A_1132 = arith.constant 0 : i32
            %broadcast_in_dim3A_1133 = vector.broadcast %jit3A_1131 : i32 to vector<16xi32>
            %broadcast_in_dim3A_1134 = vector.broadcast %jit3A_1132 : i32 to vector<16xi32>
            %select_n3A_1135 = arith.select %ge3A_1130, %broadcast_in_dim3A_1133, %broadcast_in_dim3A_1134 : vector<16xi1>, vector<16xi32>
            %add3A_1136 = arith.addi %add3A_1124, %select_n3A_1135 : vector<16xi32>
            %get3A_1137 = arith.index_cast %scan3A_22 : i32 to index
            %get3A_1138 = arith.constant 1136 : index
            %get3A_1139 = tpu.vector_load %arg4[%get3A_1137, %get3A_1138] {strides = array<i32>} : memref<16x2048xi32, #tpu.memory_space<vmem>>, vector<1x16xi32>,
            %get3A_1140 = vector.shape_cast %get3A_1139 : vector<1x16xi32> to vector<16xi32>
            %ge3A_1141 = vector.broadcast %add3A_283 : i32 to vector<16xi32>
            %ge3A_1142 = arith.cmpi sge, %get3A_1140, %ge3A_1141 : vector<16xi32>
            %jit3A_1143 = arith.constant 1 : i32
            %jit3A_1144 = arith.constant 0 : i32
            %broadcast_in_dim3A_1145 = vector.broadcast %jit3A_1143 : i32 to vector<16xi32>
            %broadcast_in_dim3A_1146 = vector.broadcast %jit3A_1144 : i32 to vector<16xi32>
            %select_n3A_1147 = arith.select %ge3A_1142, %broadcast_in_dim3A_1145, %broadcast_in_dim3A_1146 : vector<16xi1>, vector<16xi32>
            %add3A_1148 = arith.addi %add3A_1136, %select_n3A_1147 : vector<16xi32>
            %get3A_1149 = arith.index_cast %scan3A_22 : i32 to index
            %get3A_1150 = arith.constant 1152 : index
            %get3A_1151 = tpu.vector_load %arg4[%get3A_1149, %get3A_1150] {strides = array<i32>} : memref<16x2048xi32, #tpu.memory_space<vmem>>, vector<1x16xi32>,
            %get3A_1152 = vector.shape_cast %get3A_1151 : vector<1x16xi32> to vector<16xi32>
            %ge3A_1153 = vector.broadcast %add3A_283 : i32 to vector<16xi32>
            %ge3A_1154 = arith.cmpi sge, %get3A_1152, %ge3A_1153 : vector<16xi32>
            %jit3A_1155 = arith.constant 1 : i32
            %jit3A_1156 = arith.constant 0 : i32
            %broadcast_in_dim3A_1157 = vector.broadcast %jit3A_1155 : i32 to vector<16xi32>
            %broadcast_in_dim3A_1158 = vector.broadcast %jit3A_1156 : i32 to vector<16xi32>
            %select_n3A_1159 = arith.select %ge3A_1154, %broadcast_in_dim3A_1157, %broadcast_in_dim3A_1158 : vector<16xi1>, vector<16xi32>
            %add3A_1160 = arith.addi %add3A_1148, %select_n3A_1159 : vector<16xi32>
            %get3A_1161 = arith.index_cast %scan3A_22 : i32 to index
            %get3A_1162 = arith.constant 1168 : index
            %get3A_1163 = tpu.vector_load %arg4[%get3A_1161, %get3A_1162] {strides = array<i32>} : memref<16x2048xi32, #tpu.memory_space<vmem>>, vector<1x16xi32>,
            %get3A_1164 = vector.shape_cast %get3A_1163 : vector<1x16xi32> to vector<16xi32>
            %ge3A_1165 = vector.broadcast %add3A_283 : i32 to vector<16xi32>
            %ge3A_1166 = arith.cmpi sge, %get3A_1164, %ge3A_1165 : vector<16xi32>
            %jit3A_1167 = arith.constant 1 : i32
            %jit3A_1168 = arith.constant 0 : i32
            %broadcast_in_dim3A_1169 = vector.broadcast %jit3A_1167 : i32 to vector<16xi32>
            %broadcast_in_dim3A_1170 = vector.broadcast %jit3A_1168 : i32 to vector<16xi32>
            %select_n3A_1171 = arith.select %ge3A_1166, %broadcast_in_dim3A_1169, %broadcast_in_dim3A_1170 : vector<16xi1>, vector<16xi32>
            %add3A_1172 = arith.addi %add3A_1160, %select_n3A_1171 : vector<16xi32>
            %get3A_1173 = arith.index_cast %scan3A_22 : i32 to index
            %get3A_1174 = arith.constant 1184 : index
            %get3A_1175 = tpu.vector_load %arg4[%get3A_1173, %get3A_1174] {strides = array<i32>} : memref<16x2048xi32, #tpu.memory_space<vmem>>, vector<1x16xi32>,
            %get3A_1176 = vector.shape_cast %get3A_1175 : vector<1x16xi32> to vector<16xi32>
            %ge3A_1177 = vector.broadcast %add3A_283 : i32 to vector<16xi32>
            %ge3A_1178 = arith.cmpi sge, %get3A_1176, %ge3A_1177 : vector<16xi32>
            %jit3A_1179 = arith.constant 1 : i32
            %jit3A_1180 = arith.constant 0 : i32
            %broadcast_in_dim3A_1181 = vector.broadcast %jit3A_1179 : i32 to vector<16xi32>
            %broadcast_in_dim3A_1182 = vector.broadcast %jit3A_1180 : i32 to vector<16xi32>
            %select_n3A_1183 = arith.select %ge3A_1178, %broadcast_in_dim3A_1181, %broadcast_in_dim3A_1182 : vector<16xi1>, vector<16xi32>
            %add3A_1184 = arith.addi %add3A_1172, %select_n3A_1183 : vector<16xi32>
            %get3A_1185 = arith.index_cast %scan3A_22 : i32 to index
            %get3A_1186 = arith.constant 1200 : index
            %get3A_1187 = tpu.vector_load %arg4[%get3A_1185, %get3A_1186] {strides = array<i32>} : memref<16x2048xi32, #tpu.memory_space<vmem>>, vector<1x16xi32>,
            %get3A_1188 = vector.shape_cast %get3A_1187 : vector<1x16xi32> to vector<16xi32>
            %ge3A_1189 = vector.broadcast %add3A_283 : i32 to vector<16xi32>
            %ge3A_1190 = arith.cmpi sge, %get3A_1188, %ge3A_1189 : vector<16xi32>
            %jit3A_1191 = arith.constant 1 : i32
            %jit3A_1192 = arith.constant 0 : i32
            %broadcast_in_dim3A_1193 = vector.broadcast %jit3A_1191 : i32 to vector<16xi32>
            %broadcast_in_dim3A_1194 = vector.broadcast %jit3A_1192 : i32 to vector<16xi32>
            %select_n3A_1195 = arith.select %ge3A_1190, %broadcast_in_dim3A_1193, %broadcast_in_dim3A_1194 : vector<16xi1>, vector<16xi32>
            %add3A_1196 = arith.addi %add3A_1184, %select_n3A_1195 : vector<16xi32>
            %get3A_1197 = arith.index_cast %scan3A_22 : i32 to index
            %get3A_1198 = arith.constant 1216 : index
            %get3A_1199 = tpu.vector_load %arg4[%get3A_1197, %get3A_1198] {strides = array<i32>} : memref<16x2048xi32, #tpu.memory_space<vmem>>, vector<1x16xi32>,
            %get3A_1200 = vector.shape_cast %get3A_1199 : vector<1x16xi32> to vector<16xi32>
            %ge3A_1201 = vector.broadcast %add3A_283 : i32 to vector<16xi32>
            %ge3A_1202 = arith.cmpi sge, %get3A_1200, %ge3A_1201 : vector<16xi32>
            %jit3A_1203 = arith.constant 1 : i32
            %jit3A_1204 = arith.constant 0 : i32
            %broadcast_in_dim3A_1205 = vector.broadcast %jit3A_1203 : i32 to vector<16xi32>
            %broadcast_in_dim3A_1206 = vector.broadcast %jit3A_1204 : i32 to vector<16xi32>
            %select_n3A_1207 = arith.select %ge3A_1202, %broadcast_in_dim3A_1205, %broadcast_in_dim3A_1206 : vector<16xi1>, vector<16xi32>
            %add3A_1208 = arith.addi %add3A_1196, %select_n3A_1207 : vector<16xi32>
            %get3A_1209 = arith.index_cast %scan3A_22 : i32 to index
            %get3A_1210 = arith.constant 1232 : index
            %get3A_1211 = tpu.vector_load %arg4[%get3A_1209, %get3A_1210] {strides = array<i32>} : memref<16x2048xi32, #tpu.memory_space<vmem>>, vector<1x16xi32>,
            %get3A_1212 = vector.shape_cast %get3A_1211 : vector<1x16xi32> to vector<16xi32>
            %ge3A_1213 = vector.broadcast %add3A_283 : i32 to vector<16xi32>
            %ge3A_1214 = arith.cmpi sge, %get3A_1212, %ge3A_1213 : vector<16xi32>
            %jit3A_1215 = arith.constant 1 : i32
            %jit3A_1216 = arith.constant 0 : i32
            %broadcast_in_dim3A_1217 = vector.broadcast %jit3A_1215 : i32 to vector<16xi32>
            %broadcast_in_dim3A_1218 = vector.broadcast %jit3A_1216 : i32 to vector<16xi32>
            %select_n3A_1219 = arith.select %ge3A_1214, %broadcast_in_dim3A_1217, %broadcast_in_dim3A_1218 : vector<16xi1>, vector<16xi32>
            %add3A_1220 = arith.addi %add3A_1208, %select_n3A_1219 : vector<16xi32>
            %get3A_1221 = arith.index_cast %scan3A_22 : i32 to index
            %get3A_1222 = arith.constant 1248 : index
            %get3A_1223 = tpu.vector_load %arg4[%get3A_1221, %get3A_1222] {strides = array<i32>} : memref<16x2048xi32, #tpu.memory_space<vmem>>, vector<1x16xi32>,
            %get3A_1224 = vector.shape_cast %get3A_1223 : vector<1x16xi32> to vector<16xi32>
            %ge3A_1225 = vector.broadcast %add3A_283 : i32 to vector<16xi32>
            %ge3A_1226 = arith.cmpi sge, %get3A_1224, %ge3A_1225 : vector<16xi32>
            %jit3A_1227 = arith.constant 1 : i32
            %jit3A_1228 = arith.constant 0 : i32
            %broadcast_in_dim3A_1229 = vector.broadcast %jit3A_1227 : i32 to vector<16xi32>
            %broadcast_in_dim3A_1230 = vector.broadcast %jit3A_1228 : i32 to vector<16xi32>
            %select_n3A_1231 = arith.select %ge3A_1226, %broadcast_in_dim3A_1229, %broadcast_in_dim3A_1230 : vector<16xi1>, vector<16xi32>
            %add3A_1232 = arith.addi %add3A_1220, %select_n3A_1231 : vector<16xi32>
            %get3A_1233 = arith.index_cast %scan3A_22 : i32 to index
            %get3A_1234 = arith.constant 1264 : index
            %get3A_1235 = tpu.vector_load %arg4[%get3A_1233, %get3A_1234] {strides = array<i32>} : memref<16x2048xi32, #tpu.memory_space<vmem>>, vector<1x16xi32>,
            %get3A_1236 = vector.shape_cast %get3A_1235 : vector<1x16xi32> to vector<16xi32>
            %ge3A_1237 = vector.broadcast %add3A_283 : i32 to vector<16xi32>
            %ge3A_1238 = arith.cmpi sge, %get3A_1236, %ge3A_1237 : vector<16xi32>
            %jit3A_1239 = arith.constant 1 : i32
            %jit3A_1240 = arith.constant 0 : i32
            %broadcast_in_dim3A_1241 = vector.broadcast %jit3A_1239 : i32 to vector<16xi32>
            %broadcast_in_dim3A_1242 = vector.broadcast %jit3A_1240 : i32 to vector<16xi32>
            %select_n3A_1243 = arith.select %ge3A_1238, %broadcast_in_dim3A_1241, %broadcast_in_dim3A_1242 : vector<16xi1>, vector<16xi32>
            %add3A_1244 = arith.addi %add3A_1232, %select_n3A_1243 : vector<16xi32>
            %get3A_1245 = arith.index_cast %scan3A_22 : i32 to index
            %get3A_1246 = arith.constant 1280 : index
            %get3A_1247 = tpu.vector_load %arg4[%get3A_1245, %get3A_1246] {strides = array<i32>} : memref<16x2048xi32, #tpu.memory_space<vmem>>, vector<1x16xi32>,
            %get3A_1248 = vector.shape_cast %get3A_1247 : vector<1x16xi32> to vector<16xi32>
            %ge3A_1249 = vector.broadcast %add3A_283 : i32 to vector<16xi32>
            %ge3A_1250 = arith.cmpi sge, %get3A_1248, %ge3A_1249 : vector<16xi32>
            %jit3A_1251 = arith.constant 1 : i32
            %jit3A_1252 = arith.constant 0 : i32
            %broadcast_in_dim3A_1253 = vector.broadcast %jit3A_1251 : i32 to vector<16xi32>
            %broadcast_in_dim3A_1254 = vector.broadcast %jit3A_1252 : i32 to vector<16xi32>
            %select_n3A_1255 = arith.select %ge3A_1250, %broadcast_in_dim3A_1253, %broadcast_in_dim3A_1254 : vector<16xi1>, vector<16xi32>
            %add3A_1256 = arith.addi %add3A_1244, %select_n3A_1255 : vector<16xi32>
            %get3A_1257 = arith.index_cast %scan3A_22 : i32 to index
            %get3A_1258 = arith.constant 1296 : index
            %get3A_1259 = tpu.vector_load %arg4[%get3A_1257, %get3A_1258] {strides = array<i32>} : memref<16x2048xi32, #tpu.memory_space<vmem>>, vector<1x16xi32>,
            %get3A_1260 = vector.shape_cast %get3A_1259 : vector<1x16xi32> to vector<16xi32>
            %ge3A_1261 = vector.broadcast %add3A_283 : i32 to vector<16xi32>
            %ge3A_1262 = arith.cmpi sge, %get3A_1260, %ge3A_1261 : vector<16xi32>
            %jit3A_1263 = arith.constant 1 : i32
            %jit3A_1264 = arith.constant 0 : i32
            %broadcast_in_dim3A_1265 = vector.broadcast %jit3A_1263 : i32 to vector<16xi32>
            %broadcast_in_dim3A_1266 = vector.broadcast %jit3A_1264 : i32 to vector<16xi32>
            %select_n3A_1267 = arith.select %ge3A_1262, %broadcast_in_dim3A_1265, %broadcast_in_dim3A_1266 : vector<16xi1>, vector<16xi32>
            %add3A_1268 = arith.addi %add3A_1256, %select_n3A_1267 : vector<16xi32>
            %get3A_1269 = arith.index_cast %scan3A_22 : i32 to index
            %get3A_1270 = arith.constant 1312 : index
            %get3A_1271 = tpu.vector_load %arg4[%get3A_1269, %get3A_1270] {strides = array<i32>} : memref<16x2048xi32, #tpu.memory_space<vmem>>, vector<1x16xi32>,
            %get3A_1272 = vector.shape_cast %get3A_1271 : vector<1x16xi32> to vector<16xi32>
            %ge3A_1273 = vector.broadcast %add3A_283 : i32 to vector<16xi32>
            %ge3A_1274 = arith.cmpi sge, %get3A_1272, %ge3A_1273 : vector<16xi32>
            %jit3A_1275 = arith.constant 1 : i32
            %jit3A_1276 = arith.constant 0 : i32
            %broadcast_in_dim3A_1277 = vector.broadcast %jit3A_1275 : i32 to vector<16xi32>
            %broadcast_in_dim3A_1278 = vector.broadcast %jit3A_1276 : i32 to vector<16xi32>
            %select_n3A_1279 = arith.select %ge3A_1274, %broadcast_in_dim3A_1277, %broadcast_in_dim3A_1278 : vector<16xi1>, vector<16xi32>
            %add3A_1280 = arith.addi %add3A_1268, %select_n3A_1279 : vector<16xi32>
            %get3A_1281 = arith.index_cast %scan3A_22 : i32 to index
            %get3A_1282 = arith.constant 1328 : index
            %get3A_1283 = tpu.vector_load %arg4[%get3A_1281, %get3A_1282] {strides = array<i32>} : memref<16x2048xi32, #tpu.memory_space<vmem>>, vector<1x16xi32>,
            %get3A_1284 = vector.shape_cast %get3A_1283 : vector<1x16xi32> to vector<16xi32>
            %ge3A_1285 = vector.broadcast %add3A_283 : i32 to vector<16xi32>
            %ge3A_1286 = arith.cmpi sge, %get3A_1284, %ge3A_1285 : vector<16xi32>
            %jit3A_1287 = arith.constant 1 : i32
            %jit3A_1288 = arith.constant 0 : i32
            %broadcast_in_dim3A_1289 = vector.broadcast %jit3A_1287 : i32 to vector<16xi32>
            %broadcast_in_dim3A_1290 = vector.broadcast %jit3A_1288 : i32 to vector<16xi32>
            %select_n3A_1291 = arith.select %ge3A_1286, %broadcast_in_dim3A_1289, %broadcast_in_dim3A_1290 : vector<16xi1>, vector<16xi32>
            %add3A_1292 = arith.addi %add3A_1280, %select_n3A_1291 : vector<16xi32>
            %get3A_1293 = arith.index_cast %scan3A_22 : i32 to index
            %get3A_1294 = arith.constant 1344 : index
            %get3A_1295 = tpu.vector_load %arg4[%get3A_1293, %get3A_1294] {strides = array<i32>} : memref<16x2048xi32, #tpu.memory_space<vmem>>, vector<1x16xi32>,
            %get3A_1296 = vector.shape_cast %get3A_1295 : vector<1x16xi32> to vector<16xi32>
            %ge3A_1297 = vector.broadcast %add3A_283 : i32 to vector<16xi32>
            %ge3A_1298 = arith.cmpi sge, %get3A_1296, %ge3A_1297 : vector<16xi32>
            %jit3A_1299 = arith.constant 1 : i32
            %jit3A_1300 = arith.constant 0 : i32
            %broadcast_in_dim3A_1301 = vector.broadcast %jit3A_1299 : i32 to vector<16xi32>
            %broadcast_in_dim3A_1302 = vector.broadcast %jit3A_1300 : i32 to vector<16xi32>
            %select_n3A_1303 = arith.select %ge3A_1298, %broadcast_in_dim3A_1301, %broadcast_in_dim3A_1302 : vector<16xi1>, vector<16xi32>
            %add3A_1304 = arith.addi %add3A_1292, %select_n3A_1303 : vector<16xi32>
            %get3A_1305 = arith.index_cast %scan3A_22 : i32 to index
            %get3A_1306 = arith.constant 1360 : index
            %get3A_1307 = tpu.vector_load %arg4[%get3A_1305, %get3A_1306] {strides = array<i32>} : memref<16x2048xi32, #tpu.memory_space<vmem>>, vector<1x16xi32>,
            %get3A_1308 = vector.shape_cast %get3A_1307 : vector<1x16xi32> to vector<16xi32>
            %ge3A_1309 = vector.broadcast %add3A_283 : i32 to vector<16xi32>
            %ge3A_1310 = arith.cmpi sge, %get3A_1308, %ge3A_1309 : vector<16xi32>
            %jit3A_1311 = arith.constant 1 : i32
            %jit3A_1312 = arith.constant 0 : i32
            %broadcast_in_dim3A_1313 = vector.broadcast %jit3A_1311 : i32 to vector<16xi32>
            %broadcast_in_dim3A_1314 = vector.broadcast %jit3A_1312 : i32 to vector<16xi32>
            %select_n3A_1315 = arith.select %ge3A_1310, %broadcast_in_dim3A_1313, %broadcast_in_dim3A_1314 : vector<16xi1>, vector<16xi32>
            %add3A_1316 = arith.addi %add3A_1304, %select_n3A_1315 : vector<16xi32>
            %get3A_1317 = arith.index_cast %scan3A_22 : i32 to index
            %get3A_1318 = arith.constant 1376 : index
            %get3A_1319 = tpu.vector_load %arg4[%get3A_1317, %get3A_1318] {strides = array<i32>} : memref<16x2048xi32, #tpu.memory_space<vmem>>, vector<1x16xi32>,
            %get3A_1320 = vector.shape_cast %get3A_1319 : vector<1x16xi32> to vector<16xi32>
            %ge3A_1321 = vector.broadcast %add3A_283 : i32 to vector<16xi32>
            %ge3A_1322 = arith.cmpi sge, %get3A_1320, %ge3A_1321 : vector<16xi32>
            %jit3A_1323 = arith.constant 1 : i32
            %jit3A_1324 = arith.constant 0 : i32
            %broadcast_in_dim3A_1325 = vector.broadcast %jit3A_1323 : i32 to vector<16xi32>
            %broadcast_in_dim3A_1326 = vector.broadcast %jit3A_1324 : i32 to vector<16xi32>
            %select_n3A_1327 = arith.select %ge3A_1322, %broadcast_in_dim3A_1325, %broadcast_in_dim3A_1326 : vector<16xi1>, vector<16xi32>
            %add3A_1328 = arith.addi %add3A_1316, %select_n3A_1327 : vector<16xi32>
            %get3A_1329 = arith.index_cast %scan3A_22 : i32 to index
            %get3A_1330 = arith.constant 1392 : index
            %get3A_1331 = tpu.vector_load %arg4[%get3A_1329, %get3A_1330] {strides = array<i32>} : memref<16x2048xi32, #tpu.memory_space<vmem>>, vector<1x16xi32>,
            %get3A_1332 = vector.shape_cast %get3A_1331 : vector<1x16xi32> to vector<16xi32>
            %ge3A_1333 = vector.broadcast %add3A_283 : i32 to vector<16xi32>
            %ge3A_1334 = arith.cmpi sge, %get3A_1332, %ge3A_1333 : vector<16xi32>
            %jit3A_1335 = arith.constant 1 : i32
            %jit3A_1336 = arith.constant 0 : i32
            %broadcast_in_dim3A_1337 = vector.broadcast %jit3A_1335 : i32 to vector<16xi32>
            %broadcast_in_dim3A_1338 = vector.broadcast %jit3A_1336 : i32 to vector<16xi32>
            %select_n3A_1339 = arith.select %ge3A_1334, %broadcast_in_dim3A_1337, %broadcast_in_dim3A_1338 : vector<16xi1>, vector<16xi32>
            %add3A_1340 = arith.addi %add3A_1328, %select_n3A_1339 : vector<16xi32>
            %get3A_1341 = arith.index_cast %scan3A_22 : i32 to index
            %get3A_1342 = arith.constant 1408 : index
            %get3A_1343 = tpu.vector_load %arg4[%get3A_1341, %get3A_1342] {strides = array<i32>} : memref<16x2048xi32, #tpu.memory_space<vmem>>, vector<1x16xi32>,
            %get3A_1344 = vector.shape_cast %get3A_1343 : vector<1x16xi32> to vector<16xi32>
            %ge3A_1345 = vector.broadcast %add3A_283 : i32 to vector<16xi32>
            %ge3A_1346 = arith.cmpi sge, %get3A_1344, %ge3A_1345 : vector<16xi32>
            %jit3A_1347 = arith.constant 1 : i32
            %jit3A_1348 = arith.constant 0 : i32
            %broadcast_in_dim3A_1349 = vector.broadcast %jit3A_1347 : i32 to vector<16xi32>
            %broadcast_in_dim3A_1350 = vector.broadcast %jit3A_1348 : i32 to vector<16xi32>
            %select_n3A_1351 = arith.select %ge3A_1346, %broadcast_in_dim3A_1349, %broadcast_in_dim3A_1350 : vector<16xi1>, vector<16xi32>
            %add3A_1352 = arith.addi %add3A_1340, %select_n3A_1351 : vector<16xi32>
            %get3A_1353 = arith.index_cast %scan3A_22 : i32 to index
            %get3A_1354 = arith.constant 1424 : index
            %get3A_1355 = tpu.vector_load %arg4[%get3A_1353, %get3A_1354] {strides = array<i32>} : memref<16x2048xi32, #tpu.memory_space<vmem>>, vector<1x16xi32>,
            %get3A_1356 = vector.shape_cast %get3A_1355 : vector<1x16xi32> to vector<16xi32>
            %ge3A_1357 = vector.broadcast %add3A_283 : i32 to vector<16xi32>
            %ge3A_1358 = arith.cmpi sge, %get3A_1356, %ge3A_1357 : vector<16xi32>
            %jit3A_1359 = arith.constant 1 : i32
            %jit3A_1360 = arith.constant 0 : i32
            %broadcast_in_dim3A_1361 = vector.broadcast %jit3A_1359 : i32 to vector<16xi32>
            %broadcast_in_dim3A_1362 = vector.broadcast %jit3A_1360 : i32 to vector<16xi32>
            %select_n3A_1363 = arith.select %ge3A_1358, %broadcast_in_dim3A_1361, %broadcast_in_dim3A_1362 : vector<16xi1>, vector<16xi32>
            %add3A_1364 = arith.addi %add3A_1352, %select_n3A_1363 : vector<16xi32>
            %get3A_1365 = arith.index_cast %scan3A_22 : i32 to index
            %get3A_1366 = arith.constant 1440 : index
            %get3A_1367 = tpu.vector_load %arg4[%get3A_1365, %get3A_1366] {strides = array<i32>} : memref<16x2048xi32, #tpu.memory_space<vmem>>, vector<1x16xi32>,
            %get3A_1368 = vector.shape_cast %get3A_1367 : vector<1x16xi32> to vector<16xi32>
            %ge3A_1369 = vector.broadcast %add3A_283 : i32 to vector<16xi32>
            %ge3A_1370 = arith.cmpi sge, %get3A_1368, %ge3A_1369 : vector<16xi32>
            %jit3A_1371 = arith.constant 1 : i32
            %jit3A_1372 = arith.constant 0 : i32
            %broadcast_in_dim3A_1373 = vector.broadcast %jit3A_1371 : i32 to vector<16xi32>
            %broadcast_in_dim3A_1374 = vector.broadcast %jit3A_1372 : i32 to vector<16xi32>
            %select_n3A_1375 = arith.select %ge3A_1370, %broadcast_in_dim3A_1373, %broadcast_in_dim3A_1374 : vector<16xi1>, vector<16xi32>
            %add3A_1376 = arith.addi %add3A_1364, %select_n3A_1375 : vector<16xi32>
            %get3A_1377 = arith.index_cast %scan3A_22 : i32 to index
            %get3A_1378 = arith.constant 1456 : index
            %get3A_1379 = tpu.vector_load %arg4[%get3A_1377, %get3A_1378] {strides = array<i32>} : memref<16x2048xi32, #tpu.memory_space<vmem>>, vector<1x16xi32>,
            %get3A_1380 = vector.shape_cast %get3A_1379 : vector<1x16xi32> to vector<16xi32>
            %ge3A_1381 = vector.broadcast %add3A_283 : i32 to vector<16xi32>
            %ge3A_1382 = arith.cmpi sge, %get3A_1380, %ge3A_1381 : vector<16xi32>
            %jit3A_1383 = arith.constant 1 : i32
            %jit3A_1384 = arith.constant 0 : i32
            %broadcast_in_dim3A_1385 = vector.broadcast %jit3A_1383 : i32 to vector<16xi32>
            %broadcast_in_dim3A_1386 = vector.broadcast %jit3A_1384 : i32 to vector<16xi32>
            %select_n3A_1387 = arith.select %ge3A_1382, %broadcast_in_dim3A_1385, %broadcast_in_dim3A_1386 : vector<16xi1>, vector<16xi32>
            %add3A_1388 = arith.addi %add3A_1376, %select_n3A_1387 : vector<16xi32>
            %get3A_1389 = arith.index_cast %scan3A_22 : i32 to index
            %get3A_1390 = arith.constant 1472 : index
            %get3A_1391 = tpu.vector_load %arg4[%get3A_1389, %get3A_1390] {strides = array<i32>} : memref<16x2048xi32, #tpu.memory_space<vmem>>, vector<1x16xi32>,
            %get3A_1392 = vector.shape_cast %get3A_1391 : vector<1x16xi32> to vector<16xi32>
            %ge3A_1393 = vector.broadcast %add3A_283 : i32 to vector<16xi32>
            %ge3A_1394 = arith.cmpi sge, %get3A_1392, %ge3A_1393 : vector<16xi32>
            %jit3A_1395 = arith.constant 1 : i32
            %jit3A_1396 = arith.constant 0 : i32
            %broadcast_in_dim3A_1397 = vector.broadcast %jit3A_1395 : i32 to vector<16xi32>
            %broadcast_in_dim3A_1398 = vector.broadcast %jit3A_1396 : i32 to vector<16xi32>
            %select_n3A_1399 = arith.select %ge3A_1394, %broadcast_in_dim3A_1397, %broadcast_in_dim3A_1398 : vector<16xi1>, vector<16xi32>
            %add3A_1400 = arith.addi %add3A_1388, %select_n3A_1399 : vector<16xi32>
            %get3A_1401 = arith.index_cast %scan3A_22 : i32 to index
            %get3A_1402 = arith.constant 1488 : index
            %get3A_1403 = tpu.vector_load %arg4[%get3A_1401, %get3A_1402] {strides = array<i32>} : memref<16x2048xi32, #tpu.memory_space<vmem>>, vector<1x16xi32>,
            %get3A_1404 = vector.shape_cast %get3A_1403 : vector<1x16xi32> to vector<16xi32>
            %ge3A_1405 = vector.broadcast %add3A_283 : i32 to vector<16xi32>
            %ge3A_1406 = arith.cmpi sge, %get3A_1404, %ge3A_1405 : vector<16xi32>
            %jit3A_1407 = arith.constant 1 : i32
            %jit3A_1408 = arith.constant 0 : i32
            %broadcast_in_dim3A_1409 = vector.broadcast %jit3A_1407 : i32 to vector<16xi32>
            %broadcast_in_dim3A_1410 = vector.broadcast %jit3A_1408 : i32 to vector<16xi32>
            %select_n3A_1411 = arith.select %ge3A_1406, %broadcast_in_dim3A_1409, %broadcast_in_dim3A_1410 : vector<16xi1>, vector<16xi32>
            %add3A_1412 = arith.addi %add3A_1400, %select_n3A_1411 : vector<16xi32>
            %get3A_1413 = arith.index_cast %scan3A_22 : i32 to index
            %get3A_1414 = arith.constant 1504 : index
            %get3A_1415 = tpu.vector_load %arg4[%get3A_1413, %get3A_1414] {strides = array<i32>} : memref<16x2048xi32, #tpu.memory_space<vmem>>, vector<1x16xi32>,
            %get3A_1416 = vector.shape_cast %get3A_1415 : vector<1x16xi32> to vector<16xi32>
            %ge3A_1417 = vector.broadcast %add3A_283 : i32 to vector<16xi32>
            %ge3A_1418 = arith.cmpi sge, %get3A_1416, %ge3A_1417 : vector<16xi32>
            %jit3A_1419 = arith.constant 1 : i32
            %jit3A_1420 = arith.constant 0 : i32
            %broadcast_in_dim3A_1421 = vector.broadcast %jit3A_1419 : i32 to vector<16xi32>
            %broadcast_in_dim3A_1422 = vector.broadcast %jit3A_1420 : i32 to vector<16xi32>
            %select_n3A_1423 = arith.select %ge3A_1418, %broadcast_in_dim3A_1421, %broadcast_in_dim3A_1422 : vector<16xi1>, vector<16xi32>
            %add3A_1424 = arith.addi %add3A_1412, %select_n3A_1423 : vector<16xi32>
            %get3A_1425 = arith.index_cast %scan3A_22 : i32 to index
            %get3A_1426 = arith.constant 1520 : index
            %get3A_1427 = tpu.vector_load %arg4[%get3A_1425, %get3A_1426] {strides = array<i32>} : memref<16x2048xi32, #tpu.memory_space<vmem>>, vector<1x16xi32>,
            %get3A_1428 = vector.shape_cast %get3A_1427 : vector<1x16xi32> to vector<16xi32>
            %ge3A_1429 = vector.broadcast %add3A_283 : i32 to vector<16xi32>
            %ge3A_1430 = arith.cmpi sge, %get3A_1428, %ge3A_1429 : vector<16xi32>
            %jit3A_1431 = arith.constant 1 : i32
            %jit3A_1432 = arith.constant 0 : i32
            %broadcast_in_dim3A_1433 = vector.broadcast %jit3A_1431 : i32 to vector<16xi32>
            %broadcast_in_dim3A_1434 = vector.broadcast %jit3A_1432 : i32 to vector<16xi32>
            %select_n3A_1435 = arith.select %ge3A_1430, %broadcast_in_dim3A_1433, %broadcast_in_dim3A_1434 : vector<16xi1>, vector<16xi32>
            %add3A_1436 = arith.addi %add3A_1424, %select_n3A_1435 : vector<16xi32>
            %get3A_1437 = arith.index_cast %scan3A_22 : i32 to index
            %get3A_1438 = arith.constant 1536 : index
            %get3A_1439 = tpu.vector_load %arg4[%get3A_1437, %get3A_1438] {strides = array<i32>} : memref<16x2048xi32, #tpu.memory_space<vmem>>, vector<1x16xi32>,
            %get3A_1440 = vector.shape_cast %get3A_1439 : vector<1x16xi32> to vector<16xi32>
            %ge3A_1441 = vector.broadcast %add3A_283 : i32 to vector<16xi32>
            %ge3A_1442 = arith.cmpi sge, %get3A_1440, %ge3A_1441 : vector<16xi32>
            %jit3A_1443 = arith.constant 1 : i32
            %jit3A_1444 = arith.constant 0 : i32
            %broadcast_in_dim3A_1445 = vector.broadcast %jit3A_1443 : i32 to vector<16xi32>
            %broadcast_in_dim3A_1446 = vector.broadcast %jit3A_1444 : i32 to vector<16xi32>
            %select_n3A_1447 = arith.select %ge3A_1442, %broadcast_in_dim3A_1445, %broadcast_in_dim3A_1446 : vector<16xi1>, vector<16xi32>
            %add3A_1448 = arith.addi %add3A_1436, %select_n3A_1447 : vector<16xi32>
            %get3A_1449 = arith.index_cast %scan3A_22 : i32 to index
            %get3A_1450 = arith.constant 1552 : index
            %get3A_1451 = tpu.vector_load %arg4[%get3A_1449, %get3A_1450] {strides = array<i32>} : memref<16x2048xi32, #tpu.memory_space<vmem>>, vector<1x16xi32>,
            %get3A_1452 = vector.shape_cast %get3A_1451 : vector<1x16xi32> to vector<16xi32>
            %ge3A_1453 = vector.broadcast %add3A_283 : i32 to vector<16xi32>
            %ge3A_1454 = arith.cmpi sge, %get3A_1452, %ge3A_1453 : vector<16xi32>
            %jit3A_1455 = arith.constant 1 : i32
            %jit3A_1456 = arith.constant 0 : i32
            %broadcast_in_dim3A_1457 = vector.broadcast %jit3A_1455 : i32 to vector<16xi32>
            %broadcast_in_dim3A_1458 = vector.broadcast %jit3A_1456 : i32 to vector<16xi32>
            %select_n3A_1459 = arith.select %ge3A_1454, %broadcast_in_dim3A_1457, %broadcast_in_dim3A_1458 : vector<16xi1>, vector<16xi32>
            %add3A_1460 = arith.addi %add3A_1448, %select_n3A_1459 : vector<16xi32>
            %get3A_1461 = arith.index_cast %scan3A_22 : i32 to index
            %get3A_1462 = arith.constant 1568 : index
            %get3A_1463 = tpu.vector_load %arg4[%get3A_1461, %get3A_1462] {strides = array<i32>} : memref<16x2048xi32, #tpu.memory_space<vmem>>, vector<1x16xi32>,
            %get3A_1464 = vector.shape_cast %get3A_1463 : vector<1x16xi32> to vector<16xi32>
            %ge3A_1465 = vector.broadcast %add3A_283 : i32 to vector<16xi32>
            %ge3A_1466 = arith.cmpi sge, %get3A_1464, %ge3A_1465 : vector<16xi32>
            %jit3A_1467 = arith.constant 1 : i32
            %jit3A_1468 = arith.constant 0 : i32
            %broadcast_in_dim3A_1469 = vector.broadcast %jit3A_1467 : i32 to vector<16xi32>
            %broadcast_in_dim3A_1470 = vector.broadcast %jit3A_1468 : i32 to vector<16xi32>
            %select_n3A_1471 = arith.select %ge3A_1466, %broadcast_in_dim3A_1469, %broadcast_in_dim3A_1470 : vector<16xi1>, vector<16xi32>
            %add3A_1472 = arith.addi %add3A_1460, %select_n3A_1471 : vector<16xi32>
            %get3A_1473 = arith.index_cast %scan3A_22 : i32 to index
            %get3A_1474 = arith.constant 1584 : index
            %get3A_1475 = tpu.vector_load %arg4[%get3A_1473, %get3A_1474] {strides = array<i32>} : memref<16x2048xi32, #tpu.memory_space<vmem>>, vector<1x16xi32>,
            %get3A_1476 = vector.shape_cast %get3A_1475 : vector<1x16xi32> to vector<16xi32>
            %ge3A_1477 = vector.broadcast %add3A_283 : i32 to vector<16xi32>
            %ge3A_1478 = arith.cmpi sge, %get3A_1476, %ge3A_1477 : vector<16xi32>
            %jit3A_1479 = arith.constant 1 : i32
            %jit3A_1480 = arith.constant 0 : i32
            %broadcast_in_dim3A_1481 = vector.broadcast %jit3A_1479 : i32 to vector<16xi32>
            %broadcast_in_dim3A_1482 = vector.broadcast %jit3A_1480 : i32 to vector<16xi32>
            %select_n3A_1483 = arith.select %ge3A_1478, %broadcast_in_dim3A_1481, %broadcast_in_dim3A_1482 : vector<16xi1>, vector<16xi32>
            %add3A_1484 = arith.addi %add3A_1472, %select_n3A_1483 : vector<16xi32>
            %get3A_1485 = arith.index_cast %scan3A_22 : i32 to index
            %get3A_1486 = arith.constant 1600 : index
            %get3A_1487 = tpu.vector_load %arg4[%get3A_1485, %get3A_1486] {strides = array<i32>} : memref<16x2048xi32, #tpu.memory_space<vmem>>, vector<1x16xi32>,
            %get3A_1488 = vector.shape_cast %get3A_1487 : vector<1x16xi32> to vector<16xi32>
            %ge3A_1489 = vector.broadcast %add3A_283 : i32 to vector<16xi32>
            %ge3A_1490 = arith.cmpi sge, %get3A_1488, %ge3A_1489 : vector<16xi32>
            %jit3A_1491 = arith.constant 1 : i32
            %jit3A_1492 = arith.constant 0 : i32
            %broadcast_in_dim3A_1493 = vector.broadcast %jit3A_1491 : i32 to vector<16xi32>
            %broadcast_in_dim3A_1494 = vector.broadcast %jit3A_1492 : i32 to vector<16xi32>
            %select_n3A_1495 = arith.select %ge3A_1490, %broadcast_in_dim3A_1493, %broadcast_in_dim3A_1494 : vector<16xi1>, vector<16xi32>
            %add3A_1496 = arith.addi %add3A_1484, %select_n3A_1495 : vector<16xi32>
            %get3A_1497 = arith.index_cast %scan3A_22 : i32 to index
            %get3A_1498 = arith.constant 1616 : index
            %get3A_1499 = tpu.vector_load %arg4[%get3A_1497, %get3A_1498] {strides = array<i32>} : memref<16x2048xi32, #tpu.memory_space<vmem>>, vector<1x16xi32>,
            %get3A_1500 = vector.shape_cast %get3A_1499 : vector<1x16xi32> to vector<16xi32>
            %ge3A_1501 = vector.broadcast %add3A_283 : i32 to vector<16xi32>
            %ge3A_1502 = arith.cmpi sge, %get3A_1500, %ge3A_1501 : vector<16xi32>
            %jit3A_1503 = arith.constant 1 : i32
            %jit3A_1504 = arith.constant 0 : i32
            %broadcast_in_dim3A_1505 = vector.broadcast %jit3A_1503 : i32 to vector<16xi32>
            %broadcast_in_dim3A_1506 = vector.broadcast %jit3A_1504 : i32 to vector<16xi32>
            %select_n3A_1507 = arith.select %ge3A_1502, %broadcast_in_dim3A_1505, %broadcast_in_dim3A_1506 : vector<16xi1>, vector<16xi32>
            %add3A_1508 = arith.addi %add3A_1496, %select_n3A_1507 : vector<16xi32>
            %get3A_1509 = arith.index_cast %scan3A_22 : i32 to index
            %get3A_1510 = arith.constant 1632 : index
            %get3A_1511 = tpu.vector_load %arg4[%get3A_1509, %get3A_1510] {strides = array<i32>} : memref<16x2048xi32, #tpu.memory_space<vmem>>, vector<1x16xi32>,
            %get3A_1512 = vector.shape_cast %get3A_1511 : vector<1x16xi32> to vector<16xi32>
            %ge3A_1513 = vector.broadcast %add3A_283 : i32 to vector<16xi32>
            %ge3A_1514 = arith.cmpi sge, %get3A_1512, %ge3A_1513 : vector<16xi32>
            %jit3A_1515 = arith.constant 1 : i32
            %jit3A_1516 = arith.constant 0 : i32
            %broadcast_in_dim3A_1517 = vector.broadcast %jit3A_1515 : i32 to vector<16xi32>
            %broadcast_in_dim3A_1518 = vector.broadcast %jit3A_1516 : i32 to vector<16xi32>
            %select_n3A_1519 = arith.select %ge3A_1514, %broadcast_in_dim3A_1517, %broadcast_in_dim3A_1518 : vector<16xi1>, vector<16xi32>
            %add3A_1520 = arith.addi %add3A_1508, %select_n3A_1519 : vector<16xi32>
            %get3A_1521 = arith.index_cast %scan3A_22 : i32 to index
            %get3A_1522 = arith.constant 1648 : index
            %get3A_1523 = tpu.vector_load %arg4[%get3A_1521, %get3A_1522] {strides = array<i32>} : memref<16x2048xi32, #tpu.memory_space<vmem>>, vector<1x16xi32>,
            %get3A_1524 = vector.shape_cast %get3A_1523 : vector<1x16xi32> to vector<16xi32>
            %ge3A_1525 = vector.broadcast %add3A_283 : i32 to vector<16xi32>
            %ge3A_1526 = arith.cmpi sge, %get3A_1524, %ge3A_1525 : vector<16xi32>
            %jit3A_1527 = arith.constant 1 : i32
            %jit3A_1528 = arith.constant 0 : i32
            %broadcast_in_dim3A_1529 = vector.broadcast %jit3A_1527 : i32 to vector<16xi32>
            %broadcast_in_dim3A_1530 = vector.broadcast %jit3A_1528 : i32 to vector<16xi32>
            %select_n3A_1531 = arith.select %ge3A_1526, %broadcast_in_dim3A_1529, %broadcast_in_dim3A_1530 : vector<16xi1>, vector<16xi32>
            %add3A_1532 = arith.addi %add3A_1520, %select_n3A_1531 : vector<16xi32>
            %get3A_1533 = arith.index_cast %scan3A_22 : i32 to index
            %get3A_1534 = arith.constant 1664 : index
            %get3A_1535 = tpu.vector_load %arg4[%get3A_1533, %get3A_1534] {strides = array<i32>} : memref<16x2048xi32, #tpu.memory_space<vmem>>, vector<1x16xi32>,
            %get3A_1536 = vector.shape_cast %get3A_1535 : vector<1x16xi32> to vector<16xi32>
            %ge3A_1537 = vector.broadcast %add3A_283 : i32 to vector<16xi32>
            %ge3A_1538 = arith.cmpi sge, %get3A_1536, %ge3A_1537 : vector<16xi32>
            %jit3A_1539 = arith.constant 1 : i32
            %jit3A_1540 = arith.constant 0 : i32
            %broadcast_in_dim3A_1541 = vector.broadcast %jit3A_1539 : i32 to vector<16xi32>
            %broadcast_in_dim3A_1542 = vector.broadcast %jit3A_1540 : i32 to vector<16xi32>
            %select_n3A_1543 = arith.select %ge3A_1538, %broadcast_in_dim3A_1541, %broadcast_in_dim3A_1542 : vector<16xi1>, vector<16xi32>
            %add3A_1544 = arith.addi %add3A_1532, %select_n3A_1543 : vector<16xi32>
            %get3A_1545 = arith.index_cast %scan3A_22 : i32 to index
            %get3A_1546 = arith.constant 1680 : index
            %get3A_1547 = tpu.vector_load %arg4[%get3A_1545, %get3A_1546] {strides = array<i32>} : memref<16x2048xi32, #tpu.memory_space<vmem>>, vector<1x16xi32>,
            %get3A_1548 = vector.shape_cast %get3A_1547 : vector<1x16xi32> to vector<16xi32>
            %ge3A_1549 = vector.broadcast %add3A_283 : i32 to vector<16xi32>
            %ge3A_1550 = arith.cmpi sge, %get3A_1548, %ge3A_1549 : vector<16xi32>
            %jit3A_1551 = arith.constant 1 : i32
            %jit3A_1552 = arith.constant 0 : i32
            %broadcast_in_dim3A_1553 = vector.broadcast %jit3A_1551 : i32 to vector<16xi32>
            %broadcast_in_dim3A_1554 = vector.broadcast %jit3A_1552 : i32 to vector<16xi32>
            %select_n3A_1555 = arith.select %ge3A_1550, %broadcast_in_dim3A_1553, %broadcast_in_dim3A_1554 : vector<16xi1>, vector<16xi32>
            %add3A_1556 = arith.addi %add3A_1544, %select_n3A_1555 : vector<16xi32>
            %get3A_1557 = arith.index_cast %scan3A_22 : i32 to index
            %get3A_1558 = arith.constant 1696 : index
            %get3A_1559 = tpu.vector_load %arg4[%get3A_1557, %get3A_1558] {strides = array<i32>} : memref<16x2048xi32, #tpu.memory_space<vmem>>, vector<1x16xi32>,
            %get3A_1560 = vector.shape_cast %get3A_1559 : vector<1x16xi32> to vector<16xi32>
            %ge3A_1561 = vector.broadcast %add3A_283 : i32 to vector<16xi32>
            %ge3A_1562 = arith.cmpi sge, %get3A_1560, %ge3A_1561 : vector<16xi32>
            %jit3A_1563 = arith.constant 1 : i32
            %jit3A_1564 = arith.constant 0 : i32
            %broadcast_in_dim3A_1565 = vector.broadcast %jit3A_1563 : i32 to vector<16xi32>
            %broadcast_in_dim3A_1566 = vector.broadcast %jit3A_1564 : i32 to vector<16xi32>
            %select_n3A_1567 = arith.select %ge3A_1562, %broadcast_in_dim3A_1565, %broadcast_in_dim3A_1566 : vector<16xi1>, vector<16xi32>
            %add3A_1568 = arith.addi %add3A_1556, %select_n3A_1567 : vector<16xi32>
            %get3A_1569 = arith.index_cast %scan3A_22 : i32 to index
            %get3A_1570 = arith.constant 1712 : index
            %get3A_1571 = tpu.vector_load %arg4[%get3A_1569, %get3A_1570] {strides = array<i32>} : memref<16x2048xi32, #tpu.memory_space<vmem>>, vector<1x16xi32>,
            %get3A_1572 = vector.shape_cast %get3A_1571 : vector<1x16xi32> to vector<16xi32>
            %ge3A_1573 = vector.broadcast %add3A_283 : i32 to vector<16xi32>
            %ge3A_1574 = arith.cmpi sge, %get3A_1572, %ge3A_1573 : vector<16xi32>
            %jit3A_1575 = arith.constant 1 : i32
            %jit3A_1576 = arith.constant 0 : i32
            %broadcast_in_dim3A_1577 = vector.broadcast %jit3A_1575 : i32 to vector<16xi32>
            %broadcast_in_dim3A_1578 = vector.broadcast %jit3A_1576 : i32 to vector<16xi32>
            %select_n3A_1579 = arith.select %ge3A_1574, %broadcast_in_dim3A_1577, %broadcast_in_dim3A_1578 : vector<16xi1>, vector<16xi32>
            %add3A_1580 = arith.addi %add3A_1568, %select_n3A_1579 : vector<16xi32>
            %get3A_1581 = arith.index_cast %scan3A_22 : i32 to index
            %get3A_1582 = arith.constant 1728 : index
            %get3A_1583 = tpu.vector_load %arg4[%get3A_1581, %get3A_1582] {strides = array<i32>} : memref<16x2048xi32, #tpu.memory_space<vmem>>, vector<1x16xi32>,
            %get3A_1584 = vector.shape_cast %get3A_1583 : vector<1x16xi32> to vector<16xi32>
            %ge3A_1585 = vector.broadcast %add3A_283 : i32 to vector<16xi32>
            %ge3A_1586 = arith.cmpi sge, %get3A_1584, %ge3A_1585 : vector<16xi32>
            %jit3A_1587 = arith.constant 1 : i32
            %jit3A_1588 = arith.constant 0 : i32
            %broadcast_in_dim3A_1589 = vector.broadcast %jit3A_1587 : i32 to vector<16xi32>
            %broadcast_in_dim3A_1590 = vector.broadcast %jit3A_1588 : i32 to vector<16xi32>
            %select_n3A_1591 = arith.select %ge3A_1586, %broadcast_in_dim3A_1589, %broadcast_in_dim3A_1590 : vector<16xi1>, vector<16xi32>
            %add3A_1592 = arith.addi %add3A_1580, %select_n3A_1591 : vector<16xi32>
            %get3A_1593 = arith.index_cast %scan3A_22 : i32 to index
            %get3A_1594 = arith.constant 1744 : index
            %get3A_1595 = tpu.vector_load %arg4[%get3A_1593, %get3A_1594] {strides = array<i32>} : memref<16x2048xi32, #tpu.memory_space<vmem>>, vector<1x16xi32>,
            %get3A_1596 = vector.shape_cast %get3A_1595 : vector<1x16xi32> to vector<16xi32>
            %ge3A_1597 = vector.broadcast %add3A_283 : i32 to vector<16xi32>
            %ge3A_1598 = arith.cmpi sge, %get3A_1596, %ge3A_1597 : vector<16xi32>
            %jit3A_1599 = arith.constant 1 : i32
            %jit3A_1600 = arith.constant 0 : i32
            %broadcast_in_dim3A_1601 = vector.broadcast %jit3A_1599 : i32 to vector<16xi32>
            %broadcast_in_dim3A_1602 = vector.broadcast %jit3A_1600 : i32 to vector<16xi32>
            %select_n3A_1603 = arith.select %ge3A_1598, %broadcast_in_dim3A_1601, %broadcast_in_dim3A_1602 : vector<16xi1>, vector<16xi32>
            %add3A_1604 = arith.addi %add3A_1592, %select_n3A_1603 : vector<16xi32>
            %get3A_1605 = arith.index_cast %scan3A_22 : i32 to index
            %get3A_1606 = arith.constant 1760 : index
            %get3A_1607 = tpu.vector_load %arg4[%get3A_1605, %get3A_1606] {strides = array<i32>} : memref<16x2048xi32, #tpu.memory_space<vmem>>, vector<1x16xi32>,
            %get3A_1608 = vector.shape_cast %get3A_1607 : vector<1x16xi32> to vector<16xi32>
            %ge3A_1609 = vector.broadcast %add3A_283 : i32 to vector<16xi32>
            %ge3A_1610 = arith.cmpi sge, %get3A_1608, %ge3A_1609 : vector<16xi32>
            %jit3A_1611 = arith.constant 1 : i32
            %jit3A_1612 = arith.constant 0 : i32
            %broadcast_in_dim3A_1613 = vector.broadcast %jit3A_1611 : i32 to vector<16xi32>
            %broadcast_in_dim3A_1614 = vector.broadcast %jit3A_1612 : i32 to vector<16xi32>
            %select_n3A_1615 = arith.select %ge3A_1610, %broadcast_in_dim3A_1613, %broadcast_in_dim3A_1614 : vector<16xi1>, vector<16xi32>
            %add3A_1616 = arith.addi %add3A_1604, %select_n3A_1615 : vector<16xi32>
            %get3A_1617 = arith.index_cast %scan3A_22 : i32 to index
            %get3A_1618 = arith.constant 1776 : index
            %get3A_1619 = tpu.vector_load %arg4[%get3A_1617, %get3A_1618] {strides = array<i32>} : memref<16x2048xi32, #tpu.memory_space<vmem>>, vector<1x16xi32>,
            %get3A_1620 = vector.shape_cast %get3A_1619 : vector<1x16xi32> to vector<16xi32>
            %ge3A_1621 = vector.broadcast %add3A_283 : i32 to vector<16xi32>
            %ge3A_1622 = arith.cmpi sge, %get3A_1620, %ge3A_1621 : vector<16xi32>
            %jit3A_1623 = arith.constant 1 : i32
            %jit3A_1624 = arith.constant 0 : i32
            %broadcast_in_dim3A_1625 = vector.broadcast %jit3A_1623 : i32 to vector<16xi32>
            %broadcast_in_dim3A_1626 = vector.broadcast %jit3A_1624 : i32 to vector<16xi32>
            %select_n3A_1627 = arith.select %ge3A_1622, %broadcast_in_dim3A_1625, %broadcast_in_dim3A_1626 : vector<16xi1>, vector<16xi32>
            %add3A_1628 = arith.addi %add3A_1616, %select_n3A_1627 : vector<16xi32>
            %get3A_1629 = arith.index_cast %scan3A_22 : i32 to index
            %get3A_1630 = arith.constant 1792 : index
            %get3A_1631 = tpu.vector_load %arg4[%get3A_1629, %get3A_1630] {strides = array<i32>} : memref<16x2048xi32, #tpu.memory_space<vmem>>, vector<1x16xi32>,
            %get3A_1632 = vector.shape_cast %get3A_1631 : vector<1x16xi32> to vector<16xi32>
            %ge3A_1633 = vector.broadcast %add3A_283 : i32 to vector<16xi32>
            %ge3A_1634 = arith.cmpi sge, %get3A_1632, %ge3A_1633 : vector<16xi32>
            %jit3A_1635 = arith.constant 1 : i32
            %jit3A_1636 = arith.constant 0 : i32
            %broadcast_in_dim3A_1637 = vector.broadcast %jit3A_1635 : i32 to vector<16xi32>
            %broadcast_in_dim3A_1638 = vector.broadcast %jit3A_1636 : i32 to vector<16xi32>
            %select_n3A_1639 = arith.select %ge3A_1634, %broadcast_in_dim3A_1637, %broadcast_in_dim3A_1638 : vector<16xi1>, vector<16xi32>
            %add3A_1640 = arith.addi %add3A_1628, %select_n3A_1639 : vector<16xi32>
            %get3A_1641 = arith.index_cast %scan3A_22 : i32 to index
            %get3A_1642 = arith.constant 1808 : index
            %get3A_1643 = tpu.vector_load %arg4[%get3A_1641, %get3A_1642] {strides = array<i32>} : memref<16x2048xi32, #tpu.memory_space<vmem>>, vector<1x16xi32>,
            %get3A_1644 = vector.shape_cast %get3A_1643 : vector<1x16xi32> to vector<16xi32>
            %ge3A_1645 = vector.broadcast %add3A_283 : i32 to vector<16xi32>
            %ge3A_1646 = arith.cmpi sge, %get3A_1644, %ge3A_1645 : vector<16xi32>
            %jit3A_1647 = arith.constant 1 : i32
            %jit3A_1648 = arith.constant 0 : i32
            %broadcast_in_dim3A_1649 = vector.broadcast %jit3A_1647 : i32 to vector<16xi32>
            %broadcast_in_dim3A_1650 = vector.broadcast %jit3A_1648 : i32 to vector<16xi32>
            %select_n3A_1651 = arith.select %ge3A_1646, %broadcast_in_dim3A_1649, %broadcast_in_dim3A_1650 : vector<16xi1>, vector<16xi32>
            %add3A_1652 = arith.addi %add3A_1640, %select_n3A_1651 : vector<16xi32>
            %get3A_1653 = arith.index_cast %scan3A_22 : i32 to index
            %get3A_1654 = arith.constant 1824 : index
            %get3A_1655 = tpu.vector_load %arg4[%get3A_1653, %get3A_1654] {strides = array<i32>} : memref<16x2048xi32, #tpu.memory_space<vmem>>, vector<1x16xi32>,
            %get3A_1656 = vector.shape_cast %get3A_1655 : vector<1x16xi32> to vector<16xi32>
            %ge3A_1657 = vector.broadcast %add3A_283 : i32 to vector<16xi32>
            %ge3A_1658 = arith.cmpi sge, %get3A_1656, %ge3A_1657 : vector<16xi32>
            %jit3A_1659 = arith.constant 1 : i32
            %jit3A_1660 = arith.constant 0 : i32
            %broadcast_in_dim3A_1661 = vector.broadcast %jit3A_1659 : i32 to vector<16xi32>
            %broadcast_in_dim3A_1662 = vector.broadcast %jit3A_1660 : i32 to vector<16xi32>
            %select_n3A_1663 = arith.select %ge3A_1658, %broadcast_in_dim3A_1661, %broadcast_in_dim3A_1662 : vector<16xi1>, vector<16xi32>
            %add3A_1664 = arith.addi %add3A_1652, %select_n3A_1663 : vector<16xi32>
            %get3A_1665 = arith.index_cast %scan3A_22 : i32 to index
            %get3A_1666 = arith.constant 1840 : index
            %get3A_1667 = tpu.vector_load %arg4[%get3A_1665, %get3A_1666] {strides = array<i32>} : memref<16x2048xi32, #tpu.memory_space<vmem>>, vector<1x16xi32>,
            %get3A_1668 = vector.shape_cast %get3A_1667 : vector<1x16xi32> to vector<16xi32>
            %ge3A_1669 = vector.broadcast %add3A_283 : i32 to vector<16xi32>
            %ge3A_1670 = arith.cmpi sge, %get3A_1668, %ge3A_1669 : vector<16xi32>
            %jit3A_1671 = arith.constant 1 : i32
            %jit3A_1672 = arith.constant 0 : i32
            %broadcast_in_dim3A_1673 = vector.broadcast %jit3A_1671 : i32 to vector<16xi32>
            %broadcast_in_dim3A_1674 = vector.broadcast %jit3A_1672 : i32 to vector<16xi32>
            %select_n3A_1675 = arith.select %ge3A_1670, %broadcast_in_dim3A_1673, %broadcast_in_dim3A_1674 : vector<16xi1>, vector<16xi32>
            %add3A_1676 = arith.addi %add3A_1664, %select_n3A_1675 : vector<16xi32>
            %get3A_1677 = arith.index_cast %scan3A_22 : i32 to index
            %get3A_1678 = arith.constant 1856 : index
            %get3A_1679 = tpu.vector_load %arg4[%get3A_1677, %get3A_1678] {strides = array<i32>} : memref<16x2048xi32, #tpu.memory_space<vmem>>, vector<1x16xi32>,
            %get3A_1680 = vector.shape_cast %get3A_1679 : vector<1x16xi32> to vector<16xi32>
            %ge3A_1681 = vector.broadcast %add3A_283 : i32 to vector<16xi32>
            %ge3A_1682 = arith.cmpi sge, %get3A_1680, %ge3A_1681 : vector<16xi32>
            %jit3A_1683 = arith.constant 1 : i32
            %jit3A_1684 = arith.constant 0 : i32
            %broadcast_in_dim3A_1685 = vector.broadcast %jit3A_1683 : i32 to vector<16xi32>
            %broadcast_in_dim3A_1686 = vector.broadcast %jit3A_1684 : i32 to vector<16xi32>
            %select_n3A_1687 = arith.select %ge3A_1682, %broadcast_in_dim3A_1685, %broadcast_in_dim3A_1686 : vector<16xi1>, vector<16xi32>
            %add3A_1688 = arith.addi %add3A_1676, %select_n3A_1687 : vector<16xi32>
            %get3A_1689 = arith.index_cast %scan3A_22 : i32 to index
            %get3A_1690 = arith.constant 1872 : index
            %get3A_1691 = tpu.vector_load %arg4[%get3A_1689, %get3A_1690] {strides = array<i32>} : memref<16x2048xi32, #tpu.memory_space<vmem>>, vector<1x16xi32>,
            %get3A_1692 = vector.shape_cast %get3A_1691 : vector<1x16xi32> to vector<16xi32>
            %ge3A_1693 = vector.broadcast %add3A_283 : i32 to vector<16xi32>
            %ge3A_1694 = arith.cmpi sge, %get3A_1692, %ge3A_1693 : vector<16xi32>
            %jit3A_1695 = arith.constant 1 : i32
            %jit3A_1696 = arith.constant 0 : i32
            %broadcast_in_dim3A_1697 = vector.broadcast %jit3A_1695 : i32 to vector<16xi32>
            %broadcast_in_dim3A_1698 = vector.broadcast %jit3A_1696 : i32 to vector<16xi32>
            %select_n3A_1699 = arith.select %ge3A_1694, %broadcast_in_dim3A_1697, %broadcast_in_dim3A_1698 : vector<16xi1>, vector<16xi32>
            %add3A_1700 = arith.addi %add3A_1688, %select_n3A_1699 : vector<16xi32>
            %get3A_1701 = arith.index_cast %scan3A_22 : i32 to index
            %get3A_1702 = arith.constant 1888 : index
            %get3A_1703 = tpu.vector_load %arg4[%get3A_1701, %get3A_1702] {strides = array<i32>} : memref<16x2048xi32, #tpu.memory_space<vmem>>, vector<1x16xi32>,
            %get3A_1704 = vector.shape_cast %get3A_1703 : vector<1x16xi32> to vector<16xi32>
            %ge3A_1705 = vector.broadcast %add3A_283 : i32 to vector<16xi32>
            %ge3A_1706 = arith.cmpi sge, %get3A_1704, %ge3A_1705 : vector<16xi32>
            %jit3A_1707 = arith.constant 1 : i32
            %jit3A_1708 = arith.constant 0 : i32
            %broadcast_in_dim3A_1709 = vector.broadcast %jit3A_1707 : i32 to vector<16xi32>
            %broadcast_in_dim3A_1710 = vector.broadcast %jit3A_1708 : i32 to vector<16xi32>
            %select_n3A_1711 = arith.select %ge3A_1706, %broadcast_in_dim3A_1709, %broadcast_in_dim3A_1710 : vector<16xi1>, vector<16xi32>
            %add3A_1712 = arith.addi %add3A_1700, %select_n3A_1711 : vector<16xi32>
            %get3A_1713 = arith.index_cast %scan3A_22 : i32 to index
            %get3A_1714 = arith.constant 1904 : index
            %get3A_1715 = tpu.vector_load %arg4[%get3A_1713, %get3A_1714] {strides = array<i32>} : memref<16x2048xi32, #tpu.memory_space<vmem>>, vector<1x16xi32>,
            %get3A_1716 = vector.shape_cast %get3A_1715 : vector<1x16xi32> to vector<16xi32>
            %ge3A_1717 = vector.broadcast %add3A_283 : i32 to vector<16xi32>
            %ge3A_1718 = arith.cmpi sge, %get3A_1716, %ge3A_1717 : vector<16xi32>
            %jit3A_1719 = arith.constant 1 : i32
            %jit3A_1720 = arith.constant 0 : i32
            %broadcast_in_dim3A_1721 = vector.broadcast %jit3A_1719 : i32 to vector<16xi32>
            %broadcast_in_dim3A_1722 = vector.broadcast %jit3A_1720 : i32 to vector<16xi32>
            %select_n3A_1723 = arith.select %ge3A_1718, %broadcast_in_dim3A_1721, %broadcast_in_dim3A_1722 : vector<16xi1>, vector<16xi32>
            %add3A_1724 = arith.addi %add3A_1712, %select_n3A_1723 : vector<16xi32>
            %get3A_1725 = arith.index_cast %scan3A_22 : i32 to index
            %get3A_1726 = arith.constant 1920 : index
            %get3A_1727 = tpu.vector_load %arg4[%get3A_1725, %get3A_1726] {strides = array<i32>} : memref<16x2048xi32, #tpu.memory_space<vmem>>, vector<1x16xi32>,
            %get3A_1728 = vector.shape_cast %get3A_1727 : vector<1x16xi32> to vector<16xi32>
            %ge3A_1729 = vector.broadcast %add3A_283 : i32 to vector<16xi32>
            %ge3A_1730 = arith.cmpi sge, %get3A_1728, %ge3A_1729 : vector<16xi32>
            %jit3A_1731 = arith.constant 1 : i32
            %jit3A_1732 = arith.constant 0 : i32
            %broadcast_in_dim3A_1733 = vector.broadcast %jit3A_1731 : i32 to vector<16xi32>
            %broadcast_in_dim3A_1734 = vector.broadcast %jit3A_1732 : i32 to vector<16xi32>
            %select_n3A_1735 = arith.select %ge3A_1730, %broadcast_in_dim3A_1733, %broadcast_in_dim3A_1734 : vector<16xi1>, vector<16xi32>
            %add3A_1736 = arith.addi %add3A_1724, %select_n3A_1735 : vector<16xi32>
            %get3A_1737 = arith.index_cast %scan3A_22 : i32 to index
            %get3A_1738 = arith.constant 1936 : index
            %get3A_1739 = tpu.vector_load %arg4[%get3A_1737, %get3A_1738] {strides = array<i32>} : memref<16x2048xi32, #tpu.memory_space<vmem>>, vector<1x16xi32>,
            %get3A_1740 = vector.shape_cast %get3A_1739 : vector<1x16xi32> to vector<16xi32>
            %ge3A_1741 = vector.broadcast %add3A_283 : i32 to vector<16xi32>
            %ge3A_1742 = arith.cmpi sge, %get3A_1740, %ge3A_1741 : vector<16xi32>
            %jit3A_1743 = arith.constant 1 : i32
            %jit3A_1744 = arith.constant 0 : i32
            %broadcast_in_dim3A_1745 = vector.broadcast %jit3A_1743 : i32 to vector<16xi32>
            %broadcast_in_dim3A_1746 = vector.broadcast %jit3A_1744 : i32 to vector<16xi32>
            %select_n3A_1747 = arith.select %ge3A_1742, %broadcast_in_dim3A_1745, %broadcast_in_dim3A_1746 : vector<16xi1>, vector<16xi32>
            %add3A_1748 = arith.addi %add3A_1736, %select_n3A_1747 : vector<16xi32>
            %get3A_1749 = arith.index_cast %scan3A_22 : i32 to index
            %get3A_1750 = arith.constant 1952 : index
            %get3A_1751 = tpu.vector_load %arg4[%get3A_1749, %get3A_1750] {strides = array<i32>} : memref<16x2048xi32, #tpu.memory_space<vmem>>, vector<1x16xi32>,
            %get3A_1752 = vector.shape_cast %get3A_1751 : vector<1x16xi32> to vector<16xi32>
            %ge3A_1753 = vector.broadcast %add3A_283 : i32 to vector<16xi32>
            %ge3A_1754 = arith.cmpi sge, %get3A_1752, %ge3A_1753 : vector<16xi32>
            %jit3A_1755 = arith.constant 1 : i32
            %jit3A_1756 = arith.constant 0 : i32
            %broadcast_in_dim3A_1757 = vector.broadcast %jit3A_1755 : i32 to vector<16xi32>
            %broadcast_in_dim3A_1758 = vector.broadcast %jit3A_1756 : i32 to vector<16xi32>
            %select_n3A_1759 = arith.select %ge3A_1754, %broadcast_in_dim3A_1757, %broadcast_in_dim3A_1758 : vector<16xi1>, vector<16xi32>
            %add3A_1760 = arith.addi %add3A_1748, %select_n3A_1759 : vector<16xi32>
            %get3A_1761 = arith.index_cast %scan3A_22 : i32 to index
            %get3A_1762 = arith.constant 1968 : index
            %get3A_1763 = tpu.vector_load %arg4[%get3A_1761, %get3A_1762] {strides = array<i32>} : memref<16x2048xi32, #tpu.memory_space<vmem>>, vector<1x16xi32>,
            %get3A_1764 = vector.shape_cast %get3A_1763 : vector<1x16xi32> to vector<16xi32>
            %ge3A_1765 = vector.broadcast %add3A_283 : i32 to vector<16xi32>
            %ge3A_1766 = arith.cmpi sge, %get3A_1764, %ge3A_1765 : vector<16xi32>
            %jit3A_1767 = arith.constant 1 : i32
            %jit3A_1768 = arith.constant 0 : i32
            %broadcast_in_dim3A_1769 = vector.broadcast %jit3A_1767 : i32 to vector<16xi32>
            %broadcast_in_dim3A_1770 = vector.broadcast %jit3A_1768 : i32 to vector<16xi32>
            %select_n3A_1771 = arith.select %ge3A_1766, %broadcast_in_dim3A_1769, %broadcast_in_dim3A_1770 : vector<16xi1>, vector<16xi32>
            %add3A_1772 = arith.addi %add3A_1760, %select_n3A_1771 : vector<16xi32>
            %get3A_1773 = arith.index_cast %scan3A_22 : i32 to index
            %get3A_1774 = arith.constant 1984 : index
            %get3A_1775 = tpu.vector_load %arg4[%get3A_1773, %get3A_1774] {strides = array<i32>} : memref<16x2048xi32, #tpu.memory_space<vmem>>, vector<1x16xi32>,
            %get3A_1776 = vector.shape_cast %get3A_1775 : vector<1x16xi32> to vector<16xi32>
            %ge3A_1777 = vector.broadcast %add3A_283 : i32 to vector<16xi32>
            %ge3A_1778 = arith.cmpi sge, %get3A_1776, %ge3A_1777 : vector<16xi32>
            %jit3A_1779 = arith.constant 1 : i32
            %jit3A_1780 = arith.constant 0 : i32
            %broadcast_in_dim3A_1781 = vector.broadcast %jit3A_1779 : i32 to vector<16xi32>
            %broadcast_in_dim3A_1782 = vector.broadcast %jit3A_1780 : i32 to vector<16xi32>
            %select_n3A_1783 = arith.select %ge3A_1778, %broadcast_in_dim3A_1781, %broadcast_in_dim3A_1782 : vector<16xi1>, vector<16xi32>
            %add3A_1784 = arith.addi %add3A_1772, %select_n3A_1783 : vector<16xi32>
            %get3A_1785 = arith.index_cast %scan3A_22 : i32 to index
            %get3A_1786 = arith.constant 2000 : index
            %get3A_1787 = tpu.vector_load %arg4[%get3A_1785, %get3A_1786] {strides = array<i32>} : memref<16x2048xi32, #tpu.memory_space<vmem>>, vector<1x16xi32>,
            %get3A_1788 = vector.shape_cast %get3A_1787 : vector<1x16xi32> to vector<16xi32>
            %ge3A_1789 = vector.broadcast %add3A_283 : i32 to vector<16xi32>
            %ge3A_1790 = arith.cmpi sge, %get3A_1788, %ge3A_1789 : vector<16xi32>
            %jit3A_1791 = arith.constant 1 : i32
            %jit3A_1792 = arith.constant 0 : i32
            %broadcast_in_dim3A_1793 = vector.broadcast %jit3A_1791 : i32 to vector<16xi32>
            %broadcast_in_dim3A_1794 = vector.broadcast %jit3A_1792 : i32 to vector<16xi32>
            %select_n3A_1795 = arith.select %ge3A_1790, %broadcast_in_dim3A_1793, %broadcast_in_dim3A_1794 : vector<16xi1>, vector<16xi32>
            %add3A_1796 = arith.addi %add3A_1784, %select_n3A_1795 : vector<16xi32>
            %get3A_1797 = arith.index_cast %scan3A_22 : i32 to index
            %get3A_1798 = arith.constant 2016 : index
            %get3A_1799 = tpu.vector_load %arg4[%get3A_1797, %get3A_1798] {strides = array<i32>} : memref<16x2048xi32, #tpu.memory_space<vmem>>, vector<1x16xi32>,
            %get3A_1800 = vector.shape_cast %get3A_1799 : vector<1x16xi32> to vector<16xi32>
            %ge3A_1801 = vector.broadcast %add3A_283 : i32 to vector<16xi32>
            %ge3A_1802 = arith.cmpi sge, %get3A_1800, %ge3A_1801 : vector<16xi32>
            %jit3A_1803 = arith.constant 1 : i32
            %jit3A_1804 = arith.constant 0 : i32
            %broadcast_in_dim3A_1805 = vector.broadcast %jit3A_1803 : i32 to vector<16xi32>
            %broadcast_in_dim3A_1806 = vector.broadcast %jit3A_1804 : i32 to vector<16xi32>
            %select_n3A_1807 = arith.select %ge3A_1802, %broadcast_in_dim3A_1805, %broadcast_in_dim3A_1806 : vector<16xi1>, vector<16xi32>
            %add3A_1808 = arith.addi %add3A_1796, %select_n3A_1807 : vector<16xi32>
            %get3A_1809 = arith.index_cast %scan3A_22 : i32 to index
            %get3A_1810 = arith.constant 2032 : index
            %get3A_1811 = tpu.vector_load %arg4[%get3A_1809, %get3A_1810] {strides = array<i32>} : memref<16x2048xi32, #tpu.memory_space<vmem>>, vector<1x16xi32>,
            %get3A_1812 = vector.shape_cast %get3A_1811 : vector<1x16xi32> to vector<16xi32>
            %ge3A_1813 = vector.broadcast %add3A_283 : i32 to vector<16xi32>
            %ge3A_1814 = arith.cmpi sge, %get3A_1812, %ge3A_1813 : vector<16xi32>
            %jit3A_1815 = arith.constant 1 : i32
            %jit3A_1816 = arith.constant 0 : i32
            %broadcast_in_dim3A_1817 = vector.broadcast %jit3A_1815 : i32 to vector<16xi32>
            %broadcast_in_dim3A_1818 = vector.broadcast %jit3A_1816 : i32 to vector<16xi32>
            %select_n3A_1819 = arith.select %ge3A_1814, %broadcast_in_dim3A_1817, %broadcast_in_dim3A_1818 : vector<16xi1>, vector<16xi32>
            %add3A_1820 = arith.addi %add3A_1808, %select_n3A_1819 : vector<16xi32>
            %iota3A_1821 = tpu.iota {dimensions = array<i32: 0>} : vector<16xi32>
            %xor3A_1822 = arith.constant 8 : i32
            %xor3A_1823 = vector.broadcast %xor3A_1822 : i32 to vector<16xi32>
            %xor3A_1824 = arith.xori %iota3A_1821, %xor3A_1823 : vector<16xi32>
            %lt3A_1825 = arith.constant 0 : i32
            %lt3A_1826 = vector.broadcast %lt3A_1825 : i32 to vector<16xi32>
            %lt3A_1827 = arith.cmpi slt, %xor3A_1824, %lt3A_1826 : vector<16xi32>
            %add3A_1828 = arith.constant 16 : i32
            %add3A_1829 = vector.broadcast %add3A_1828 : i32 to vector<16xi32>
            %add3A_1830 = arith.addi %xor3A_1824, %add3A_1829 : vector<16xi32>
            %select_n3A_1831 = arith.select %lt3A_1827, %add3A_1830, %xor3A_1824 : vector<16xi1>, vector<16xi32>
            %broadcast_in_dim3A_1832 = vector.shape_cast %select_n3A_1831 : vector<16xi32> to vector<16x1xi32>
            %gather3A_1833 = vector.shape_cast %broadcast_in_dim3A_1832 : vector<16x1xi32> to vector<16xi32>
            %gather3A_1834 = tpu.dynamic_gather %add3A_1820[%gather3A_1833] in [0] : vector<16xi32>, vector<16xi32> -> vector<16xi32>
            %add3A_1835 = arith.addi %add3A_1820, %gather3A_1834 : vector<16xi32>
            %xor3A_1836 = arith.constant 4 : i32
            %xor3A_1837 = vector.broadcast %xor3A_1836 : i32 to vector<16xi32>
            %xor3A_1838 = arith.xori %iota3A_1821, %xor3A_1837 : vector<16xi32>
            %lt3A_1839 = arith.constant 0 : i32
            %lt3A_1840 = vector.broadcast %lt3A_1839 : i32 to vector<16xi32>
            %lt3A_1841 = arith.cmpi slt, %xor3A_1838, %lt3A_1840 : vector<16xi32>
            %add3A_1842 = arith.constant 16 : i32
            %add3A_1843 = vector.broadcast %add3A_1842 : i32 to vector<16xi32>
            %add3A_1844 = arith.addi %xor3A_1838, %add3A_1843 : vector<16xi32>
            %select_n3A_1845 = arith.select %lt3A_1841, %add3A_1844, %xor3A_1838 : vector<16xi1>, vector<16xi32>
            %broadcast_in_dim3A_1846 = vector.shape_cast %select_n3A_1845 : vector<16xi32> to vector<16x1xi32>
            %gather3A_1847 = vector.shape_cast %broadcast_in_dim3A_1846 : vector<16x1xi32> to vector<16xi32>
            %gather3A_1848 = tpu.dynamic_gather %add3A_1835[%gather3A_1847] in [0] : vector<16xi32>, vector<16xi32> -> vector<16xi32>
            %add3A_1849 = arith.addi %add3A_1835, %gather3A_1848 : vector<16xi32>
            %xor3A_1850 = arith.constant 2 : i32
            %xor3A_1851 = vector.broadcast %xor3A_1850 : i32 to vector<16xi32>
            %xor3A_1852 = arith.xori %iota3A_1821, %xor3A_1851 : vector<16xi32>
            %lt3A_1853 = arith.constant 0 : i32
            %lt3A_1854 = vector.broadcast %lt3A_1853 : i32 to vector<16xi32>
            %lt3A_1855 = arith.cmpi slt, %xor3A_1852, %lt3A_1854 : vector<16xi32>
            %add3A_1856 = arith.constant 16 : i32
            %add3A_1857 = vector.broadcast %add3A_1856 : i32 to vector<16xi32>
            %add3A_1858 = arith.addi %xor3A_1852, %add3A_1857 : vector<16xi32>
            %select_n3A_1859 = arith.select %lt3A_1855, %add3A_1858, %xor3A_1852 : vector<16xi1>, vector<16xi32>
            %broadcast_in_dim3A_1860 = vector.shape_cast %select_n3A_1859 : vector<16xi32> to vector<16x1xi32>
            %gather3A_1861 = vector.shape_cast %broadcast_in_dim3A_1860 : vector<16x1xi32> to vector<16xi32>
            %gather3A_1862 = tpu.dynamic_gather %add3A_1849[%gather3A_1861] in [0] : vector<16xi32>, vector<16xi32> -> vector<16xi32>
            %add3A_1863 = arith.addi %add3A_1849, %gather3A_1862 : vector<16xi32>
            %xor3A_1864 = arith.constant 1 : i32
            %xor3A_1865 = vector.broadcast %xor3A_1864 : i32 to vector<16xi32>
            %xor3A_1866 = arith.xori %iota3A_1821, %xor3A_1865 : vector<16xi32>
            %lt3A_1867 = arith.constant 0 : i32
            %lt3A_1868 = vector.broadcast %lt3A_1867 : i32 to vector<16xi32>
            %lt3A_1869 = arith.cmpi slt, %xor3A_1866, %lt3A_1868 : vector<16xi32>
            %add3A_1870 = arith.constant 16 : i32
            %add3A_1871 = vector.broadcast %add3A_1870 : i32 to vector<16xi32>
            %add3A_1872 = arith.addi %xor3A_1866, %add3A_1871 : vector<16xi32>
            %select_n3A_1873 = arith.select %lt3A_1869, %add3A_1872, %xor3A_1866 : vector<16xi1>, vector<16xi32>
            %broadcast_in_dim3A_1874 = vector.shape_cast %select_n3A_1873 : vector<16xi32> to vector<16x1xi32>
            %gather3A_1875 = vector.shape_cast %broadcast_in_dim3A_1874 : vector<16x1xi32> to vector<16xi32>
            %gather3A_1876 = tpu.dynamic_gather %add3A_1863[%gather3A_1875] in [0] : vector<16xi32>, vector<16xi32> -> vector<16xi32>
            %add3A_1877 = arith.addi %add3A_1863, %gather3A_1876 : vector<16xi32>
            %slice3A_1878 = vector.extract_strided_slice %add3A_1877 {offsets = [0], sizes = [1], strides = [1]} : vector<16xi32> to vector<1xi32>
            %squeeze3A_1879 = vector.extract %slice3A_1878[0] : i32 from vector<1xi32>
            %ge3A_1880 = arith.constant 50 : i32
            %ge3A_1881 = arith.cmpi sge, %squeeze3A_1879, %ge3A_1880 : i32
            %eq3A_1882 = arith.constant 50 : i32
            %eq3A_1883 = arith.cmpi eq, %squeeze3A_1879, %eq3A_1882 : i32
            %select_n3A_1884 = arith.select %ge3A_1881, %add3A_283, %get3A_259 : i32
            %swap3A_1885 = arith.constant 0 : i32
            %swap3A_1886 = arith.index_cast %swap3A_1885 : i32 to index
            %swap3A_1887 = memref.load %arg7[%swap3A_1886] : memref<2xi32, #tpu.memory_space<smem>>
            memref.store %select_n3A_1884, %arg7[%swap3A_1886] : memref<2xi32, #tpu.memory_space<smem>>
            %sub3A_1888 = arith.constant 1 : i32
            %sub3A_1889 = arith.subi %add3A_283, %sub3A_1888 : i32
            %select_n3A_1890 = arith.select %ge3A_1881, %get3A_262, %sub3A_1889 : i32
            %select_n3A_1891 = arith.select %eq3A_1883, %add3A_283, %select_n3A_1890 : i32
            %swap3A_1892 = arith.constant 1 : i32
            %swap3A_1893 = arith.index_cast %swap3A_1892 : i32 to index
            %swap3A_1894 = memref.load %arg7[%swap3A_1893] : memref<2xi32, #tpu.memory_space<smem>>
            memref.store %select_n3A_1891, %arg7[%swap3A_1893] : memref<2xi32, #tpu.memory_space<smem>>
          } else {
          }
        }
        %scan3A_233 = arith.constant 31 : i32
        %iota3A_234 = tpu.iota {dimensions = array<i32: 0>} : vector<16xi32>
        %eq3A = vector.broadcast %scan3A_22 : i32 to vector<16xi32>
        %eq3A_235 = arith.cmpi eq, %iota3A_234, %eq3A : vector<16xi32>
        %get3A_236 = arith.constant 0 : i32
        %get3A_237 = arith.index_cast %get3A_236 : i32 to index
        %get3A_238 = memref.load %arg7[%get3A_237] : memref<2xi32, #tpu.memory_space<smem>>
        %get3A_239 = arith.constant 0 : index
        %get3A_240 = tpu.vector_load %arg5[%get3A_239] {strides = array<i32>} : memref<16xi32, #tpu.memory_space<vmem>>, vector<16xi32>,
        %get3A_241 = vector.shape_cast %get3A_240 : vector<16xi32> to vector<16xi32>
        %broadcast_in_dim3A_242 = vector.broadcast %get3A_238 : i32 to vector<16xi32>
        %select_n3A_243 = arith.select %eq3A_235, %broadcast_in_dim3A_242, %get3A_241 : vector<16xi1>, vector<16xi32>
        %swap3A_244 = arith.constant 0 : index
        %swap3A_245 = tpu.vector_load %arg5[%swap3A_244] {strides = array<i32>} : memref<16xi32, #tpu.memory_space<vmem>>, vector<16xi32>,
        %swap3A_246 = vector.shape_cast %swap3A_245 : vector<16xi32> to vector<16xi32>
        %swap3A_247 = vector.shape_cast %select_n3A_243 : vector<16xi32> to vector<16xi32>
        tpu.vector_store %arg5[%swap3A_244], %swap3A_247 {strides = array<i32>} : memref<16xi32, #tpu.memory_space<vmem>>, vector<16xi32>,
        %scan3A_248 = arith.constant 0 : i32
        scf.yield %scan3A_248 : i32
      }
      %scan3A_20 = arith.constant 16 : i32
      "tpu.region"() ({
        %run_scoped3A = tpu.sem_alloc : memref<!tpu.dma_semaphore, #tpu.memory_space<semaphore_mem>>
        %dma_start3A = tpu.memref_slice %arg3[%add3A_13] : memref<8192xi32, #tpu.memory_space<hbm>> -> memref<16xi32, #tpu.memory_space<hbm>>
        %dma_start3A_22 = tpu.memref_slice %arg3[%add3A_13] : memref<8192xi32, #tpu.memory_space<hbm>> -> memref<16xi32, #tpu.memory_space<hbm>>
        tpu.enqueue_dma source(%arg5 : memref<16xi32, #tpu.memory_space<vmem>>) target(%dma_start3A_22 : memref<16xi32, #tpu.memory_space<hbm>>) target_semaphore(%run_scoped3A : memref<!tpu.dma_semaphore, #tpu.memory_space<semaphore_mem>>)
        %dma_wait3A = tpu.memref_slice %arg3[%add3A_13] : memref<8192xi32, #tpu.memory_space<hbm>> -> memref<16xi32, #tpu.memory_space<hbm>>
        %dma_wait3A_23 = tpu.memref_slice %arg3[%add3A_13] : memref<8192xi32, #tpu.memory_space<hbm>> -> memref<16xi32, #tpu.memory_space<hbm>>
        tpu.wait_dma2 semaphore(%run_scoped3A : memref<!tpu.dma_semaphore, #tpu.memory_space<semaphore_mem>>) src(%arg5 : memref<16xi32, #tpu.memory_space<vmem>>) dst(%dma_wait3A_23 : memref<16xi32, #tpu.memory_space<hbm>>)
        tpu.yield
      }) : () -> ()
      %scan3A_21 = arith.constant 0 : i32
      scf.yield %scan3A_21 : i32
    }
    %scan3A_8 = arith.constant 16 : i32
    return
  }
}

module attributes {stable_mosaic.version = 14 : i64} {
  func.func @_embed_body(%arg0: i32, %arg1: memref<1x2048x128xf32, #tpu.memory_space<vmem>>, %arg2: memref<128x256xf32, #tpu.memory_space<vmem>>, %arg3: memref<1x256xf32, #tpu.memory_space<vmem>>, %arg4: memref<256x256xf32, #tpu.memory_space<vmem>>, %arg5: memref<1x256xf32, #tpu.memory_space<vmem>>, %arg6: memref<1x2048x256xf32, #tpu.memory_space<vmem>>) attributes {dimension_semantics = [#tpu.dimension_semantics<arbitrary>], iteration_bounds = array<i64: 4>, scalar_prefetch = 0 : i64, scratch_operands = 0 : i64, tpu.core_type = #tpu.core_type<tc>, window_params = [{transform_indices = @transform_0, window_bounds = array<i64: 1, 2048, 128>}, {pipeline_mode = #tpu.pipeline_mode<synchronous>, transform_indices = @transform_1, window_bounds = array<i64: 128, 256>}, {pipeline_mode = #tpu.pipeline_mode<synchronous>, transform_indices = @transform_2, window_bounds = array<i64: 1, 256>}, {pipeline_mode = #tpu.pipeline_mode<synchronous>, transform_indices = @transform_3, window_bounds = array<i64: 256, 256>}, {pipeline_mode = #tpu.pipeline_mode<synchronous>, transform_indices = @transform_4, window_bounds = array<i64: 1, 256>}, {transform_indices = @transform_5, window_bounds = array<i64: 1, 2048, 256>}]} {
    %get3A = arith.constant 0 : index
    %get3A_0 = arith.constant 0 : index
    %get3A_1 = arith.constant 0 : index
    %get3A_2 = vector.load %arg1[%get3A, %get3A_0, %get3A_1] : memref<1x2048x128xf32, #tpu.memory_space<vmem>>, vector<1x2048x128xf32>
    %get3A_3 = vector.shape_cast %get3A_2 : vector<1x2048x128xf32> to vector<2048x128xf32>
    %get3A_4 = arith.constant 0 : index
    %get3A_5 = arith.constant 0 : index
    %get3A_6 = vector.load %arg2[%get3A_4, %get3A_5] : memref<128x256xf32, #tpu.memory_space<vmem>>, vector<128x256xf32>
    %dot_general3A = arith.constant dense<0.000000e+00> : vector<2048x256xf32>
    %dot_general3A_7 = tpu.matmul %get3A_3, %get3A_6, %dot_general3A {dimension_numbers = #tpu.dot_dimension_numbers<[1], [0], [0], [1], [0, 0, 1, 1], [], []>, transpose_lhs_hint = false} : vector<2048x128xf32>, vector<128x256xf32>, vector<2048x256xf32> -> vector<2048x256xf32>
    %get3A_8 = arith.constant 0 : index
    %get3A_9 = arith.constant 0 : index
    %get3A_10 = vector.load %arg3[%get3A_8, %get3A_9] : memref<1x256xf32, #tpu.memory_space<vmem>>, vector<1x256xf32>
    %add3A = vector.broadcast %get3A_10 : vector<1x256xf32> to vector<2048x256xf32>
    %add3A_11 = arith.addf %dot_general3A_7, %add3A : vector<2048x256xf32>
    %max3A = arith.constant 0.000000e+00 : f32
    %max3A_12 = vector.broadcast %max3A : f32 to vector<2048x256xf32>
    %max3A_13 = arith.maximumf %add3A_11, %max3A_12 : vector<2048x256xf32>
    %get3A_14 = arith.constant 0 : index
    %get3A_15 = arith.constant 0 : index
    %get3A_16 = vector.load %arg4[%get3A_14, %get3A_15] : memref<256x256xf32, #tpu.memory_space<vmem>>, vector<256x256xf32>
    %dot_general3A_17 = arith.constant dense<0.000000e+00> : vector<2048x256xf32>
    %dot_general3A_18 = tpu.matmul %max3A_13, %get3A_16, %dot_general3A_17 {dimension_numbers = #tpu.dot_dimension_numbers<[1], [0], [0], [1], [0, 0, 1, 1], [], []>, transpose_lhs_hint = false} : vector<2048x256xf32>, vector<256x256xf32>, vector<2048x256xf32> -> vector<2048x256xf32>
    %get3A_19 = arith.constant 0 : index
    %get3A_20 = arith.constant 0 : index
    %get3A_21 = vector.load %arg5[%get3A_19, %get3A_20] : memref<1x256xf32, #tpu.memory_space<vmem>>, vector<1x256xf32>
    %add3A_22 = vector.broadcast %get3A_21 : vector<1x256xf32> to vector<2048x256xf32>
    %add3A_23 = arith.addf %dot_general3A_18, %add3A_22 : vector<2048x256xf32>
    %max3A_24 = arith.constant 0.000000e+00 : f32
    %max3A_25 = vector.broadcast %max3A_24 : f32 to vector<2048x256xf32>
    %max3A_26 = arith.maximumf %add3A_23, %max3A_25 : vector<2048x256xf32>
    %swap3A = arith.constant 0 : index
    %swap3A_27 = arith.constant 0 : index
    %swap3A_28 = arith.constant 0 : index
    %swap3A_29 = vector.load %arg6[%swap3A, %swap3A_27, %swap3A_28] : memref<1x2048x256xf32, #tpu.memory_space<vmem>>, vector<1x2048x256xf32>
    %swap3A_30 = vector.shape_cast %swap3A_29 : vector<1x2048x256xf32> to vector<2048x256xf32>
    %swap3A_31 = vector.shape_cast %max3A_26 : vector<2048x256xf32> to vector<1x2048x256xf32>
    tpu.vector_store %arg6[%swap3A, %swap3A_27, %swap3A_28], %swap3A_31 {strides = array<i32>} : memref<1x2048x256xf32, #tpu.memory_space<vmem>>, vector<1x2048x256xf32>,
    return
  }
  func.func @transform_0(%arg0: i32) -> (i32, i32, i32) {
    %c0_i32 = arith.constant 0 : i32
    %c0_i32_0 = arith.constant 0 : i32
    %c0_i32_1 = arith.constant 0 : i32
    return %arg0, %c0_i32, %c0_i32_0 : i32, i32, i32
  }
  func.func @transform_1(%arg0: i32) -> (i32, i32) {
    %c0_i32 = arith.constant 0 : i32
    %c0_i32_0 = arith.constant 0 : i32
    %c0_i32_1 = arith.constant 0 : i32
    return %c0_i32, %c0_i32_0 : i32, i32
  }
  func.func @transform_2(%arg0: i32) -> (i32, i32) {
    %c0_i32 = arith.constant 0 : i32
    %c0_i32_0 = arith.constant 0 : i32
    %c0_i32_1 = arith.constant 0 : i32
    return %c0_i32, %c0_i32_0 : i32, i32
  }
  func.func @transform_3(%arg0: i32) -> (i32, i32) {
    %c0_i32 = arith.constant 0 : i32
    %c0_i32_0 = arith.constant 0 : i32
    %c0_i32_1 = arith.constant 0 : i32
    return %c0_i32, %c0_i32_0 : i32, i32
  }
  func.func @transform_4(%arg0: i32) -> (i32, i32) {
    %c0_i32 = arith.constant 0 : i32
    %c0_i32_0 = arith.constant 0 : i32
    %c0_i32_1 = arith.constant 0 : i32
    return %c0_i32, %c0_i32_0 : i32, i32
  }
  func.func @transform_5(%arg0: i32) -> (i32, i32, i32) {
    %c0_i32 = arith.constant 0 : i32
    %c0_i32_0 = arith.constant 0 : i32
    %c0_i32_1 = arith.constant 0 : i32
    return %arg0, %c0_i32, %c0_i32_0 : i32, i32, i32
  }
}

module attributes {stable_mosaic.version = 14 : i64} {
  func.func @_gram_body(%arg0: i32, %arg1: i32, %arg2: memref<1x512x256xf32, #tpu.memory_space<vmem>>, %arg3: memref<1x2048x256xf32, #tpu.memory_space<vmem>>, %arg4: memref<1x512x2048xf32, #tpu.memory_space<vmem>>) attributes {dimension_semantics = [#tpu.dimension_semantics<arbitrary>, #tpu.dimension_semantics<arbitrary>], iteration_bounds = array<i64: 4, 4>, scalar_prefetch = 0 : i64, scratch_operands = 0 : i64, tpu.core_type = #tpu.core_type<tc>, window_params = [{transform_indices = @transform_0, window_bounds = array<i64: 1, 512, 256>}, {transform_indices = @transform_1, window_bounds = array<i64: 1, 2048, 256>}, {transform_indices = @transform_2, window_bounds = array<i64: 1, 512, 2048>}]} {
    %get3A = arith.constant 0 : index
    %get3A_0 = arith.constant 0 : index
    %get3A_1 = arith.constant 0 : index
    %get3A_2 = vector.load %arg2[%get3A, %get3A_0, %get3A_1] : memref<1x512x256xf32, #tpu.memory_space<vmem>>, vector<1x512x256xf32>
    %get3A_3 = vector.shape_cast %get3A_2 : vector<1x512x256xf32> to vector<512x256xf32>
    %get3A_4 = arith.constant 0 : index
    %get3A_5 = arith.constant 0 : index
    %get3A_6 = arith.constant 0 : index
    %get3A_7 = vector.load %arg3[%get3A_4, %get3A_5, %get3A_6] : memref<1x2048x256xf32, #tpu.memory_space<vmem>>, vector<1x2048x256xf32>
    %get3A_8 = vector.shape_cast %get3A_7 : vector<1x2048x256xf32> to vector<2048x256xf32>
    %dot_general3A = arith.constant dense<0.000000e+00> : vector<512x2048xf32>
    %dot_general3A_9 = tpu.matmul %get3A_3, %get3A_8, %dot_general3A {dimension_numbers = #tpu.dot_dimension_numbers<[1], [1], [0], [0], [0, 0, 1, 0], [], []>, transpose_lhs_hint = false} : vector<512x256xf32>, vector<2048x256xf32>, vector<512x2048xf32> -> vector<512x2048xf32>
    %swap3A = arith.constant 0 : index
    %swap3A_10 = arith.constant 0 : index
    %swap3A_11 = arith.constant 0 : index
    %swap3A_12 = vector.load %arg4[%swap3A, %swap3A_10, %swap3A_11] : memref<1x512x2048xf32, #tpu.memory_space<vmem>>, vector<1x512x2048xf32>
    %swap3A_13 = vector.shape_cast %swap3A_12 : vector<1x512x2048xf32> to vector<512x2048xf32>
    %swap3A_14 = vector.shape_cast %dot_general3A_9 : vector<512x2048xf32> to vector<1x512x2048xf32>
    tpu.vector_store %arg4[%swap3A, %swap3A_10, %swap3A_11], %swap3A_14 {strides = array<i32>} : memref<1x512x2048xf32, #tpu.memory_space<vmem>>, vector<1x512x2048xf32>,
    return
  }
  func.func @transform_0(%arg0: i32, %arg1: i32) -> (i32, i32, i32) {
    %c0_i32 = arith.constant 0 : i32
    %c0_i32_0 = arith.constant 0 : i32
    return %arg0, %arg1, %c0_i32 : i32, i32, i32
  }
  func.func @transform_1(%arg0: i32, %arg1: i32) -> (i32, i32, i32) {
    %c0_i32 = arith.constant 0 : i32
    %c0_i32_0 = arith.constant 0 : i32
    %c0_i32_1 = arith.constant 0 : i32
    return %arg0, %c0_i32, %c0_i32_0 : i32, i32, i32
  }
  func.func @transform_2(%arg0: i32, %arg1: i32) -> (i32, i32, i32) {
    %c0_i32 = arith.constant 0 : i32
    %c0_i32_0 = arith.constant 0 : i32
    return %arg0, %arg1, %c0_i32 : i32, i32, i32
  }
}

module attributes {stable_mosaic.version = 14 : i64} {
  func.func @_msgpass_body(%arg0: i32, %arg1: i32, %arg2: memref<1x512x256xf32, #tpu.memory_space<vmem>>, %arg3: memref<1x2048x256xf32, #tpu.memory_space<vmem>>, %arg4: memref<256x256xf32, #tpu.memory_space<vmem>>, %arg5: memref<256x256xf32, #tpu.memory_space<vmem>>, %arg6: memref<1x512x256xf32, #tpu.memory_space<vmem>>, %arg7: memref<512x1xi32, #tpu.memory_space<vmem>>, %arg8: memref<512x1xi32, #tpu.memory_space<vmem>>, %arg9: memref<512x1xf32, #tpu.memory_space<vmem>>, %arg10: memref<512x1xf32, #tpu.memory_space<vmem>>) attributes {dimension_semantics = [#tpu.dimension_semantics<arbitrary>, #tpu.dimension_semantics<arbitrary>], iteration_bounds = array<i64: 4, 4>, scalar_prefetch = 0 : i64, scratch_operands = 4 : i64, tpu.core_type = #tpu.core_type<tc>, window_params = [{transform_indices = @transform_0, window_bounds = array<i64: 1, 512, 256>}, {transform_indices = @transform_1, window_bounds = array<i64: 1, 2048, 256>}, {pipeline_mode = #tpu.pipeline_mode<synchronous>, transform_indices = @transform_2, window_bounds = array<i64: 256, 256>}, {pipeline_mode = #tpu.pipeline_mode<synchronous>, transform_indices = @transform_3, window_bounds = array<i64: 256, 256>}, {transform_indices = @transform_4, window_bounds = array<i64: 1, 512, 256>}]} {
    %get3A = arith.constant 0 : index
    %get3A_0 = arith.constant 0 : index
    %get3A_1 = arith.constant 0 : index
    %get3A_2 = vector.load %arg2[%get3A, %get3A_0, %get3A_1] : memref<1x512x256xf32, #tpu.memory_space<vmem>>, vector<1x512x256xf32>
    %get3A_3 = vector.shape_cast %get3A_2 : vector<1x512x256xf32> to vector<512x256xf32>
    %get3A_4 = arith.constant 0 : index
    %get3A_5 = arith.constant 0 : index
    %get3A_6 = arith.constant 0 : index
    %get3A_7 = vector.load %arg3[%get3A_4, %get3A_5, %get3A_6] : memref<1x2048x256xf32, #tpu.memory_space<vmem>>, vector<1x2048x256xf32>
    %get3A_8 = vector.shape_cast %get3A_7 : vector<1x2048x256xf32> to vector<2048x256xf32>
    %dot_general3A = arith.constant dense<0.000000e+00> : vector<512x2048xf32>
    %dot_general3A_9 = tpu.matmul %get3A_3, %get3A_8, %dot_general3A {dimension_numbers = #tpu.dot_dimension_numbers<[1], [1], [0], [0], [0, 0, 1, 0], [], []>, transpose_lhs_hint = false} : vector<512x256xf32>, vector<2048x256xf32>, vector<512x2048xf32> -> vector<512x2048xf32>
    %slice3A = vector.extract_strided_slice %dot_general3A_9 {offsets = [0, 0], sizes = [512, 1024], strides = [1, 1]} : vector<512x2048xf32> to vector<512x1024xf32>
    %slice3A_10 = vector.extract_strided_slice %dot_general3A_9 {offsets = [0, 1024], sizes = [512, 1024], strides = [1, 1]} : vector<512x2048xf32> to vector<512x1024xf32>
    %max3A = arith.maximumf %slice3A, %slice3A_10 : vector<512x1024xf32>
    %slice3A_11 = vector.extract_strided_slice %max3A {offsets = [0, 0], sizes = [512, 512], strides = [1, 1]} : vector<512x1024xf32> to vector<512x512xf32>
    %slice3A_12 = vector.extract_strided_slice %max3A {offsets = [0, 512], sizes = [512, 512], strides = [1, 1]} : vector<512x1024xf32> to vector<512x512xf32>
    %max3A_13 = arith.maximumf %slice3A_11, %slice3A_12 : vector<512x512xf32>
    %slice3A_14 = vector.extract_strided_slice %max3A_13 {offsets = [0, 0], sizes = [512, 256], strides = [1, 1]} : vector<512x512xf32> to vector<512x256xf32>
    %slice3A_15 = vector.extract_strided_slice %max3A_13 {offsets = [0, 256], sizes = [512, 256], strides = [1, 1]} : vector<512x512xf32> to vector<512x256xf32>
    %max3A_16 = arith.maximumf %slice3A_14, %slice3A_15 : vector<512x256xf32>
    %slice3A_17 = vector.extract_strided_slice %max3A_16 {offsets = [0, 0], sizes = [512, 128], strides = [1, 1]} : vector<512x256xf32> to vector<512x128xf32>
    %slice3A_18 = vector.extract_strided_slice %max3A_16 {offsets = [0, 128], sizes = [512, 128], strides = [1, 1]} : vector<512x256xf32> to vector<512x128xf32>
    %max3A_19 = arith.maximumf %slice3A_17, %slice3A_18 : vector<512x128xf32>
    %slice3A_20 = vector.extract_strided_slice %max3A_19 {offsets = [0, 0], sizes = [512, 64], strides = [1, 1]} : vector<512x128xf32> to vector<512x64xf32>
    %slice3A_21 = vector.extract_strided_slice %max3A_19 {offsets = [0, 64], sizes = [512, 64], strides = [1, 1]} : vector<512x128xf32> to vector<512x64xf32>
    %max3A_22 = arith.maximumf %slice3A_20, %slice3A_21 : vector<512x64xf32>
    %reduce_min3A = arith.constant dense<0x7F800000> : vector<512xf32>
    %reduce_min3A_23 = vector.multi_reduction <minimumf>, %max3A_22, %reduce_min3A [1] : vector<512x64xf32> to vector<512xf32>
    %broadcast_in_dim3A = vector.shape_cast %reduce_min3A_23 : vector<512xf32> to vector<512x1xf32>
    %bitcast_convert_type3A = tpu.bitcast %broadcast_in_dim3A : vector<512x1xf32> -> vector<512x1xi32>
    %reduce_max3A = arith.constant dense<0xFF800000> : vector<512xf32>
    %reduce_max3A_24 = vector.multi_reduction <maximumf>, %max3A_22, %reduce_max3A [1] : vector<512x64xf32> to vector<512xf32>
    %broadcast_in_dim3A_25 = vector.shape_cast %reduce_max3A_24 : vector<512xf32> to vector<512x1xf32>
    %bitcast_convert_type3A_26 = tpu.bitcast %broadcast_in_dim3A_25 : vector<512x1xf32> -> vector<512x1xi32>
    %swap3A = arith.constant 0 : index
    %swap3A_27 = arith.constant 0 : index
    %swap3A_28 = vector.load %arg7[%swap3A, %swap3A_27] : memref<512x1xi32, #tpu.memory_space<vmem>>, vector<512x1xi32>
    tpu.vector_store %arg7[%swap3A, %swap3A_27], %bitcast_convert_type3A {strides = array<i32>} : memref<512x1xi32, #tpu.memory_space<vmem>>, vector<512x1xi32>,
    %swap3A_29 = arith.constant 0 : index
    %swap3A_30 = arith.constant 0 : index
    %swap3A_31 = vector.load %arg8[%swap3A_29, %swap3A_30] : memref<512x1xi32, #tpu.memory_space<vmem>>, vector<512x1xi32>
    tpu.vector_store %arg8[%swap3A_29, %swap3A_30], %bitcast_convert_type3A_26 {strides = array<i32>} : memref<512x1xi32, #tpu.memory_space<vmem>>, vector<512x1xi32>,
    %broadcast_in_dim3A_32 = arith.constant 2.048000e+03 : f32
    %broadcast_in_dim3A_33 = vector.broadcast %broadcast_in_dim3A_32 : f32 to vector<512x1xf32>
    %swap3A_34 = arith.constant 0 : index
    %swap3A_35 = arith.constant 0 : index
    %swap3A_36 = vector.load %arg9[%swap3A_34, %swap3A_35] : memref<512x1xf32, #tpu.memory_space<vmem>>, vector<512x1xf32>
    tpu.vector_store %arg9[%swap3A_34, %swap3A_35], %broadcast_in_dim3A_33 {strides = array<i32>} : memref<512x1xf32, #tpu.memory_space<vmem>>, vector<512x1xf32>,
    %broadcast_in_dim3A_37 = arith.constant 0.000000e+00 : f32
    %broadcast_in_dim3A_38 = vector.broadcast %broadcast_in_dim3A_37 : f32 to vector<512x1xf32>
    %swap3A_39 = arith.constant 0 : index
    %swap3A_40 = arith.constant 0 : index
    %swap3A_41 = vector.load %arg10[%swap3A_39, %swap3A_40] : memref<512x1xf32, #tpu.memory_space<vmem>>, vector<512x1xf32>
    tpu.vector_store %arg10[%swap3A_39, %swap3A_40], %broadcast_in_dim3A_38 {strides = array<i32>} : memref<512x1xf32, #tpu.memory_space<vmem>>, vector<512x1xf32>,
    %sub3A = arith.subi %bitcast_convert_type3A_26, %bitcast_convert_type3A : vector<512x1xi32>
    %reduce_max3A_42 = vector.shape_cast %sub3A : vector<512x1xi32> to vector<1x512x1xi32>
    %reduce_max3A_43 = arith.constant dense<-2147483648> : vector<1xi32>
    %reduce_max3A_44 = vector.multi_reduction <maxsi>, %reduce_max3A_42, %reduce_max3A_43 [1, 2] : vector<1x512x1xi32> to vector<1xi32>
    %reduce_max3A_45 = vector.shape_cast %reduce_max3A_44 : vector<1xi32> to vector<1x1x1xi32>
    %reduce_max3A_46 = vector.extract %reduce_max3A_45[0, 0, 0] : i32 from vector<1x1x1xi32>
    %gt3A = arith.constant 0 : i32
    %gt3A_47 = arith.cmpi sgt, %reduce_max3A_46, %gt3A : i32
    %while3A = scf.while (%while3A_75 = %gt3A_47) : (i1) -> i1 {
      scf.condition(%while3A_75) %while3A_75 : i1
    } do {
    ^bb0(%while3A_75: i1):
      %get3A_76 = arith.constant 0 : index
      %get3A_77 = arith.constant 0 : index
      %get3A_78 = vector.load %arg7[%get3A_76, %get3A_77] : memref<512x1xi32, #tpu.memory_space<vmem>>, vector<512x1xi32>
      %get3A_79 = arith.constant 0 : index
      %get3A_80 = arith.constant 0 : index
      %get3A_81 = vector.load %arg8[%get3A_79, %get3A_80] : memref<512x1xi32, #tpu.memory_space<vmem>>, vector<512x1xi32>
      %get3A_82 = arith.constant 0 : index
      %get3A_83 = arith.constant 0 : index
      %get3A_84 = vector.load %arg9[%get3A_82, %get3A_83] : memref<512x1xf32, #tpu.memory_space<vmem>>, vector<512x1xf32>
      %get3A_85 = arith.constant 0 : index
      %get3A_86 = arith.constant 0 : index
      %get3A_87 = vector.load %arg10[%get3A_85, %get3A_86] : memref<512x1xf32, #tpu.memory_space<vmem>>, vector<512x1xf32>
      %sub3A_88 = arith.subi %get3A_81, %get3A_78 : vector<512x1xi32>
      %add3A_89 = arith.constant 1 : i32
      %add3A_90 = vector.broadcast %add3A_89 : i32 to vector<512x1xi32>
      %add3A_91 = arith.addi %sub3A_88, %add3A_90 : vector<512x1xi32>
      %jit3A_92 = arith.constant 2 : i32
      %div3A = vector.broadcast %jit3A_92 : i32 to vector<512x1xi32>
      %div3A_93 = arith.divsi %add3A_91, %div3A : vector<512x1xi32>
      %sign3A = arith.constant 0 : i32
      %sign3A_94 = vector.broadcast %sign3A : i32 to vector<512x1xi32>
      %sign3A_95 = arith.cmpi sgt, %add3A_91, %sign3A_94 : vector<512x1xi32>
      %sign3A_96 = arith.extui %sign3A_95 : vector<512x1xi1> to vector<512x1xi32>
      %sign3A_97 = arith.constant 0 : i32
      %sign3A_98 = vector.broadcast %sign3A_97 : i32 to vector<512x1xi32>
      %sign3A_99 = arith.cmpi slt, %add3A_91, %sign3A_98 : vector<512x1xi32>
      %sign3A_100 = arith.extui %sign3A_99 : vector<512x1xi1> to vector<512x1xi32>
      %sign3A_101 = arith.subi %sign3A_96, %sign3A_100 : vector<512x1xi32>
      %sign3A_102 = arith.constant 0 : i32
      %sign3A_103 = arith.cmpi sgt, %jit3A_92, %sign3A_102 : i32
      %sign3A_104 = arith.extui %sign3A_103 : i1 to i32
      %sign3A_105 = arith.constant 0 : i32
      %sign3A_106 = arith.cmpi slt, %jit3A_92, %sign3A_105 : i32
      %sign3A_107 = arith.extui %sign3A_106 : i1 to i32
      %sign3A_108 = arith.subi %sign3A_104, %sign3A_107 : i32
      %ne3A = vector.broadcast %sign3A_108 : i32 to vector<512x1xi32>
      %ne3A_109 = arith.cmpi ne, %sign3A_101, %ne3A : vector<512x1xi32>
      %rem3A = vector.broadcast %jit3A_92 : i32 to vector<512x1xi32>
      %rem3A_110 = arith.remsi %add3A_91, %rem3A : vector<512x1xi32>
      %ne3A_111 = arith.constant 0 : i32
      %ne3A_112 = vector.broadcast %ne3A_111 : i32 to vector<512x1xi32>
      %ne3A_113 = arith.cmpi ne, %rem3A_110, %ne3A_112 : vector<512x1xi32>
      %and3A = arith.andi %ne3A_109, %ne3A_113 : vector<512x1xi1>
      %sub3A_114 = arith.constant 1 : i32
      %sub3A_115 = vector.broadcast %sub3A_114 : i32 to vector<512x1xi32>
      %sub3A_116 = arith.subi %div3A_93, %sub3A_115 : vector<512x1xi32>
      %select_n3A_117 = arith.select %and3A, %sub3A_116, %div3A_93 : vector<512x1xi1>, vector<512x1xi32>
      %add3A_118 = arith.addi %get3A_78, %select_n3A_117 : vector<512x1xi32>
      %bitcast_convert_type3A_119 = tpu.bitcast %add3A_118 : vector<512x1xi32> -> vector<512x1xf32>
      %ge3A_120 = vector.broadcast %bitcast_convert_type3A_119 : vector<512x1xf32> to vector<512x2048xf32>
      %ge3A_121 = arith.cmpf oge, %dot_general3A_9, %ge3A_120 : vector<512x2048xf32>
      %convert_element_type3A = arith.extui %ge3A_121 : vector<512x2048xi1> to vector<512x2048xi32>
      %convert_element_type3A_122 = arith.sitofp %convert_element_type3A : vector<512x2048xi32> to vector<512x2048xf32>
      %reduce_sum3A = arith.constant dense<0.000000e+00> : vector<512xf32>
      %reduce_sum3A_123 = vector.multi_reduction <add>, %convert_element_type3A_122, %reduce_sum3A [1] : vector<512x2048xf32> to vector<512xf32>
      %broadcast_in_dim3A_124 = vector.shape_cast %reduce_sum3A_123 : vector<512xf32> to vector<512x1xf32>
      %ge3A_125 = arith.constant 5.000000e+01 : f32
      %ge3A_126 = vector.broadcast %ge3A_125 : f32 to vector<512x1xf32>
      %ge3A_127 = arith.cmpf oge, %broadcast_in_dim3A_124, %ge3A_126 : vector<512x1xf32>
      %eq3A = arith.constant 5.000000e+01 : f32
      %eq3A_128 = vector.broadcast %eq3A : f32 to vector<512x1xf32>
      %eq3A_129 = arith.cmpf oeq, %broadcast_in_dim3A_124, %eq3A_128 : vector<512x1xf32>
      %select_n3A_130 = arith.select %ge3A_127, %add3A_118, %get3A_78 : vector<512x1xi1>, vector<512x1xi32>
      %sub3A_131 = arith.constant 1 : i32
      %sub3A_132 = vector.broadcast %sub3A_131 : i32 to vector<512x1xi32>
      %sub3A_133 = arith.subi %add3A_118, %sub3A_132 : vector<512x1xi32>
      %select_n3A_134 = arith.select %ge3A_127, %get3A_81, %sub3A_133 : vector<512x1xi1>, vector<512x1xi32>
      %select_n3A_135 = arith.select %eq3A_129, %add3A_118, %select_n3A_134 : vector<512x1xi1>, vector<512x1xi32>
      %select_n3A_136 = arith.select %ge3A_127, %broadcast_in_dim3A_124, %get3A_84 : vector<512x1xi1>, vector<512x1xf32>
      %select_n3A_137 = arith.select %ge3A_127, %get3A_87, %broadcast_in_dim3A_124 : vector<512x1xi1>, vector<512x1xf32>
      %sub3A_138 = arith.subi %select_n3A_135, %select_n3A_130 : vector<512x1xi32>
      %add3A_139 = arith.constant 1 : i32
      %add3A_140 = vector.broadcast %add3A_139 : i32 to vector<512x1xi32>
      %add3A_141 = arith.addi %sub3A_138, %add3A_140 : vector<512x1xi32>
      %convert_element_type3A_142 = arith.sitofp %add3A_141 : vector<512x1xi32> to vector<512x1xf32>
      %sub3A_143 = arith.constant 5.000000e+01 : f32
      %sub3A_144 = vector.broadcast %sub3A_143 : f32 to vector<512x1xf32>
      %sub3A_145 = arith.subf %select_n3A_136, %sub3A_144 : vector<512x1xf32>
      %sub3A_146 = arith.subf %select_n3A_136, %select_n3A_137 : vector<512x1xf32>
      %div3A_147 = arith.divf %sub3A_145, %sub3A_146 : vector<512x1xf32>
      %mul3A = arith.mulf %div3A_147, %convert_element_type3A_142 : vector<512x1xf32>
      %convert_element_type3A_148 = arith.fptosi %mul3A : vector<512x1xf32> to vector<512x1xi32>
      %sub3A_149 = arith.subi %select_n3A_135, %select_n3A_130 : vector<512x1xi32>
      %max3A_150 = arith.constant 1 : i32
      %max3A_151 = vector.broadcast %max3A_150 : i32 to vector<512x1xi32>
      %max3A_152 = arith.maxsi %sub3A_149, %max3A_151 : vector<512x1xi32>
      %jit3A_153 = arith.constant 1 : i32
      %max3A_154 = vector.broadcast %jit3A_153 : i32 to vector<512x1xi32>
      %max3A_155 = arith.maxsi %max3A_154, %convert_element_type3A_148 : vector<512x1xi32>
      %min3A = arith.minsi %max3A_152, %max3A_155 : vector<512x1xi32>
      %add3A_156 = arith.addi %select_n3A_130, %min3A : vector<512x1xi32>
      %bitcast_convert_type3A_157 = tpu.bitcast %add3A_156 : vector<512x1xi32> -> vector<512x1xf32>
      %ge3A_158 = vector.broadcast %bitcast_convert_type3A_157 : vector<512x1xf32> to vector<512x2048xf32>
      %ge3A_159 = arith.cmpf oge, %dot_general3A_9, %ge3A_158 : vector<512x2048xf32>
      %convert_element_type3A_160 = arith.extui %ge3A_159 : vector<512x2048xi1> to vector<512x2048xi32>
      %convert_element_type3A_161 = arith.sitofp %convert_element_type3A_160 : vector<512x2048xi32> to vector<512x2048xf32>
      %reduce_sum3A_162 = arith.constant dense<0.000000e+00> : vector<512xf32>
      %reduce_sum3A_163 = vector.multi_reduction <add>, %convert_element_type3A_161, %reduce_sum3A_162 [1] : vector<512x2048xf32> to vector<512xf32>
      %broadcast_in_dim3A_164 = vector.shape_cast %reduce_sum3A_163 : vector<512xf32> to vector<512x1xf32>
      %ge3A_165 = arith.constant 5.000000e+01 : f32
      %ge3A_166 = vector.broadcast %ge3A_165 : f32 to vector<512x1xf32>
      %ge3A_167 = arith.cmpf oge, %broadcast_in_dim3A_164, %ge3A_166 : vector<512x1xf32>
      %eq3A_168 = arith.constant 5.000000e+01 : f32
      %eq3A_169 = vector.broadcast %eq3A_168 : f32 to vector<512x1xf32>
      %eq3A_170 = arith.cmpf oeq, %broadcast_in_dim3A_164, %eq3A_169 : vector<512x1xf32>
      %select_n3A_171 = arith.select %ge3A_167, %add3A_156, %select_n3A_130 : vector<512x1xi1>, vector<512x1xi32>
      %sub3A_172 = arith.constant 1 : i32
      %sub3A_173 = vector.broadcast %sub3A_172 : i32 to vector<512x1xi32>
      %sub3A_174 = arith.subi %add3A_156, %sub3A_173 : vector<512x1xi32>
      %select_n3A_175 = arith.select %ge3A_167, %select_n3A_135, %sub3A_174 : vector<512x1xi1>, vector<512x1xi32>
      %select_n3A_176 = arith.select %eq3A_170, %add3A_156, %select_n3A_175 : vector<512x1xi1>, vector<512x1xi32>
      %select_n3A_177 = arith.select %ge3A_167, %broadcast_in_dim3A_164, %select_n3A_136 : vector<512x1xi1>, vector<512x1xf32>
      %select_n3A_178 = arith.select %ge3A_167, %select_n3A_137, %broadcast_in_dim3A_164 : vector<512x1xi1>, vector<512x1xf32>
      %swap3A_179 = arith.constant 0 : index
      %swap3A_180 = arith.constant 0 : index
      %swap3A_181 = vector.load %arg7[%swap3A_179, %swap3A_180] : memref<512x1xi32, #tpu.memory_space<vmem>>, vector<512x1xi32>
      tpu.vector_store %arg7[%swap3A_179, %swap3A_180], %select_n3A_171 {strides = array<i32>} : memref<512x1xi32, #tpu.memory_space<vmem>>, vector<512x1xi32>,
      %swap3A_182 = arith.constant 0 : index
      %swap3A_183 = arith.constant 0 : index
      %swap3A_184 = vector.load %arg8[%swap3A_182, %swap3A_183] : memref<512x1xi32, #tpu.memory_space<vmem>>, vector<512x1xi32>
      tpu.vector_store %arg8[%swap3A_182, %swap3A_183], %select_n3A_176 {strides = array<i32>} : memref<512x1xi32, #tpu.memory_space<vmem>>, vector<512x1xi32>,
      %swap3A_185 = arith.constant 0 : index
      %swap3A_186 = arith.constant 0 : index
      %swap3A_187 = vector.load %arg9[%swap3A_185, %swap3A_186] : memref<512x1xf32, #tpu.memory_space<vmem>>, vector<512x1xf32>
      tpu.vector_store %arg9[%swap3A_185, %swap3A_186], %select_n3A_177 {strides = array<i32>} : memref<512x1xf32, #tpu.memory_space<vmem>>, vector<512x1xf32>,
      %swap3A_188 = arith.constant 0 : index
      %swap3A_189 = arith.constant 0 : index
      %swap3A_190 = vector.load %arg10[%swap3A_188, %swap3A_189] : memref<512x1xf32, #tpu.memory_space<vmem>>, vector<512x1xf32>
      tpu.vector_store %arg10[%swap3A_188, %swap3A_189], %select_n3A_178 {strides = array<i32>} : memref<512x1xf32, #tpu.memory_space<vmem>>, vector<512x1xf32>,
      %sub3A_191 = arith.subi %select_n3A_176, %select_n3A_171 : vector<512x1xi32>
      %reduce_max3A_192 = vector.shape_cast %sub3A_191 : vector<512x1xi32> to vector<1x512x1xi32>
      %reduce_max3A_193 = arith.constant dense<-2147483648> : vector<1xi32>
      %reduce_max3A_194 = vector.multi_reduction <maxsi>, %reduce_max3A_192, %reduce_max3A_193 [1, 2] : vector<1x512x1xi32> to vector<1xi32>
      %reduce_max3A_195 = vector.shape_cast %reduce_max3A_194 : vector<1xi32> to vector<1x1x1xi32>
      %reduce_max3A_196 = vector.extract %reduce_max3A_195[0, 0, 0] : i32 from vector<1x1x1xi32>
      %gt3A_197 = arith.constant 0 : i32
      %gt3A_198 = arith.cmpi sgt, %reduce_max3A_196, %gt3A_197 : i32
      scf.yield %gt3A_198 : i1
    }
    %get3A_48 = arith.constant 0 : index
    %get3A_49 = arith.constant 0 : index
    %get3A_50 = vector.load %arg7[%get3A_48, %get3A_49] : memref<512x1xi32, #tpu.memory_space<vmem>>, vector<512x1xi32>
    %bitcast_convert_type3A_51 = tpu.bitcast %get3A_50 : vector<512x1xi32> -> vector<512x1xf32>
    %ge3A = vector.broadcast %bitcast_convert_type3A_51 : vector<512x1xf32> to vector<512x2048xf32>
    %ge3A_52 = arith.cmpf oge, %dot_general3A_9, %ge3A : vector<512x2048xf32>
    %jit3A = arith.constant 0.000000e+00 : f32
    %broadcast_in_dim3A_53 = vector.broadcast %jit3A : f32 to vector<512x2048xf32>
    %select_n3A = arith.select %ge3A_52, %dot_general3A_9, %broadcast_in_dim3A_53 : vector<512x2048xi1>, vector<512x2048xf32>
    %dot_general3A_54 = arith.constant dense<0.000000e+00> : vector<512x256xf32>
    %dot_general3A_55 = tpu.matmul %select_n3A, %get3A_8, %dot_general3A_54 {dimension_numbers = #tpu.dot_dimension_numbers<[1], [0], [0], [1], [0, 0, 1, 1], [], []>, transpose_lhs_hint = false} : vector<512x2048xf32>, vector<2048x256xf32>, vector<512x256xf32> -> vector<512x256xf32>
    %get3A_56 = arith.constant 0 : index
    %get3A_57 = arith.constant 0 : index
    %get3A_58 = vector.load %arg4[%get3A_56, %get3A_57] : memref<256x256xf32, #tpu.memory_space<vmem>>, vector<256x256xf32>
    %dot_general3A_59 = arith.constant dense<0.000000e+00> : vector<512x256xf32>
    %dot_general3A_60 = tpu.matmul %get3A_3, %get3A_58, %dot_general3A_59 {dimension_numbers = #tpu.dot_dimension_numbers<[1], [0], [0], [1], [0, 0, 1, 1], [], []>, transpose_lhs_hint = false} : vector<512x256xf32>, vector<256x256xf32>, vector<512x256xf32> -> vector<512x256xf32>
    %get3A_61 = arith.constant 0 : index
    %get3A_62 = arith.constant 0 : index
    %get3A_63 = vector.load %arg5[%get3A_61, %get3A_62] : memref<256x256xf32, #tpu.memory_space<vmem>>, vector<256x256xf32>
    %dot_general3A_64 = arith.constant dense<0.000000e+00> : vector<512x256xf32>
    %dot_general3A_65 = tpu.matmul %dot_general3A_55, %get3A_63, %dot_general3A_64 {dimension_numbers = #tpu.dot_dimension_numbers<[1], [0], [0], [1], [0, 0, 1, 1], [], []>, transpose_lhs_hint = false} : vector<512x256xf32>, vector<256x256xf32>, vector<512x256xf32> -> vector<512x256xf32>
    %add3A = arith.addf %dot_general3A_60, %dot_general3A_65 : vector<512x256xf32>
    %max3A_66 = arith.constant 0.000000e+00 : f32
    %max3A_67 = vector.broadcast %max3A_66 : f32 to vector<512x256xf32>
    %max3A_68 = arith.maximumf %add3A, %max3A_67 : vector<512x256xf32>
    %swap3A_69 = arith.constant 0 : index
    %swap3A_70 = arith.constant 0 : index
    %swap3A_71 = arith.constant 0 : index
    %swap3A_72 = vector.load %arg6[%swap3A_69, %swap3A_70, %swap3A_71] : memref<1x512x256xf32, #tpu.memory_space<vmem>>, vector<1x512x256xf32>
    %swap3A_73 = vector.shape_cast %swap3A_72 : vector<1x512x256xf32> to vector<512x256xf32>
    %swap3A_74 = vector.shape_cast %max3A_68 : vector<512x256xf32> to vector<1x512x256xf32>
    tpu.vector_store %arg6[%swap3A_69, %swap3A_70, %swap3A_71], %swap3A_74 {strides = array<i32>} : memref<1x512x256xf32, #tpu.memory_space<vmem>>, vector<1x512x256xf32>,
    return
  }
  func.func @transform_0(%arg0: i32, %arg1: i32) -> (i32, i32, i32) {
    %c0_i32 = arith.constant 0 : i32
    %c0_i32_0 = arith.constant 0 : i32
    return %arg0, %arg1, %c0_i32 : i32, i32, i32
  }
  func.func @transform_1(%arg0: i32, %arg1: i32) -> (i32, i32, i32) {
    %c0_i32 = arith.constant 0 : i32
    %c0_i32_0 = arith.constant 0 : i32
    %c0_i32_1 = arith.constant 0 : i32
    return %arg0, %c0_i32, %c0_i32_0 : i32, i32, i32
  }
  func.func @transform_2(%arg0: i32, %arg1: i32) -> (i32, i32) {
    %c0_i32 = arith.constant 0 : i32
    %c0_i32_0 = arith.constant 0 : i32
    %c0_i32_1 = arith.constant 0 : i32
    return %c0_i32, %c0_i32_0 : i32, i32
  }
  func.func @transform_3(%arg0: i32, %arg1: i32) -> (i32, i32) {
    %c0_i32 = arith.constant 0 : i32
    %c0_i32_0 = arith.constant 0 : i32
    %c0_i32_1 = arith.constant 0 : i32
    return %c0_i32, %c0_i32_0 : i32, i32
  }
  func.func @transform_4(%arg0: i32, %arg1: i32) -> (i32, i32, i32) {
    %c0_i32 = arith.constant 0 : i32
    %c0_i32_0 = arith.constant 0 : i32
    return %arg0, %arg1, %c0_i32 : i32, i32, i32
  }
}

module attributes {stable_mosaic.version = 14 : i64} {
  func.func @_mask_body(%arg0: i32, %arg1: i32, %arg2: memref<1x512x2048xf32, #tpu.memory_space<vmem>>, %arg3: memref<1x512x1xi32, #tpu.memory_space<vmem>>, %arg4: memref<1x512x2048xf32, #tpu.memory_space<vmem>>) attributes {dimension_semantics = [#tpu.dimension_semantics<arbitrary>, #tpu.dimension_semantics<arbitrary>], iteration_bounds = array<i64: 4, 4>, scalar_prefetch = 0 : i64, scratch_operands = 0 : i64, tpu.core_type = #tpu.core_type<tc>, window_params = [{transform_indices = @transform_0, window_bounds = array<i64: 1, 512, 2048>}, {transform_indices = @transform_1, window_bounds = array<i64: 1, 512, 1>}, {transform_indices = @transform_2, window_bounds = array<i64: 1, 512, 2048>}]} {
    %get3A = arith.constant 0 : index
    %get3A_0 = arith.constant 0 : index
    %get3A_1 = arith.constant 0 : index
    %get3A_2 = vector.load %arg2[%get3A, %get3A_0, %get3A_1] : memref<1x512x2048xf32, #tpu.memory_space<vmem>>, vector<1x512x2048xf32>
    %get3A_3 = vector.shape_cast %get3A_2 : vector<1x512x2048xf32> to vector<512x2048xf32>
    %bitcast_convert_type3A = tpu.bitcast %get3A_3 : vector<512x2048xf32> -> vector<512x2048xi32>
    %get3A_4 = arith.constant 0 : index
    %get3A_5 = arith.constant 0 : index
    %get3A_6 = arith.constant 0 : index
    %get3A_7 = vector.load %arg3[%get3A_4, %get3A_5, %get3A_6] : memref<1x512x1xi32, #tpu.memory_space<vmem>>, vector<1x512x1xi32>
    %get3A_8 = vector.shape_cast %get3A_7 : vector<1x512x1xi32> to vector<512x1xi32>
    %ge3A = vector.broadcast %get3A_8 : vector<512x1xi32> to vector<512x2048xi32>
    %ge3A_9 = arith.cmpi sge, %bitcast_convert_type3A, %ge3A : vector<512x2048xi32>
    %jit3A = arith.constant 0.000000e+00 : f32
    %broadcast_in_dim3A = vector.broadcast %jit3A : f32 to vector<512x2048xf32>
    %select_n3A = arith.select %ge3A_9, %get3A_3, %broadcast_in_dim3A : vector<512x2048xi1>, vector<512x2048xf32>
    %swap3A = arith.constant 0 : index
    %swap3A_10 = arith.constant 0 : index
    %swap3A_11 = arith.constant 0 : index
    %swap3A_12 = vector.load %arg4[%swap3A, %swap3A_10, %swap3A_11] : memref<1x512x2048xf32, #tpu.memory_space<vmem>>, vector<1x512x2048xf32>
    %swap3A_13 = vector.shape_cast %swap3A_12 : vector<1x512x2048xf32> to vector<512x2048xf32>
    %swap3A_14 = vector.shape_cast %select_n3A : vector<512x2048xf32> to vector<1x512x2048xf32>
    tpu.vector_store %arg4[%swap3A, %swap3A_10, %swap3A_11], %swap3A_14 {strides = array<i32>} : memref<1x512x2048xf32, #tpu.memory_space<vmem>>, vector<1x512x2048xf32>,
    return
  }
  func.func @transform_0(%arg0: i32, %arg1: i32) -> (i32, i32, i32) {
    %c0_i32 = arith.constant 0 : i32
    %c0_i32_0 = arith.constant 0 : i32
    return %arg0, %arg1, %c0_i32 : i32, i32, i32
  }
  func.func @transform_1(%arg0: i32, %arg1: i32) -> (i32, i32, i32) {
    %c0_i32 = arith.constant 0 : i32
    %c0_i32_0 = arith.constant 0 : i32
    return %arg0, %arg1, %c0_i32 : i32, i32, i32
  }
  func.func @transform_2(%arg0: i32, %arg1: i32) -> (i32, i32, i32) {
    %c0_i32 = arith.constant 0 : i32
    %c0_i32_0 = arith.constant 0 : i32
    return %arg0, %arg1, %c0_i32 : i32, i32, i32
  }
}

</mosaic_0001>

<sc_bundles>
// kernel: kernel.8.cloned.1.call-start
scs
__scs_entry_jumppad:
0x0: {  	(pc) =	sbr.rel $0x88, $3  }
0x1: {  	(tag) =	ssettag $0x0;
	lr =	simm.s32 $0x1  }
0x2: {  	[smem:$0x3F9A] =	sst lr;
	_ =	strace $0xD0000000  }
0x3: {  	_ = 	snop  }
0x4: {  	_ = 	snop  }
0x5: {  	_ = 	snop  }
0x6: {  	_ = 	snop  }
0x7: {  	_ = 	snop  }
__scs_overlays_trampoline_lowered:
0x8: {  	[smem:$0x3FA9] =	sst s0  }
0x9: {  	[smem:$0x3FAA] =	sst s1  }
0xa: {  	[smem:$0x3FAB] =	sst s2  }
0xb: {  	[smem:$0x3FAC] =	sst s3  }
0xc: {  	[smem:$0x3FAD] =	sst s4  }
0xd: {  	[smem:$0x3FAE] =	sst s5  }
0xe: {  	[smem:$0x3FAF] =	sst s6  }
0xf: {  	[smem:$0x3FB0] =	sst s7  }
0x10: {  	[smem:$0x3FB1] =	sst s8  }
0x11: {  	[smem:$0x3FB2] =	sst s9;
	s0 =	simm.s32 @!p0 $0x0  }
0x12: {  	s1 =	sld [smem:$0x3F98];
	s0 =	simm.s32 @p0 $0x1  }
0x13: {  	[smem:$0x3FB3] =	sst s0;
	s0 =	simm.s32 @!p1 $0x0  }
0x14: {  	s2 =	sld [smem:$0x3F97];
	s0 =	simm.s32 @p1 $0x1  }
0x15: {  	[smem:$0x3FB4] =	sst s0;
	s0 =	simm.s32 @!p2 $0x0  }
0x16: {  	s3 =	sld [smem:$0x3FDB];
	s0 =	simm.s32 @p2 $0x1  }
0x17: {  	s4 =	simm.s32 $0x1BF5;
	[smem:$0x3FB6] =	sst s0  }
0x18: {  	s0 =	sld [smem:$0x3F99];
	_ =	swait.ge [sflag:s4], $0x0  }
0x19: {  	s7 =	sld [smem:$0x3F9A]  }
0x1a: {  	s8 =	sadd.s32 $0xFFFFE003, lr  }
0x1b: {  	s9 =	sadd.s32 $0xFFFFFEF7, lr;
	s5 =	simm.s32 $0xFFFFFFFF;
	p2 =	slt.u32 s8, $0xFFFFF086  }
0x1c: {  	p1 =	slt.u32 s9, $0xF7A;
	s5 =	simm.s32 @!p2 $0x0  }
0x1d: {  	s5 =	simm.s32 @p1 $0x1;
	p0 =	seq.s32 s7, s2  }
0x1e: {  	s7 =	smul.u32 @!p0 $0xF7A, s2;
	p2 =	seq.s32 @!p0 s5, $0x0  }
0x1f: {  	s9 =	smul.u32 $0xF7A, s1;
	s8 =	simm.s32 @!p0 $0x1BF5;
	p2 =	por !p2, p0  }
0x20: {  	[sflag:s8] =	ssyncset.s32 @!p0 $0xFFFFF086;
	s6 =	sadd.s32 @!p0 s3, s7;
	s7 =	simm.s32 @!p0 $0x108  }
0x21: {  	s3 =	sadd.s32 s3, s9;
	s6 =	sadd.s32 @!p0 $0x88, s6;
	s7 =	simm.s32 @p2 $0x1082  }
0x22: {  	[simem:s7], [sflag:s8] =	dma.local @!p0 [hbm:s6], $0xF7A  }
0x23: {  	s9 =	sor.u32 $0xD0000000, s2;
	s6 =	simm.s32 $0x108;
	_ =	swait.ge @!p0 [sflag:s8], $0x0  }
0x24: {  	s3 =	sadd.s32 $0x88, s3;
	s6 =	simm.s32 @!p1 $0x1082;
	[sflag:s4] =	ssyncset.s32 $0xFFFFF086  }
0x25: {  	[simem:s6], [sflag:s4] =	dma.local [hbm:s3], $0xF7A  }
0x26: {  	[smem:$0x3F9A] =	sst s1;
	(tag) =	ssettag s2;
	_ =	strace s9  }
0x27: {  	s1 =	sld [smem:$0x3FAA]  }
0x28: {  	s2 =	sld [smem:$0x3FAB]  }
0x29: {  	s4 =	sld [smem:$0x3FAD]  }
0x2a: {  	p0 =	seq.s32 s5, $0x0;
	s5 =	sld [smem:$0x3FAE]  }
0x2b: {  	s6 =	sld [smem:$0x3FAF]  }
0x2c: {  	s7 =	sld [smem:$0x3FB0]  }
0x2d: {  	s3 =	simm.s32 $0x108;
	s8 =	sld [smem:$0x3FB1]  }
0x2e: {  	s3 =	simm.s32 @!p0 $0x1082;
	s9 =	sld [smem:$0x3FB2]  }
0x2f: {  	lr =	sadd.s32 s0, s3;
	s0 =	sld [smem:$0x3FA9]  }
0x30: {  	s3 =	sld [smem:$0x3FAC]  }
0x31: {  	[smem:$0x3FB5] =	sst s10  }
0x32: {  	s10 =	sld [smem:$0x3FB3];
	_ =	sdelay $0x3  }
0x33: {  	p0 =	seq.s32 s10, $0x1;
	s10 =	sld [smem:$0x3FB5];
	_ =	sdelay $0x3  }
0x34: {  	[smem:$0x3FB5] =	sst s10  }
0x35: {  	s10 =	sld [smem:$0x3FB4];
	_ =	sdelay $0x3  }
0x36: {  	p1 =	seq.s32 s10, $0x1;
	s10 =	sld [smem:$0x3FB5];
	_ =	sdelay $0x3  }
0x37: {  	[smem:$0x3FB5] =	sst s10  }
0x38: {  	s10 =	sld [smem:$0x3FB6]  }
0x39: {  	_ = 	snop;
	(pc) =	sbr.ind lr, $3  }
0x3a: {  	_ = 	snop  }
0x3b: {  	_ = 	snop  }
0x3c: {  	p2 =	seq.s32 s10, $0x1;
	s10 =	sld [smem:$0x3FB5]  }
0x3d: {  	_ =	shalt  }
0x3e: {  	_ =	shalt  }
0x3f: {  	_ =	shalt  }
0x40: {  	_ =	shalt  }
0x41: {  	_ =	shalt  }
0x42: {  	_ =	shalt  }
0x43: {  	_ =	shalt  }
0x44: {  	_ =	shalt  }
0x45: {  	_ =	shalt  }
0x46: {  	_ =	shalt  }
0x47: {  	_ =	shalt  }
0x48: {  	_ =	shalt  }
0x49: {  	_ =	shalt  }
0x4a: {  	_ =	shalt  }
0x4b: {  	_ =	shalt  }
0x4c: {  	_ =	shalt  }
0x4d: {  	_ =	shalt  }
0x4e: {  	_ =	shalt  }
0x4f: {  	_ =	shalt  }
0x50: {  	_ =	shalt  }
0x51: {  	_ =	shalt  }
0x52: {  	_ =	shalt  }
0x53: {  	_ =	shalt  }
0x54: {  	_ =	shalt  }
0x55: {  	_ =	shalt  }
0x56: {  	_ =	shalt  }
0x57: {  	_ =	shalt  }
0x58: {  	_ =	shalt  }
0x59: {  	_ =	shalt  }
0x5a: {  	_ =	shalt  }
0x5b: {  	_ =	shalt  }
0x5c: {  	_ =	shalt  }
0x5d: {  	_ =	shalt  }
0x5e: {  	_ =	shalt  }
0x5f: {  	_ =	shalt  }
0x60: {  	_ =	shalt  }
0x61: {  	_ =	shalt  }
0x62: {  	_ =	shalt  }
0x63: {  	_ =	shalt  }
0x64: {  	_ =	shalt  }
0x65: {  	_ =	shalt  }
0x66: {  	_ =	shalt  }
0x67: {  	_ =	shalt  }
0x68: {  	_ =	shalt  }
0x69: {  	_ =	shalt  }
0x6a: {  	_ =	shalt  }
0x6b: {  	_ =	shalt  }
0x6c: {  	_ =	shalt  }
0x6d: {  	_ =	shalt  }
0x6e: {  	_ =	shalt  }
0x6f: {  	_ =	shalt  }
0x70: {  	_ =	shalt  }
0x71: {  	_ =	shalt  }
0x72: {  	_ =	shalt  }
0x73: {  	_ =	shalt  }
0x74: {  	_ =	shalt  }
0x75: {  	_ =	shalt  }
0x76: {  	_ =	shalt  }
0x77: {  	_ =	shalt  }
0x78: {  	_ =	shalt  }
0x79: {  	_ =	shalt  }
0x7a: {  	_ =	shalt  }
0x7b: {  	_ =	shalt  }
0x7c: {  	_ =	shalt  }
0x7d: {  	_ =	shalt  }
0x7e: {  	_ =	shalt  }
0x7f: {  	_ =	shalt  }
0x80: {  	_ =	shalt  }
0x81: {  	_ =	shalt  }
0x82: {  	_ =	shalt  }
0x83: {  	_ =	shalt  }
0x84: {  	_ =	shalt  }
0x85: {  	_ =	shalt  }
0x86: {  	_ =	shalt  }
0x87: {  	_ =	shalt  }
.Lfunc_end0:
.L_simem_size_0:
called_computation_lowered:
.L_overlay_start_0:
0x88: {  	s2 =	sld [smem:$0x3FD9]  }
0x89: {  	s3 =	sld [smem:$0x3FFE];
	_ =	sdelay $0x1  }
0x8a: {  	s1 =	srdreg.scid  }
0x8b: {  	s0 =	sand.u32 $0x1, s1  }
0x8c: {  	s17 =	sshll.u32 s0, $0xA;
	s2 =	sadd.s32 s3, s2  }
0x8d: {  	s2 =	sadd.s32 s2, s17  }
0x8e: {  	[smem:$0x3FC1] =	sst s2  }
0x8f: {  	_ = 	snop  }
0x90: {  	s2 =	sld [smem:$0x3FD0];
	(tm) =	ssettm $0x1  }
0x91: {  	s18 =	sld [smem:$0x3FFB];
	_ =	sdelay $0x3  }
0x92: {  	_ =	strace s18  }
0x93: {  	s3 =	sld [smem:$0x3FFC];
	_ =	sdelay $0x3  }
0x94: {  	_ =	strace s3  }
0x95: {  	s3 =	sld [smem:$0x3FFD];
	_ =	sdelay $0x3  }
0x96: {  	_ =	strace s3  }
0x97: {  	_ =	strace $0x8FFFFFFF  }
0x98: {  	s19 =	sld [smem:$0x3FDB];
	_ =	sdelay $0x1  }
0x99: {  	s4 =	simm.s32 $_scs_section_size  }
0x9a: {  	s5 =	simm.s32 $_size__tile_overlayer_lowered;
	s6 =	simm.s32 $_tile_overlayer_lowered  }
0x9b: {  	s22 =	simm.s32 $0x1BFF;
	s21 =	sshll.u32 s6, $0x1;
	s3 =	sadd.s32 s4, s19  }
0x9c: {  	s7 =	simm.s32 $0x0;
	s20 =	sshll.u32 s5, $0x1;
	s5 =	sadd.s32 s21, s3  }
0x9d: {  	[timem:s7], [sflag:s22] =	dma.local [hbm:s5], s20  }
0x9e: {  	_ =	swait.ge [sflag:s22], s20  }
0x9f: {  	s4 =	ssub.s32 $0x0, s20;
	[sflag:s22] =	ssyncset.done $0x0  }
0xa0: {  	[sflag:s22] =	ssyncadd.s32 s4;
	_ =	sdelay $0x1  }
0xa1: {  	s23 =	simm.s32 $0x1B8B  }
0xa2: {  	_ =	swait.ge [sflag:s23], $0x1  }
0xa3: {  	[sflag:s23] =	ssyncset.done $0x0  }
0xa4: {  	s25 =	simm.s32 $0x1B8E;
	s24 =	sld [smem:$0x3FFE];
	[sflag:s23] =	ssyncadd.s32 $0xFFFFFFFF  }
0xa5: {  	s26 =	simm.s32 $execute0_lowered;
	[smem:$0x3FD2] =	sst s25  }
0xa6: {  	s5 =	sshll.u32 s26, $0x1;
	_ =	strace $0x80000046;
	[dreg:$0x1] =	wrdreg $0xFFFFFFFF  }
0xa7: {  	s28 =	simm.s32 $_size_execute0_lowered;
	s3 =	sadd.s32 s3, s5;
	[dreg:$0x0] =	wrdreg $0x0  }
0xa8: {  	s5 =	sshll.u32 s28, $0x1;
	[dreg:$0x2] =	wrdreg s3  }
0xa9: {  	[dreg:$0x3] =	wrdreg s5  }
0xaa: {  	[dreg:$0x4] =	wrdreg $0xC0  }
0xab: {  	_ =	task [dreg:s7], $0x5FFFF  }
0xac: {  	[dreg:$0x1] =	wrdreg $0xFFFFFFFF  }
0xad: {  	[dreg:$0x0] =	wrdreg $0x60  }
0xae: {  	[dreg:$0x2] =	wrdreg s2  }
0xaf: {  	[dreg:$0x3] =	wrdreg s24  }
0xb0: {  	[dreg:$0x4] =	wrdreg $0x9  }
0xb1: {  	_ =	task.clear_ibuf [dreg:s7], $0x5FFFF;
	_ =	strace $0x90000046  }
0xb2: {  	s29 =	simm.s32 $0x9;
	_ =	strace $0x80000048  }
0xb3: {  	_ =	swait.ge [sflag:s29], $0x1  }
0xb4: {  	[sflag:s29] =	ssyncadd.s32 $0xFFFFFFFF  }
0xb5: {  	_ =	strace $0x90000048  }
0xb6: {  	_ =	sfence  }
0xb7: {  	s30 =	sld [smem:$0x0];
	_ =	sdelay $0x2  }
0xb8: {  	s31 =	sshll.u32 s1, $0xD;
	s1 =	sshrl.u32 s1, $0x2  }
0xb9: {  	s3 =	sand.u32 $0x4000, s31;
	s1 =	sadd.s32 s1, s30  }
0xba: {  	s0 =	sor.u32 s3, s0;
	s1 =	sshll.u32 s1, $0x11  }
0xbb: {  	s0 =	sor.u32 s1, s0  }
0xbc: {  	s0 =	sadd.s32 $0x8F2B, s0  }
0xbd: {  	[sflag:s0] =	ssyncadd.remote.s32 $0x1  }
0xbe: {  	_ =	sfence.sel $0xFFFF  }
0xbf: {  	[dreg:$0x0] =	wrdreg $0xFFFFFFFF;
	(pc) =	sbr.abs _section_cstart, $3  }
0xc0: {  	[dreg:$0x1] =	wrdreg $0xFFFFFFFF  }
0xc1: {  	_ =	task.clear_ibuf [dreg:s7], $0x2FFFF;
	_ =	strace $0x9FFFFFFF  }
0xc2: {  	(tm) =	ssettm $0x7FFFFFFF  }
0xc3: {  	_ =	shalt  }
tec
execute0_lowered:
.L_overlay_start_1:
0x0: {  	(tag) =	ssettag $0x1  }
0x1: {  	v0 =	vimm.s32 $0x76543210;
	v1 =	vimm.s32 $0xFEDCBA98  }
0x2: {  	v2 =	vimm.s32 $0xBA98FEDC;
	v3 =	vimm.s32 $0x32107654;
	v4 =	vimm.s32 $0xDCFE98BA  }
0x3: {  	v5 =	vimm.s32 $0x54761032;
	v6 =	vimm.s32 $0xEFCDAB89;
	v7 =	vimm.s32 $0x67452301  }
0x4: {  	v0 =	vunpack.c.l.s4.s8 v0;
	v1 =	vunpack.c.l.s4.s8 v1;
	v2 =	vunpack.c.l.s4.s8 v2  }
0x5: {  	v3 =	vunpack.c.l.s4.s8 v3;
	v4 =	vunpack.c.l.s4.s8 v4;
	v5 =	vunpack.c.l.s4.s8 v5  }
0x6: {  	s1 =	rddreg [dreg:$0x1];
	s3 =	srdreg.scid;
	v6 =	vunpack.c.l.s4.s8 v6;
	v7 =	vunpack.c.l.s4.s8 v7;
	v2 =	vunpack.c.0.s8.s32 v2  }
0x7: {  	s0 =	simm.s32 $0x0;
	s29 =	stileid.u32;
	s3 =	sand.u32 $0x1, s3;
	v3 =	vunpack.c.0.s8.s32 v3;
	v4 =	vunpack.c.0.s8.s32 v4;
	v5 =	vunpack.c.0.s8.s32 v5  }
.Ltmp0:
0x8: {  	s7 =	simm.s32 $0x1;
	s4 =	ssub.s32 $0x2, s3;
	v8 =	vunpack.c.0.s8.s32 v1;
	v6 =	vunpack.c.0.s8.s32 v6;
	v7 =	vunpack.c.0.s8.s32 v7;
	(pc) =	sbr.rel .LBB2_1-.Ltmp0, $4  }
0x9: {  	s8 =	simm.s32 $0x8000;
	[smem:$0x7FF] =	sst s0;
	s5 =	sshrl.u32 s4, $0x1;
	v9 =	vunpack.c.0.s8.s32 v0;
	v0 =	vcombine.low v3, v2  }
0xa: {  	s30 =	sshll.u32 s29, $0x9;
	_ =	strace $0x80000047;
	s6 =	ssub.s32 s4, s5;
	v1 =	vcombine.low v5, v4;
	v3 =	vand.u32 $0xF, v8;
	v2 =	vcombine.low v7, v6  }
0xb: {  	s3 =	sshll.u32 s3, $0x8;
	s4 =	sadd.s32 $0x201000, s1;
	s31 =	smax.u32 s6, $0x1;
	v7 =	vimm.s32 $0x0;
	v8 =	vlaneseq.u32;
	v3 =	vcombine.low v3, v9  }
0xc: {  	s5 =	sor.u32 s3, s30;
	s1 =	simm.s32 $0x0;
	[dreg:$0x3] =	wrdreg s31;
	v4 =	vand.u32 $0xF, v0;
	v5 =	vand.u32 $0xF, v1;
	v6 =	vand.u32 $0xF, v2  }
.LBB2_11:
0xd: {  	s1 =	rddreg [dreg:$0x4]  }
0xe: {  	s0 =	rddreg [dreg:$0x3];
	s1 =	sadd.s32 $0x1, s1  }
0xf: {  	p0 =	sne.s32 s1, s0  }
.Ltmp1:
0x10: {  	_ = 	snop;
	(pc) =	sbr.rel @!p0 .LBB2_12-.Ltmp1, $1  }
0x11: {  	_ =	sdelay $0x3  }
.LBB2_1:
.Ltmp2:
0x12: {  	(pc) =	sbr.rel .LBB2_2-.Ltmp2, $2  }
0x13: {  	_ =	sdelay $0x2  }
0x14: {  	[dreg:$0x4] =	wrdreg s1;
	s10 =	simm.s32 $0x0  }
.LBB2_10:
0x15: {  	s10 =	sadd.s32 $0x1, s10  }
0x16: {  	s0 =	sshrl.u32 s11, $0x3;
	p0 =	sne.s32 s10, $0x10  }
.Ltmp3:
0x17: {  	s1 =	simm.s32 $0x0;
	s0 =	sadd.s32 s4, s0;
	(pc) =	sbr.rel @!p0 .LBB2_11-.Ltmp3, $4  }
0x18: {  	[hbm4b:s0+s1] =	stream.linear.scatter [tilespmem:s8], [sflag:$0x1], $0x10, $0x38;
	[tilespmem:$0x8280] =	vst v63  }
0x19: {  	_ =	swait.ge [sflag:s7], $0x10  }
0x1a: {  	[sflag:s7] =	ssyncset.done $0x0  }
0x1b: {  	[sflag:s7] =	ssyncadd.s32 $0xFFFFFFF0  }
.LBB2_2:
0x1c: {  	s1 =	sshll.u32 s10, $0x4  }
0x1d: {  	s11 =	sadd.s32 s5, s1  }
0x1e: {  	s0 =	rddreg [dreg:$0x0];
	s1 =	sshll.u32 s11, $0x8  }
.Ltmp4:
0x1f: {  	s12 =	simm.s32 $0x0;
	s1 =	sadd.s32 s0, s1;
	(pc) =	sbr.rel .LBB2_3-.Ltmp4, $4  }
0x20: {  	[tilespmem:s12], [sflag:$0x1] =	stream.linear.gather [hbm4b:s1+s12], $0x8000, $0x38;
	[tilespmem:$0x8280] =	vst v63  }
0x21: {  	_ =	swait.ge [sflag:s7], $0x8000  }
0x22: {  	[sflag:s7] =	ssyncset.done $0x0  }
0x23: {  	[sflag:s7] =	ssyncadd.s32 $0xFFFF8000  }
.LBB2_9:
0x24: {  	v9 =	vld [tilespmem:$0x8000];
	v10 =	vmov s12;
	s12 =	sadd.s32 $0x1, s12  }
0x25: {  	p0 =	sne.s32 s12, $0x10  }
.Ltmp5:
0x26: {  	s0 =	sld [smem:$0x0];
	(pc) =	sbr.rel @!p0 .LBB2_10-.Ltmp5, $4  }
0x27: {  	_ = 	snop  }
0x28: {  	vm0 =	veq.s32 v10, v8  }
0x29: {  	v9 =	vsel vm0, s0, v9  }
0x2a: {  	[tilespmem:$0x8000] =	vst v9  }
.LBB2_3:
0x2b: {  	s1 =	sshll.u32 s12, $0xB;
	s3 =	sshll.u32 s12, $0x7  }
0x2c: {  	s6 =	sand.u32 $0x4000, s1;
	s3 =	sand.u32 $0x380, s3  }
0x2d: {  	s13 =	sor.u32 s3, s6  }
0x2e: {  	v11 =	vld [tilespmem:s13+$0x0];
	_ =	sdelay $0x4  }
0x2f: {  	[tilespmem:$0x8080] =	vst v11  }
0x30: {  	v12 =	vld [tilespmem:s13+$0x10];
	_ =	sdelay $0x4  }
0x31: {  	[tilespmem:$0x8100] =	vst v12  }
0x32: {  	v13 =	vld [tilespmem:s13+$0x20];
	_ =	sdelay $0x4  }
0x33: {  	[tilespmem:$0x8180] =	vst v13  }
0x34: {  	v10 =	vld [tilespmem:s13+$0x30]  }
0x35: {  	v9 =	vmov s3  }
0x36: {  	s14 =	simm.s32 $0x200  }
0x37: {  	s15 =	simm.s32 $0x40;
	s14 =	sand.u32 $0x3C00, s14  }
0x38: {  	s15 =	sand.u32 $0x40, s15;
	s14 =	sadd.s32 s14, s6  }
0x39: {  	s14 =	sadd.s32 s15, s14;
	[tilespmem:$0x8200] =	vst v10  }
0x3a: {  	v14 =	vld.idx.msk [tilespmem:v9+s14+$0x0 ss:$0x1], $0xffff;
	_ =	sdelay $0x4  }
0x3b: {  	vm0 =	vgt.s32 v11, v14  }
0x3c: {  	v11 =	vsel vm0, v11, v14  }
0x3d: {  	[tilespmem:$0x8080] =	vst v11  }
0x3e: {  	v14 =	vld.idx.msk [tilespmem:v9+s14+$0x10 ss:$0x1], $0xffff;
	_ =	sdelay $0x4  }
0x3f: {  	vm0 =	vgt.s32 v12, v14  }
0x40: {  	v12 =	vsel vm0, v12, v14  }
0x41: {  	[tilespmem:$0x8100] =	vst v12  }
0x42: {  	v14 =	vld.idx.msk [tilespmem:v9+s14+$0x20 ss:$0x1], $0xffff;
	_ =	sdelay $0x4  }
0x43: {  	vm0 =	vgt.s32 v13, v14  }
0x44: {  	v13 =	vsel vm0, v13, v14  }
0x45: {  	[tilespmem:$0x8180] =	vst v13  }
0x46: {  	v14 =	vld.idx.msk [tilespmem:v9+s14+$0x30 ss:$0x1], $0xffff;
	_ =	sdelay $0x3  }
0x47: {  	s14 =	simm.s32 $0x400  }
0x48: {  	s16 =	simm.s32 $0x80;
	s15 =	simm.s32 $0xC0;
	s17 =	sand.u32 $0x3C00, s14;
	vm0 =	vgt.s32 v10, v14  }
.LBB2_4:
0x49: {  	p0 =	sne.s32 s15, $0x7C0;
	s16 =	sand.u32 $0x40, s16;
	s17 =	sadd.s32 s17, s6;
	v10 =	vsel vm0, v10, v14  }
0x4a: {  	s17 =	sadd.s32 s16, s17;
	[tilespmem:$0x8200] =	vst v10;
	s16 =	smov.u32 s15  }
0x4b: {  	v14 =	vld.idx.msk [tilespmem:v9+s17+$0x0 ss:$0x1], $0xffff;
	_ =	sdelay $0x5  }
0x4c: {  	vm0 =	vgt.s32 v11, v14  }
0x4d: {  	v11 =	vsel vm0, v11, v14  }
0x4e: {  	[tilespmem:$0x8080] =	vst v11  }
0x4f: {  	v14 =	vld.idx.msk [tilespmem:v9+s17+$0x10 ss:$0x1], $0xffff;
	_ =	sdelay $0x5  }
0x50: {  	vm0 =	vgt.s32 v12, v14  }
0x51: {  	v12 =	vsel vm0, v12, v14  }
0x52: {  	[tilespmem:$0x8100] =	vst v12  }
0x53: {  	v14 =	vld.idx.msk [tilespmem:v9+s17+$0x20 ss:$0x1], $0xffff;
	_ =	sdelay $0x5  }
0x54: {  	vm0 =	vgt.s32 v13, v14  }
0x55: {  	v13 =	vsel vm0, v13, v14  }
0x56: {  	[tilespmem:$0x8180] =	vst v13  }
0x57: {  	v14 =	vld.idx.msk [tilespmem:v9+s17+$0x30 ss:$0x1], $0xffff;
	_ =	sdelay $0x1  }
.Ltmp6:
0x58: {  	(pc) =	sbr.rel @p0 .LBB2_4-.Ltmp6, $3  }
0x59: {  	_ =	sdelay $0x1  }
0x5a: {  	s14 =	sadd.s32 $0x200, s14  }
0x5b: {  	s15 =	sadd.s32 $0x40, s15;
	s17 =	sand.u32 $0x3C00, s14;
	vm0 =	vgt.s32 v10, v14  }
0x5c: {  	_ =	sdelay $0x1  }
0x5d: {  	s14 =	sand.u32 $0x40, s16;
	s6 =	sadd.s32 s17, s6;
	v10 =	vsel vm0, v10, v14  }
0x5e: {  	s6 =	sadd.s32 s14, s6;
	[tilespmem:$0x8200] =	vst v10  }
0x5f: {  	v58 =	vld.idx.msk [tilespmem:v9+s6+$0x0 ss:$0x1], $0xffff;
	_ =	sdelay $0x4  }
0x60: {  	vm15 =	vgt.s32 v11, v58  }
0x61: {  	v11 =	vsel vm15, v11, v58  }
0x62: {  	[tilespmem:$0x8080] =	vst v11  }
0x63: {  	v59 =	vld.idx.msk [tilespmem:v9+s6+$0x10 ss:$0x1], $0xffff;
	_ =	sdelay $0x4  }
0x64: {  	vm4 =	vgt.s32 v12, v59  }
0x65: {  	v12 =	vsel vm4, v12, v59  }
0x66: {  	[tilespmem:$0x8100] =	vst v12  }
0x67: {  	v60 =	vld.idx.msk [tilespmem:v9+s6+$0x20 ss:$0x1], $0xffff;
	_ =	sdelay $0x4  }
0x68: {  	vm5 =	vgt.s32 v13, v60  }
0x69: {  	v13 =	vsel vm5, v13, v60  }
0x6a: {  	[tilespmem:$0x8180] =	vst v13  }
0x6b: {  	v9 =	vld.idx.msk [tilespmem:v9+s6+$0x30 ss:$0x1], $0xffff;
	_ =	sdelay $0x4  }
0x6c: {  	vm6 =	vgt.s32 v10, v9  }
0x6d: {  	v9 =	vsel vm6, v10, v9  }
0x6e: {  	vm7 =	vlt.s32 v11, v12;
	vm1 =	vlt.s32 v13, v9  }
0x6f: {  	v10 =	vsel vm7, v11, v12;
	v14 =	vsel vm1, v13, v9  }
0x70: {  	v11 =	vsel vm7, v12, v11;
	v61 =	vsel vm1, v9, v13;
	vm8 =	vlt.s32 v10, v14  }
0x71: {  	vm1 =	vgt.s32 v11, v61;
	v10 =	vsel vm8, v10, v14  }
0x72: {  	v11 =	vsel vm1, v11, v61;
	v62 =	vperm.xlane v10, v3  }
0x73: {  	v63 =	vperm.xlane v11, v3  }
0x74: {  	vm0 =	vlt.s32 v10, v62  }
0x75: {  	vm9 =	vgt.s32 v11, v63;
	v10 =	vsel vm0, v10, v62  }
0x76: {  	v11 =	vsel vm9, v11, v63;
	v12 =	vperm.xlane v10, v4  }
0x77: {  	v13 =	vperm.xlane v11, v4  }
0x78: {  	vm10 =	vlt.s32 v10, v12  }
0x79: {  	vm11 =	vgt.s32 v11, v13;
	v10 =	vsel vm10, v10, v12  }
0x7a: {  	v11 =	vsel vm11, v11, v13;
	v12 =	vperm.xlane v10, v5  }
0x7b: {  	v13 =	vperm.xlane v11, v5  }
0x7c: {  	vm12 =	vlt.s32 v10, v12  }
0x7d: {  	vm13 =	vgt.s32 v11, v13;
	v10 =	vsel vm12, v10, v12  }
0x7e: {  	v11 =	vsel vm13, v11, v13;
	v12 =	vperm.xlane v10, v6  }
0x7f: {  	v13 =	vperm.xlane v11, v6  }
0x80: {  	vm14 =	vlt.s32 v10, v12  }
0x81: {  	vm15 =	vgt.s32 v11, v13;
	v10 =	vsel vm14, v10, v12  }
0x82: {  	(v2sf) =	vpush v10, $0x0;
	v10 =	vsel vm15, v11, v13  }
0x83: {  	(v2sf) =	vpush v10, $0x0;
	_ =	sdelay $0x8  }
0x84: {  	s1 =	sor.u32 s1, s3;
	s3 =	simm.s32 $0x1F  }
0x85: {  	s15 =	sor.u32 $0x3800, s1;
	s16 =	sor.u32 $0x3810, s1;
	s18 =	sor.u32 $0x3820, s1  }
0x86: {  	s19 =	sor.u32 $0x3830, s1;
	s20 =	sor.u32 $0x3840, s1;
	s21 =	sor.u32 $0x3850, s1  }
.Ltmp7:
0x87: {  	s22 =	sor.u32 $0x3860, s1;
	s23 =	sor.u32 $0x3870, s1;
	(pc) =	sbr.rel .LBB2_6-.Ltmp7, $4  }
0x88: {  	s24 =	sor.u32 $0x3C00, s1;
	s25 =	sor.u32 $0x3C10, s1;
	s26 =	sor.u32 $0x3C20, s1  }
0x89: {  	s28 =	sor.u32 $0x3C30, s1;
	s29 =	sor.u32 $0x3C40, s1;
	s14 =	spop (v2sf)  }
0x8a: {  	s30 =	sor.u32 $0x3C50, s1;
	[smem:$0x0] =	sst s14;
	s17 =	spop (v2sf)  }
0x8b: {  	s31 =	sor.u32 $0x3C60, s1;
	s1 =	sor.u32 $0x3C70, s1;
	[tilespmem:$0x8200] =	vst v9;
	[smem:$0x1] =	sst s17  }
.LBB2_8:
0x8c: {  	s3 =	sadd.s32 $0xFFFFFFFF, s3  }
0x8d: {  	p0 =	sne.s32 s3, $0x0  }
.Ltmp8:
0x8e: {  	_ = 	snop;
	(pc) =	sbr.rel @!p0 .LBB2_9-.Ltmp8, $1  }
0x8f: {  	_ =	sdelay $0x3  }
.LBB2_6:
0x90: {  	p0 =	sle.s32 s17, s14  }
.Ltmp9:
0x91: {  	_ = 	snop;
	(pc) =	sbr.rel @p0 .LBB2_8-.Ltmp9, $1  }
0x92: {  	_ =	sdelay $0x3  }
0x93: {  	s6 =	ssub.s32 s17, s14  }
0x94: {  	s9 =	sadd.s32 $0x1, s6;
	p0 =	slt.u32 s6, $0x7FFFFFFF;
	s6 =	simm.s32 $0x1  }
0x95: {  	s6 =	simm.s32 @!p0 $0x0;
	s0 =	sshra.s32 s9, $0x1F  }
0x96: {  	v9 =	vld [tilespmem:s13+$0x0];
	s0 =	sadd.s32 s6, s0;
	s6 =	sand.u32 $0x1, s9  }
0x97: {  	v10 =	vld [tilespmem:s13+$0x10];
	s2 =	sshrl.u32 s9, $0x1F;
	p6 =	sne.s32 s0, $0x1;
	p1 =	seq.s32 s6, $0x1  }
0x98: {  	v11 =	vld [tilespmem:s13+$0x20];
	s6 =	sadd.s32 s2, s9;
	p0 =	por !p6, !p1  }
0x99: {  	v12 =	vld [tilespmem:s13+$0x30];
	s2 =	simm.s32 $0x1;
	s0 =	sshra.s32 s6, $0x1;
	p0 =	por !p0, !p0  }
0x9a: {  	v13 =	vld [tilespmem:s13+$0x40];
	s0 =	sadd.s32 s14, s0;
	s2 =	simm.s32 @!p0 $0x0  }
0x9b: {  	v14 =	vld [tilespmem:s13+$0x50];
	s6 =	ssub.s32 s0, s2  }
0x9c: {  	vm0 =	vge.s32 v9, s6;
	vm1 =	vge.s32 v10, s6;
	v9 =	vld [tilespmem:s13+$0x60]  }
0x9d: {  	vm10 =	vge.s32 v11, s6;
	v11 =	vld [tilespmem:s13+$0x70];
	v10 =	vsel vm0, $0x1, v7;
	v15 =	vsel vm1, $0x1, v7  }
0x9e: {  	v54 =	vld [tilespmem:s13+$0x400];
	vm11 =	vge.s32 v12, s6;
	v53 =	vsel vm10, $0x1, v7;
	v10 =	vadd.s32 v10, v15  }
0x9f: {  	v56 =	vld [tilespmem:s13+$0x410];
	vm12 =	vge.s32 v13, s6;
	v55 =	vsel vm11, $0x1, v7;
	v10 =	vadd.s32 v53, v10  }
0xa0: {  	v58 =	vld [tilespmem:s13+$0x420];
	vm13 =	vge.s32 v14, s6;
	v57 =	vsel vm12, $0x1, v7;
	v10 =	vadd.s32 v55, v10  }
0xa1: {  	v59 =	vsel vm13, $0x1, v7;
	v10 =	vadd.s32 v57, v10;
	vm14 =	vge.s32 v9, s6;
	v9 =	vld [tilespmem:s13+$0x430]  }
0xa2: {  	vm15 =	vge.s32 v11, s6;
	v11 =	vld [tilespmem:s13+$0x440];
	v10 =	vadd.s32 v59, v10;
	v60 =	vsel vm14, $0x1, v7  }
0xa3: {  	v62 =	vld [tilespmem:s13+$0x450];
	vm4 =	vge.s32 v54, s6;
	v61 =	vsel vm15, $0x1, v7;
	v10 =	vadd.s32 v60, v10  }
0xa4: {  	v18 =	vld [tilespmem:s13+$0x460];
	vm5 =	vge.s32 v56, s6;
	v63 =	vsel vm4, $0x1, v7;
	v10 =	vadd.s32 v61, v10  }
0xa5: {  	v20 =	vld [tilespmem:s13+$0x470];
	vm6 =	vge.s32 v58, s6;
	v19 =	vsel vm5, $0x1, v7;
	v10 =	vadd.s32 v63, v10  }
0xa6: {  	v21 =	vsel vm6, $0x1, v7;
	v10 =	vadd.s32 v19, v10;
	vm7 =	vge.s32 v9, s6;
	v9 =	vld [tilespmem:s13+$0x800]  }
0xa7: {  	vm8 =	vge.s32 v11, s6;
	v11 =	vld [tilespmem:s13+$0x810];
	v10 =	vadd.s32 v21, v10;
	v22 =	vsel vm7, $0x1, v7  }
0xa8: {  	v24 =	vld [tilespmem:s13+$0x820];
	vm9 =	vge.s32 v62, s6;
	v23 =	vsel vm8, $0x1, v7;
	v10 =	vadd.s32 v22, v10  }
0xa9: {  	v26 =	vld [tilespmem:s13+$0x830];
	v25 =	vsel vm9, $0x1, v7;
	vm10 =	vge.s32 v18, s6;
	v10 =	vadd.s32 v23, v10  }
0xaa: {  	v28 =	vld [tilespmem:s13+$0x840];
	vm11 =	vge.s32 v20, s6;
	v27 =	vsel vm10, $0x1, v7;
	v10 =	vadd.s32 v25, v10  }
0xab: {  	v29 =	vsel vm11, $0x1, v7;
	v10 =	vadd.s32 v27, v10;
	vm12 =	vge.s32 v9, s6;
	v9 =	vld [tilespmem:s13+$0x850]  }
0xac: {  	vm13 =	vge.s32 v11, s6;
	v11 =	vld [tilespmem:s13+$0x860];
	v10 =	vadd.s32 v29, v10;
	v30 =	vsel vm12, $0x1, v7  }
0xad: {  	v32 =	vld [tilespmem:s13+$0x870];
	vm14 =	vge.s32 v24, s6;
	v31 =	vsel vm13, $0x1, v7;
	v10 =	vadd.s32 v30, v10  }
0xae: {  	v34 =	vld [tilespmem:s13+$0xC00];
	vm15 =	vge.s32 v26, s6;
	v33 =	vsel vm14, $0x1, v7;
	v10 =	vadd.s32 v31, v10  }
0xaf: {  	v36 =	vld [tilespmem:s13+$0xC10];
	vm4 =	vge.s32 v28, s6;
	v35 =	vsel vm15, $0x1, v7;
	v10 =	vadd.s32 v33, v10  }
0xb0: {  	v37 =	vsel vm4, $0x1, v7;
	v10 =	vadd.s32 v35, v10;
	vm5 =	vge.s32 v9, s6;
	v9 =	vld [tilespmem:s13+$0xC20]  }
0xb1: {  	vm6 =	vge.s32 v11, s6;
	v11 =	vld [tilespmem:s13+$0xC30];
	v10 =	vadd.s32 v37, v10;
	v38 =	vsel vm5, $0x1, v7  }
0xb2: {  	v40 =	vld [tilespmem:s13+$0xC40];
	vm7 =	vge.s32 v32, s6;
	v39 =	vsel vm6, $0x1, v7;
	v10 =	vadd.s32 v38, v10  }
0xb3: {  	v42 =	vld [tilespmem:s13+$0xC50];
	vm8 =	vge.s32 v34, s6;
	v41 =	vsel vm7, $0x1, v7;
	v10 =	vadd.s32 v39, v10  }
0xb4: {  	v44 =	vld [tilespmem:s13+$0xC60];
	vm9 =	vge.s32 v36, s6;
	v43 =	vsel vm8, $0x1, v7;
	v10 =	vadd.s32 v41, v10  }
0xb5: {  	v45 =	vsel vm9, $0x1, v7;
	v10 =	vadd.s32 v43, v10;
	vm10 =	vge.s32 v9, s6;
	v9 =	vld [tilespmem:s13+$0xC70]  }
0xb6: {  	vm11 =	vge.s32 v11, s6;
	v11 =	vld [tilespmem:s13+$0x1000];
	v10 =	vadd.s32 v45, v10;
	v46 =	vsel vm10, $0x1, v7  }
0xb7: {  	v48 =	vld [tilespmem:s13+$0x1010];
	vm12 =	vge.s32 v40, s6;
	v47 =	vsel vm11, $0x1, v7;
	v10 =	vadd.s32 v46, v10  }
0xb8: {  	v50 =	vld [tilespmem:s13+$0x1020];
	vm13 =	vge.s32 v42, s6;
	v49 =	vsel vm12, $0x1, v7;
	v10 =	vadd.s32 v47, v10  }
0xb9: {  	v52 =	vld [tilespmem:s13+$0x1030];
	vm14 =	vge.s32 v44, s6;
	v51 =	vsel vm13, $0x1, v7;
	v10 =	vadd.s32 v49, v10  }
0xba: {  	v53 =	vsel vm14, $0x1, v7;
	v10 =	vadd.s32 v51, v10;
	vm15 =	vge.s32 v9, s6;
	v9 =	vld [tilespmem:s13+$0x1040]  }
0xbb: {  	vm4 =	vge.s32 v11, s6;
	v11 =	vld [tilespmem:s13+$0x1050];
	v10 =	vadd.s32 v53, v10;
	v54 =	vsel vm15, $0x1, v7  }
0xbc: {  	v56 =	vld [tilespmem:s13+$0x1060];
	vm5 =	vge.s32 v48, s6;
	v55 =	vsel vm4, $0x1, v7;
	v10 =	vadd.s32 v54, v10  }
0xbd: {  	v58 =	vld [tilespmem:s13+$0x1070];
	vm6 =	vge.s32 v50, s6;
	v57 =	vsel vm5, $0x1, v7;
	v10 =	vadd.s32 v55, v10  }
0xbe: {  	v60 =	vld [tilespmem:s13+$0x1400];
	vm7 =	vge.s32 v52, s6;
	v59 =	vsel vm6, $0x1, v7;
	v10 =	vadd.s32 v57, v10  }
0xbf: {  	v61 =	vsel vm7, $0x1, v7;
	v10 =	vadd.s32 v59, v10;
	vm8 =	vge.s32 v9, s6;
	v9 =	vld [tilespmem:s13+$0x1410]  }
0xc0: {  	vm9 =	vge.s32 v11, s6;
	v11 =	vld [tilespmem:s13+$0x1420];
	v10 =	vadd.s32 v61, v10;
	v62 =	vsel vm8, $0x1, v7  }
0xc1: {  	v18 =	vld [tilespmem:s13+$0x1430];
	vm10 =	vge.s32 v56, s6;
	v63 =	vsel vm9, $0x1, v7;
	v10 =	vadd.s32 v62, v10  }
0xc2: {  	v20 =	vld [tilespmem:s13+$0x1440];
	vm11 =	vge.s32 v58, s6;
	v19 =	vsel vm10, $0x1, v7;
	v10 =	vadd.s32 v63, v10  }
0xc3: {  	v22 =	vld [tilespmem:s13+$0x1450];
	vm12 =	vge.s32 v60, s6;
	v21 =	vsel vm11, $0x1, v7;
	v10 =	vadd.s32 v19, v10  }
0xc4: {  	v23 =	vsel vm12, $0x1, v7;
	v10 =	vadd.s32 v21, v10;
	vm13 =	vge.s32 v9, s6;
	v9 =	vld [tilespmem:s13+$0x1460]  }
0xc5: {  	vm14 =	vge.s32 v11, s6;
	v11 =	vld [tilespmem:s13+$0x1470];
	v10 =	vadd.s32 v23, v10;
	v24 =	vsel vm13, $0x1, v7  }
0xc6: {  	v26 =	vld [tilespmem:s13+$0x1800];
	vm15 =	vge.s32 v18, s6;
	v25 =	vsel vm14, $0x1, v7;
	v10 =	vadd.s32 v24, v10  }
0xc7: {  	v28 =	vld [tilespmem:s13+$0x1810];
	vm4 =	vge.s32 v20, s6;
	v27 =	vsel vm15, $0x1, v7;
	v10 =	vadd.s32 v25, v10  }
0xc8: {  	v30 =	vld [tilespmem:s13+$0x1820];
	vm5 =	vge.s32 v22, s6;
	v29 =	vsel vm4, $0x1, v7;
	v10 =	vadd.s32 v27, v10  }
0xc9: {  	v31 =	vsel vm5, $0x1, v7;
	v10 =	vadd.s32 v29, v10;
	vm6 =	vge.s32 v9, s6;
	v9 =	vld [tilespmem:s13+$0x1830]  }
0xca: {  	vm7 =	vge.s32 v11, s6;
	v11 =	vld [tilespmem:s13+$0x1840];
	v10 =	vadd.s32 v31, v10;
	v32 =	vsel vm6, $0x1, v7  }
0xcb: {  	v34 =	vld [tilespmem:s13+$0x1850];
	vm8 =	vge.s32 v26, s6;
	v33 =	vsel vm7, $0x1, v7;
	v10 =	vadd.s32 v32, v10  }
0xcc: {  	v36 =	vld [tilespmem:s13+$0x1860];
	vm9 =	vge.s32 v28, s6;
	v35 =	vsel vm8, $0x1, v7;
	v10 =	vadd.s32 v33, v10  }
0xcd: {  	v38 =	vld [tilespmem:s13+$0x1870];
	vm10 =	vge.s32 v30, s6;
	v37 =	vsel vm9, $0x1, v7;
	v10 =	vadd.s32 v35, v10  }
0xce: {  	v39 =	vsel vm10, $0x1, v7;
	v10 =	vadd.s32 v37, v10;
	vm11 =	vge.s32 v9, s6;
	v9 =	vld [tilespmem:s13+$0x1C00]  }
0xcf: {  	vm12 =	vge.s32 v11, s6;
	v11 =	vld [tilespmem:s13+$0x1C10];
	v10 =	vadd.s32 v39, v10;
	v40 =	vsel vm11, $0x1, v7  }
0xd0: {  	v42 =	vld [tilespmem:s13+$0x1C20];
	vm13 =	vge.s32 v34, s6;
	v41 =	vsel vm12, $0x1, v7;
	v10 =	vadd.s32 v40, v10  }
0xd1: {  	v44 =	vld [tilespmem:s13+$0x1C30];
	vm14 =	vge.s32 v36, s6;
	v43 =	vsel vm13, $0x1, v7;
	v10 =	vadd.s32 v41, v10  }
0xd2: {  	v46 =	vld [tilespmem:s13+$0x1C40];
	vm15 =	vge.s32 v38, s6;
	v45 =	vsel vm14, $0x1, v7;
	v10 =	vadd.s32 v43, v10  }
0xd3: {  	v47 =	vsel vm15, $0x1, v7;
	v10 =	vadd.s32 v45, v10;
	vm4 =	vge.s32 v9, s6;
	v9 =	vld [tilespmem:s13+$0x1C50]  }
0xd4: {  	vm5 =	vge.s32 v11, s6;
	v11 =	vld [tilespmem:s13+$0x1C60];
	v10 =	vadd.s32 v47, v10;
	v48 =	vsel vm4, $0x1, v7  }
0xd5: {  	v50 =	vld [tilespmem:s13+$0x1C70];
	vm6 =	vge.s32 v42, s6;
	v49 =	vsel vm5, $0x1, v7;
	v10 =	vadd.s32 v48, v10  }
0xd6: {  	v52 =	vld [tilespmem:s13+$0x2000];
	vm7 =	vge.s32 v44, s6;
	v51 =	vsel vm6, $0x1, v7;
	v10 =	vadd.s32 v49, v10  }
0xd7: {  	v54 =	vld [tilespmem:s13+$0x2010];
	vm8 =	vge.s32 v46, s6;
	v53 =	vsel vm7, $0x1, v7;
	v10 =	vadd.s32 v51, v10  }
0xd8: {  	v55 =	vsel vm8, $0x1, v7;
	v10 =	vadd.s32 v53, v10;
	vm9 =	vge.s32 v9, s6;
	v9 =	vld [tilespmem:s13+$0x2020]  }
0xd9: {  	vm10 =	vge.s32 v11, s6;
	v11 =	vld [tilespmem:s13+$0x2030];
	v10 =	vadd.s32 v55, v10;
	v56 =	vsel vm9, $0x1, v7  }
0xda: {  	v58 =	vld [tilespmem:s13+$0x2040];
	vm11 =	vge.s32 v50, s6;
	v57 =	vsel vm10, $0x1, v7;
	v10 =	vadd.s32 v56, v10  }
0xdb: {  	v60 =	vld [tilespmem:s13+$0x2050];
	vm12 =	vge.s32 v52, s6;
	v59 =	vsel vm11, $0x1, v7;
	v10 =	vadd.s32 v57, v10  }
0xdc: {  	v62 =	vld [tilespmem:s13+$0x2060];
	vm13 =	vge.s32 v54, s6;
	v61 =	vsel vm12, $0x1, v7;
	v10 =	vadd.s32 v59, v10  }
0xdd: {  	v63 =	vsel vm13, $0x1, v7;
	v10 =	vadd.s32 v61, v10;
	vm14 =	vge.s32 v9, s6;
	v9 =	vld [tilespmem:s13+$0x2070]  }
0xde: {  	vm15 =	vge.s32 v11, s6;
	v11 =	vld [tilespmem:s13+$0x2400];
	v10 =	vadd.s32 v63, v10;
	v18 =	vsel vm14, $0x1, v7  }
0xdf: {  	v20 =	vld [tilespmem:s13+$0x2410];
	vm4 =	vge.s32 v58, s6;
	v19 =	vsel vm15, $0x1, v7;
	v10 =	vadd.s32 v18, v10  }
0xe0: {  	v22 =	vld [tilespmem:s13+$0x2420];
	vm5 =	vge.s32 v60, s6;
	v21 =	vsel vm4, $0x1, v7;
	v10 =	vadd.s32 v19, v10  }
0xe1: {  	v24 =	vld [tilespmem:s13+$0x2430];
	vm6 =	vge.s32 v62, s6;
	v23 =	vsel vm5, $0x1, v7;
	v10 =	vadd.s32 v21, v10  }
0xe2: {  	v25 =	vsel vm6, $0x1, v7;
	v10 =	vadd.s32 v23, v10;
	vm7 =	vge.s32 v9, s6;
	v9 =	vld [tilespmem:s13+$0x2440]  }
0xe3: {  	vm8 =	vge.s32 v11, s6;
	v11 =	vld [tilespmem:s13+$0x2450];
	v10 =	vadd.s32 v25, v10;
	v26 =	vsel vm7, $0x1, v7  }
0xe4: {  	v28 =	vld [tilespmem:s13+$0x2460];
	vm9 =	vge.s32 v20, s6;
	v27 =	vsel vm8, $0x1, v7;
	v10 =	vadd.s32 v26, v10  }
0xe5: {  	v30 =	vld [tilespmem:s13+$0x2470];
	vm10 =	vge.s32 v22, s6;
	v29 =	vsel vm9, $0x1, v7;
	v10 =	vadd.s32 v27, v10  }
0xe6: {  	v32 =	vld [tilespmem:s13+$0x2800];
	vm11 =	vge.s32 v24, s6;
	v31 =	vsel vm10, $0x1, v7;
	v10 =	vadd.s32 v29, v10  }
0xe7: {  	v33 =	vsel vm11, $0x1, v7;
	v10 =	vadd.s32 v31, v10;
	vm12 =	vge.s32 v9, s6;
	v9 =	vld [tilespmem:s13+$0x2810]  }
0xe8: {  	vm13 =	vge.s32 v11, s6;
	v11 =	vld [tilespmem:s13+$0x2820];
	v10 =	vadd.s32 v33, v10;
	v34 =	vsel vm12, $0x1, v7  }
0xe9: {  	v36 =	vld [tilespmem:s13+$0x2830];
	vm14 =	vge.s32 v28, s6;
	v35 =	vsel vm13, $0x1, v7;
	v10 =	vadd.s32 v34, v10  }
0xea: {  	v38 =	vld [tilespmem:s13+$0x2840];
	vm15 =	vge.s32 v30, s6;
	v37 =	vsel vm14, $0x1, v7;
	v10 =	vadd.s32 v35, v10  }
0xeb: {  	v40 =	vld [tilespmem:s13+$0x2850];
	vm4 =	vge.s32 v32, s6;
	v39 =	vsel vm15, $0x1, v7;
	v10 =	vadd.s32 v37, v10  }
0xec: {  	v41 =	vsel vm4, $0x1, v7;
	v10 =	vadd.s32 v39, v10;
	vm5 =	vge.s32 v9, s6;
	v9 =	vld [tilespmem:s13+$0x2860]  }
0xed: {  	vm6 =	vge.s32 v11, s6;
	v11 =	vld [tilespmem:s13+$0x2870];
	v10 =	vadd.s32 v41, v10;
	v42 =	vsel vm5, $0x1, v7  }
0xee: {  	v44 =	vld [tilespmem:s13+$0x2C00];
	vm7 =	vge.s32 v36, s6;
	v43 =	vsel vm6, $0x1, v7;
	v10 =	vadd.s32 v42, v10  }
0xef: {  	v46 =	vld [tilespmem:s13+$0x2C10];
	vm8 =	vge.s32 v38, s6;
	v45 =	vsel vm7, $0x1, v7;
	v10 =	vadd.s32 v43, v10  }
0xf0: {  	v48 =	vld [tilespmem:s13+$0x2C20];
	vm9 =	vge.s32 v40, s6;
	v47 =	vsel vm8, $0x1, v7;
	v10 =	vadd.s32 v45, v10  }
0xf1: {  	v49 =	vsel vm9, $0x1, v7;
	v10 =	vadd.s32 v47, v10;
	vm10 =	vge.s32 v9, s6;
	v9 =	vld [tilespmem:s13+$0x2C30]  }
0xf2: {  	vm11 =	vge.s32 v11, s6;
	v11 =	vld [tilespmem:s13+$0x2C40];
	v10 =	vadd.s32 v49, v10;
	v50 =	vsel vm10, $0x1, v7  }
0xf3: {  	v52 =	vld [tilespmem:s13+$0x2C50];
	vm12 =	vge.s32 v44, s6;
	v51 =	vsel vm11, $0x1, v7;
	v10 =	vadd.s32 v50, v10  }
0xf4: {  	v54 =	vld [tilespmem:s13+$0x2C60];
	vm13 =	vge.s32 v46, s6;
	v53 =	vsel vm12, $0x1, v7;
	v10 =	vadd.s32 v51, v10  }
0xf5: {  	v56 =	vld [tilespmem:s13+$0x2C70];
	vm14 =	vge.s32 v48, s6;
	v55 =	vsel vm13, $0x1, v7;
	v10 =	vadd.s32 v53, v10  }
0xf6: {  	v57 =	vsel vm14, $0x1, v7;
	v10 =	vadd.s32 v55, v10;
	vm15 =	vge.s32 v9, s6;
	v9 =	vld [tilespmem:s13+$0x3000]  }
0xf7: {  	vm4 =	vge.s32 v11, s6;
	v11 =	vld [tilespmem:s13+$0x3010];
	v10 =	vadd.s32 v57, v10;
	v58 =	vsel vm15, $0x1, v7  }
0xf8: {  	v60 =	vld [tilespmem:s13+$0x3020];
	vm5 =	vge.s32 v52, s6;
	v59 =	vsel vm4, $0x1, v7;
	v10 =	vadd.s32 v58, v10  }
0xf9: {  	v62 =	vld [tilespmem:s13+$0x3030];
	vm6 =	vge.s32 v54, s6;
	v61 =	vsel vm5, $0x1, v7;
	v10 =	vadd.s32 v59, v10  }
0xfa: {  	v18 =	vld [tilespmem:s13+$0x3040];
	vm7 =	vge.s32 v56, s6;
	v63 =	vsel vm6, $0x1, v7;
	v10 =	vadd.s32 v61, v10  }
0xfb: {  	v19 =	vsel vm7, $0x1, v7;
	v10 =	vadd.s32 v63, v10;
	vm8 =	vge.s32 v9, s6;
	v9 =	vld [tilespmem:s13+$0x3050]  }
0xfc: {  	vm9 =	vge.s32 v11, s6;
	v11 =	vld [tilespmem:s13+$0x3060];
	v10 =	vadd.s32 v19, v10;
	v20 =	vsel vm8, $0x1, v7  }
0xfd: {  	v22 =	vld [tilespmem:s13+$0x3070];
	vm10 =	vge.s32 v60, s6;
	v21 =	vsel vm9, $0x1, v7;
	v10 =	vadd.s32 v20, v10  }
0xfe: {  	v24 =	vld [tilespmem:s13+$0x3400];
	vm11 =	vge.s32 v62, s6;
	v23 =	vsel vm10, $0x1, v7;
	v10 =	vadd.s32 v21, v10  }
0xff: {  	v26 =	vld [tilespmem:s13+$0x3410];
	vm12 =	vge.s32 v18, s6;
	v25 =	vsel vm11, $0x1, v7;
	v10 =	vadd.s32 v23, v10  }
0x100: {  	v27 =	vsel vm12, $0x1, v7;
	v10 =	vadd.s32 v25, v10;
	vm13 =	vge.s32 v9, s6;
	v9 =	vld [tilespmem:s13+$0x3420]  }
0x101: {  	vm14 =	vge.s32 v11, s6;
	v11 =	vld [tilespmem:s13+$0x3430];
	v10 =	vadd.s32 v27, v10;
	v28 =	vsel vm13, $0x1, v7  }
0x102: {  	v30 =	vld [tilespmem:s13+$0x3440];
	vm15 =	vge.s32 v22, s6;
	v29 =	vsel vm14, $0x1, v7;
	v10 =	vadd.s32 v28, v10  }
0x103: {  	v32 =	vld [tilespmem:s13+$0x3450];
	vm4 =	vge.s32 v24, s6;
	v31 =	vsel vm15, $0x1, v7;
	v10 =	vadd.s32 v29, v10  }
0x104: {  	v34 =	vld [tilespmem:s13+$0x3460];
	vm5 =	vge.s32 v26, s6;
	v33 =	vsel vm4, $0x1, v7;
	v10 =	vadd.s32 v31, v10  }
0x105: {  	v35 =	vsel vm5, $0x1, v7;
	v10 =	vadd.s32 v33, v10;
	vm6 =	vge.s32 v9, s6;
	v9 =	vld [tilespmem:s13+$0x3470]  }
0x106: {  	vm7 =	vge.s32 v11, s6;
	v11 =	vld [tilespmem:s15+$0x0];
	v10 =	vadd.s32 v35, v10;
	v36 =	vsel vm6, $0x1, v7  }
0x107: {  	v38 =	vld [tilespmem:s16+$0x0];
	vm8 =	vge.s32 v30, s6;
	v37 =	vsel vm7, $0x1, v7;
	v10 =	vadd.s32 v36, v10  }
0x108: {  	v40 =	vld [tilespmem:s18+$0x0];
	vm9 =	vge.s32 v32, s6;
	v39 =	vsel vm8, $0x1, v7;
	v10 =	vadd.s32 v37, v10  }
0x109: {  	v42 =	vld [tilespmem:s19+$0x0];
	vm10 =	vge.s32 v34, s6;
	v41 =	vsel vm9, $0x1, v7;
	v10 =	vadd.s32 v39, v10  }
0x10a: {  	v43 =	vsel vm10, $0x1, v7;
	v10 =	vadd.s32 v41, v10;
	vm11 =	vge.s32 v9, s6;
	v9 =	vld [tilespmem:s20+$0x0]  }
0x10b: {  	vm12 =	vge.s32 v11, s6;
	v11 =	vld [tilespmem:s21+$0x0];
	v10 =	vadd.s32 v43, v10;
	v44 =	vsel vm11, $0x1, v7  }
0x10c: {  	v46 =	vld [tilespmem:s22+$0x0];
	vm13 =	vge.s32 v38, s6;
	v45 =	vsel vm12, $0x1, v7;
	v10 =	vadd.s32 v44, v10  }
0x10d: {  	v48 =	vld [tilespmem:s23+$0x0];
	vm14 =	vge.s32 v40, s6;
	v47 =	vsel vm13, $0x1, v7;
	v10 =	vadd.s32 v45, v10  }
0x10e: {  	v50 =	vld [tilespmem:s24+$0x0];
	vm15 =	vge.s32 v42, s6;
	v49 =	vsel vm14, $0x1, v7;
	v10 =	vadd.s32 v47, v10  }
0x10f: {  	v51 =	vsel vm15, $0x1, v7;
	v10 =	vadd.s32 v49, v10;
	vm4 =	vge.s32 v9, s6;
	v9 =	vld [tilespmem:s25+$0x0]  }
0x110: {  	vm5 =	vge.s32 v11, s6;
	v11 =	vld [tilespmem:s26+$0x0];
	v10 =	vadd.s32 v51, v10;
	v52 =	vsel vm4, $0x1, v7  }
0x111: {  	v54 =	vld [tilespmem:s28+$0x0];
	vm6 =	vge.s32 v46, s6;
	v53 =	vsel vm5, $0x1, v7;
	v10 =	vadd.s32 v52, v10  }
0x112: {  	v56 =	vld [tilespmem:s29+$0x0];
	vm7 =	vge.s32 v48, s6;
	v55 =	vsel vm6, $0x1, v7;
	v10 =	vadd.s32 v53, v10  }
0x113: {  	v58 =	vld [tilespmem:s30+$0x0];
	vm8 =	vge.s32 v50, s6;
	v57 =	vsel vm7, $0x1, v7;
	v10 =	vadd.s32 v55, v10  }
0x114: {  	v59 =	vsel vm8, $0x1, v7;
	v10 =	vadd.s32 v57, v10;
	vm9 =	vge.s32 v9, s6;
	v9 =	vld [tilespmem:s31+$0x0]  }
0x115: {  	vm10 =	vge.s32 v11, s6;
	v11 =	vld [tilespmem:s1+$0x0];
	v10 =	vadd.s32 v59, v10;
	v60 =	vsel vm9, $0x1, v7  }
0x116: {  	vm11 =	vge.s32 v54, s6;
	v61 =	vsel vm10, $0x1, v7;
	v10 =	vadd.s32 v60, v10  }
0x117: {  	vm12 =	vge.s32 v56, s6;
	v12 =	vsel vm11, $0x1, v7;
	v10 =	vadd.s32 v61, v10  }
0x118: {  	vm13 =	vge.s32 v58, s6;
	v62 =	vsel vm12, $0x1, v7;
	v10 =	vadd.s32 v12, v10  }
0x119: {  	v63 =	vsel vm13, $0x1, v7;
	v10 =	vadd.s32 v62, v10;
	vm14 =	vge.s32 v9, s6  }
0x11a: {  	vm15 =	vge.s32 v11, s6;
	v9 =	vadd.s32 v63, v10;
	v10 =	vsel vm14, $0x1, v7  }
0x11b: {  	v9 =	vadd.s32 v10, v9;
	v10 =	vsel vm15, $0x1, v7  }
0x11c: {  	v9 =	vadd.s32 v10, v9  }
0x11d: {  	v10 =	vperm.xlane v9, v3;
	_ =	sdelay $0x1  }
0x11e: {  	v9 =	vadd.s32 v10, v9  }
0x11f: {  	v10 =	vperm.xlane v9, v0;
	_ =	sdelay $0x1  }
0x120: {  	v9 =	vadd.s32 v10, v9  }
0x121: {  	v10 =	vperm.xlane v9, v1;
	_ =	sdelay $0x1  }
0x122: {  	v9 =	vadd.s32 v10, v9  }
0x123: {  	v10 =	vperm.xlane v9, v2;
	_ =	sdelay $0x1  }
0x124: {  	v9 =	vadd.s32 v10, v9  }
0x125: {  	(v2sf) =	vpush v9, $0x0;
	_ =	sdelay $0xe  }
.Ltmp10:
0x126: {  	s9 =	spop (v2sf);
	(pc) =	sbr.rel .LBB2_8-.Ltmp10, $4  }
0x127: {  	s2 =	sadd.s32 $0xFFFFFFFF, s6;
	p0 =	sgt.s32 s9, $0x31  }
0x128: {  	p1 =	seq.s32 s9, $0x32;
	s14 =	smov.u32 @p0 s6;
	s2 =	smov.u32 @p0 s17  }
0x129: {  	[smem:$0x0] =	sst s14;
	s2 =	smov.u32 @p1 s6  }
0x12a: {  	[smem:$0x1] =	sst s2;
	s17 =	smov.u32 s2  }
.LBB2_12:
0x12b: {  	_ =	sfence.sel $0x180000  }
0x12c: {  	[bflag:$0x0] =	sbarrier.arrive $0xFFFF  }
0x12d: {  	_ =	strace $0x90000047  }
0x12e: {  	s0 =	stileid.u32;
	[bflag:$0x2] =	sbarrier.arrive $0xFFFF  }
0x12f: {  	p0 =	sne.s32 s0, $0x0;
	s0 =	rddreg [dreg:$0x2]  }
0x130: {  	s0 =	sadd.s32 @!p0 $0x100000, s0  }
0x131: {  	[sflag:s0] =	ssyncadd.tile.s32 @!p0 $0x1;
	_ =	shalt  }
.Lfunc_end2:
_tile_overlayer_lowered:
.L_overlay_start_2:
0x132: {  	(tag) =	ssettag $0x2  }
0x133: {  	s0 =	rddreg [dreg:$0x0];
	s2 =	stileid.u32  }
0x134: {  	s1 =	rddreg [dreg:$0x1];
	p0 =	sne.s32 s2, $0x0  }
0x135: {  	s3 =	rddreg [dreg:$0x2];
	[bflag:$0x3] =	sbarrier.arrive $0xFFFF;
	s2 =	simm.s32 @!p0 $0x1C01  }
0x136: {  	[timem:s3], [sflag:s2] =	dma.local @!p0 [hbm:s0], s1  }
0x137: {  	s0 =	simm.s32 @!p0 $0x1  }
0x138: {  	_ =	swait.ge @!p0 [sflag:s0], s1  }
0x139: {  	s1 =	ssub.s32 @!p0 $0x0, s1;
	[sflag:s0] =	ssyncset.done @!p0 $0x0  }
0x13a: {  	[sflag:s0] =	ssyncadd.s32 @!p0 s1  }
0x13b: {  	[bflag:$0x3] =	sbarrier.arrive $0xFFFF  }
0x13c: {  	_ =	shalt  }

</sc_bundles>
